<compile_context>
chip_gen: v7x
topology: tpu7x:2x2x1
jax: 0.10.2.dev20260603
libtpu: 0.0.44.dev20260713+nightly
codegen_flags: <defaults>
</compile_context>

<pallas_src>
import functools

import jax
import jax.numpy as jnp
from jax import lax
from jax.experimental import pallas as pl
from jax.experimental.pallas import tpu as pltpu
from jax.experimental.pallas import tpu_sc as plsc

N = 10000
E = 320000
D = 128

NC = 2
NS = 16
NW = NC * NS
EPW = E // NW
CH = 80
NHALF = 63
NCHUNK = 2 * NHALF
EPWP = NCHUNK * CH
NP = N + 128
WSTRIDE = 624
WROWS = 640

_SC_MESH = plsc.VectorSubcoreMesh(core_axis_name="c", subcore_axis_name="s")


@functools.partial(
    pl.kernel,
    out_type=jax.ShapeDtypeStruct((NC, N, D), jnp.float32),
    mesh=_SC_MESH,
    scratch_types=[
        pltpu.VMEM((NHALF, CH), jnp.int32),
        pltpu.VMEM((NHALF, CH), jnp.int32),
        pltpu.VMEM((CH, D), jnp.float32),
        pltpu.VMEM((CH, D), jnp.float32),
        pltpu.VMEM_SHARED((N, D), jnp.float32),
        pltpu.SemaphoreType.DMA,
        pltpu.SemaphoreType.DMA,
    ],
)
def _segsum(h_hbm, src_hbm, dst_hbm, out_hbm, src_all, dst_all, rows0, rows1,
            acc_sh, sem0, sem1):
    c = lax.axis_index("c")
    s = lax.axis_index("s")
    wid = s * NC + c
    row0 = jnp.minimum(s * WSTRIDE, N - WROWS)

    zero16 = jnp.zeros((16,), jnp.float32)

    def zrow(i, carry):
        for j in range(D // 16):
            rows0[i, pl.ds(j * 16, 16)] = zero16
        return carry

    lax.fori_loop(0, CH, zrow, 0)
    for k in range(WROWS // CH):
        pltpu.sync_copy(rows0, acc_sh.at[pl.ds(row0 + k * CH, CH)])
    plsc.subcore_barrier()

    def chunk_pair(i, carry):
        j0 = 2 * i
        d1 = pltpu.async_copy(h_hbm.at[src_all.at[j0 + 1]], rows1, sem1)
        pltpu.sync_copy(rows0, acc_sh.at[dst_all.at[j0]], add=True)
        d0 = pltpu.async_copy(h_hbm.at[src_all.at[j0 + 2]], rows0, sem0)
        d1.wait()
        pltpu.sync_copy(rows1, acc_sh.at[dst_all.at[j0 + 1]], add=True)
        d0.wait()
        return carry

    for half in range(2):
        pltpu.sync_copy(src_hbm.at[wid, half], src_all)
        pltpu.sync_copy(dst_hbm.at[wid, half], dst_all)
        pltpu.async_copy(h_hbm.at[src_all.at[0]], rows0, sem0).wait()
        lax.fori_loop(0, (NHALF - 1) // 2, chunk_pair, 0)
        pltpu.sync_copy(rows0, acc_sh.at[dst_all.at[NHALF - 1]], add=True)
    plsc.subcore_barrier()

    for k in range(WROWS // CH):
        pltpu.sync_copy(acc_sh.at[pl.ds(row0 + k * CH, CH)], rows0)
        pltpu.sync_copy(rows0, out_hbm.at[c, pl.ds(row0 + k * CH, CH)])


def _res_body(h_ref, Wr_ref, br_ref, o_ref):
    o_ref[...] = jnp.maximum(
        jnp.dot(h_ref[pl.ds(0, N), :], Wr_ref[...],
                preferred_element_type=jnp.float32) + br_ref[...], 0.0)


def _bn_combine(p_ref, res_ref, W_ref, b_ref, g_ref, be_ref):
    agg = p_ref[0] + p_ref[1]
    out = jnp.maximum(
        jnp.dot(agg, W_ref[...], preferred_element_type=jnp.float32)
        + b_ref[...], 0.0)
    out = out + res_ref[...]
    mu = jnp.mean(out, axis=0, keepdims=True)
    var = jnp.mean((out - mu) ** 2, axis=0, keepdims=True)
    return g_ref[...] * (out - mu) * lax.rsqrt(var + 1e-5) + be_ref[...]


def _comb1_body(p_ref, res_ref, W_ref, b_ref, g_ref, be_ref, o_ref):
    o_ref[pl.ds(0, N), :] = _bn_combine(p_ref, res_ref, W_ref, b_ref, g_ref,
                                        be_ref)
    o_ref[pl.ds(N, NP - N), :] = jnp.zeros((NP - N, D), jnp.float32)


def _comb2_body(p_ref, res_ref, W_ref, b_ref, g_ref, be_ref, watt_ref,
                batt_ref, o_ref):
    h2 = _bn_combine(p_ref, res_ref, W_ref, b_ref, g_ref, be_ref)
    logit = jnp.sum(h2 * watt_ref[...], axis=1, keepdims=True) + batt_ref[...]
    wgt = 1.0 / (1.0 + jnp.exp(-logit))
    hsum = jnp.sum(wgt * h2, axis=0, keepdims=True)
    hmax = jnp.max(h2, axis=0, keepdims=True)
    o_ref[...] = jnp.concatenate([hsum, hmax], axis=1)


_resk = pl.pallas_call(
    _res_body,
    out_shape=jax.ShapeDtypeStruct((N, D), jnp.float32),
)

_comb1 = pl.pallas_call(
    _comb1_body,
    out_shape=jax.ShapeDtypeStruct((NP, D), jnp.float32),
)

_comb2 = pl.pallas_call(
    _comb2_body,
    out_shape=jax.ShapeDtypeStruct((1, 2 * D), jnp.float32),
)


def kernel(x, edge_index, W1, b1, Wr1, br1, g1, be1, W2, b2, Wr2, br2, g2,
           be2, w_att, b_att):
    spad = (N + (jnp.arange(NW * (EPWP - EPW), dtype=jnp.int32)
                 % (NP - N))).reshape(NW, EPWP - EPW)
    src = jnp.concatenate([edge_index[0].reshape(NW, EPW), spad],
                          axis=1).reshape(NW, 2, NHALF, CH)
    dpad = (jnp.arange(NW * (EPWP - EPW), dtype=jnp.int32) % N).reshape(
        NW, EPWP - EPW)
    dst = jnp.concatenate([edge_index[1].reshape(NW, EPW), dpad],
                          axis=1).reshape(NW, 2, NHALF, CH)
    row = lambda v: v.reshape(1, -1)
    xp = jnp.pad(x, ((0, NP - N), (0, 0)))
    P1 = _segsum(xp, src, dst)
    res1 = _resk(xp, Wr1, row(br1))
    h1 = _comb1(P1, res1, W1, row(b1), row(g1), row(be1))
    P2 = _segsum(h1, src, dst)
    res2 = _resk(h1, Wr2, row(br2))
    return _comb2(P2, res2, W2, row(b2), row(g2), row(be2),
                  row(w_att), b_att.reshape(1, 1))

# --- scband reference (transcript-rebuilt; emitter-appended) ---
"""Pipeline reference for scband-gcn-9715216023825 (READ-ONLY COPY).

The authoritative reference and input builder live on the scoring server;
editing this copy changes nothing except your own understanding.
"""

import jax, jax.numpy as jnp
import numpy as np

N = 10000
E = 320000
D = 128
H = 128


def setup_inputs(seed: int = 0) -> dict:
    key = jax.random.key(seed)
    ks = jax.random.split(key, 20)
    inp = {}
    inp['x'] = jax.random.normal(ks[0], (N, D), dtype=jnp.float32)
    inp['edge_index'] = jax.random.randint(ks[1], (2, E), 0, N, dtype=jnp.int32)
    # Layer 1 params (GraphConv W/b, residual Linear, BatchNorm gamma/beta)
    inp['W1'] = jax.random.normal(ks[2], (D, H), dtype=jnp.float32) * 0.05
    inp['b1'] = jnp.zeros((H,), dtype=jnp.float32)
    inp['Wr1'] = jax.random.normal(ks[3], (D, H), dtype=jnp.float32) * 0.05
    inp['br1'] = jnp.zeros((H,), dtype=jnp.float32)
    inp['g1'] = jnp.ones((H,), dtype=jnp.float32)
    inp['be1'] = jnp.zeros((H,), dtype=jnp.float32)
    # Layer 2 params
    inp['W2'] = jax.random.normal(ks[4], (H, H), dtype=jnp.float32) * 0.05
    inp['b2'] = jnp.zeros((H,), dtype=jnp.float32)
    inp['Wr2'] = jax.random.normal(ks[5], (H, H), dtype=jnp.float32) * 0.05
    inp['br2'] = jnp.zeros((H,), dtype=jnp.float32)
    inp['g2'] = jnp.ones((H,), dtype=jnp.float32)
    inp['be2'] = jnp.zeros((H,), dtype=jnp.float32)
    # WeightedSumAndMax readout: atom weighting linear (H -> 1)
    inp['w_att'] = jax.random.normal(ks[6], (H, 1), dtype=jnp.float32) * 0.05
    inp['b_att'] = jnp.zeros((1,), dtype=jnp.float32)
    return inp


def _batchnorm(h, gamma, beta):
    mu = jnp.mean(h, axis=0)
    var = jnp.var(h, axis=0)
    return gamma * (h - mu) / jnp.sqrt(var + 1e-5) + beta


def reference(x, edge_index, W1, b1, Wr1, br1, g1, be1, W2, b2, Wr2, br2, g2, be2, w_att, b_att):
    src = edge_index[0]
    dst = edge_index[1]

    def gcn_layer(h, W, b, Wr, br, gamma, beta):
        # GraphConv norm='none': sum-aggregate messages (copy_u, sum) then linear
        agg = jax.ops.segment_sum(h[src], dst, num_segments=N)
        out = jax.nn.relu(agg @ W + b)
        # residual connection with activation
        res = jax.nn.relu(h @ Wr + br)
        out = out + res
        # dropout p=0 -> identity; batchnorm (training-mode batch stats)
        return _batchnorm(out, gamma, beta)

    h = gcn_layer(x, W1, b1, Wr1, br1, g1, be1)
    h = gcn_layer(h, W2, b2, Wr2, br2, g2, be2)
    # WeightedSumAndMax readout over the single graph
    w = jax.nn.sigmoid(h @ w_att + b_att)  # [N, 1]
    h_sum = jnp.sum(w * h, axis=0, keepdims=True)  # [1, H]
    h_max = jnp.max(h, axis=0, keepdims=True)      # [1, H]
    return jnp.concatenate([h_sum, h_max], axis=1)  # [1, 2H]

if __name__ == "__main__":
    import jax
    _d = setup_inputs()
    print(jax.jit(kernel)(*tuple(_d.values())))

</pallas_src>

<mosaic_0001>
#map = affine_map<(d0, d1) -> (0, 0)>
#map1 = affine_map<(d0, d1) -> (0, 0, 0, 0)>
#map2 = affine_map<(d0, d1) -> (0, 0, 0)>
module attributes {stable_mosaic.version = 14 : i64} {
  func.func @_segsum(%arg0: i32, %arg1: i32, %arg2: memref<10128x128xf32, #tpu.memory_space<hbm>>, %arg3: memref<32x2x63x80xi32, #tpu.memory_space<hbm>>, %arg4: memref<32x2x63x80xi32, #tpu.memory_space<hbm>>, %arg5: memref<2x10000x128xf32, #tpu.memory_space<hbm>>, %arg6: memref<63x80xi32, #tpu.memory_space<vmem>>, %arg7: memref<63x80xi32, #tpu.memory_space<vmem>>, %arg8: memref<80x128xf32, #tpu.memory_space<vmem>>, %arg9: memref<80x128xf32, #tpu.memory_space<vmem>>, %arg10: memref<10000x128xf32, #tpu.memory_space<vmem_shared>>, %arg11: memref<!tpu.dma_semaphore, #tpu.memory_space<semaphore_mem>>, %arg12: memref<!tpu.dma_semaphore, #tpu.memory_space<semaphore_mem>>) attributes {dimension_semantics = [#tpu.dimension_semantics<core_parallel>, #tpu.dimension_semantics<subcore_parallel>], iteration_bounds = array<i64: 2, 16>, scalar_prefetch = 0 : i64, scratch_operands = 7 : i64, tpu.core_type = #tpu.core_type<sc_vector_subcore>, window_params = [{transform_indices = #map}, {transform_indices = #map1}, {transform_indices = #map1}, {transform_indices = #map2}]} {
    %mul3A = arith.constant 2 : i32
    %mul3A_0 = arith.muli %arg1, %mul3A : i32
    %add3A = arith.addi %mul3A_0, %arg0 : i32
    %mul3A_1 = arith.constant 624 : i32
    %mul3A_2 = arith.muli %arg1, %mul3A_1 : i32
    %min3A = arith.constant 9360 : i32
    %min3A_3 = arith.minsi %mul3A_2, %min3A : i32
    %broadcast_in_dim3A = arith.constant 0.000000e+00 : f32
    %broadcast_in_dim3A_4 = vector.broadcast %broadcast_in_dim3A : f32 to vector<16xf32>
    %scan3A = arith.constant 0 : i32
    %scan3A_5 = arith.constant 0 : i32
    %scan3A_6 = arith.constant 80 : i32
    %scan3A_7 = arith.addi %scan3A_5, %scan3A_6 : i32
    %scan3A_8 = arith.constant 1 : i32
    scf.for %scan3A_102 = %scan3A_5 to %scan3A_7 step %scan3A_8  : i32 {
      %swap3A = arith.index_cast %scan3A_102 : i32 to index
      %swap3A_103 = arith.constant 0 : index
      %swap3A_104 = tpu.vector_load %arg8[%swap3A, %swap3A_103] {strides = array<i32>} : memref<80x128xf32, #tpu.memory_space<vmem>>, vector<1x16xf32>,
      %swap3A_105 = vector.shape_cast %swap3A_104 : vector<1x16xf32> to vector<16xf32>
      %swap3A_106 = vector.shape_cast %broadcast_in_dim3A_4 : vector<16xf32> to vector<1x16xf32>
      tpu.vector_store %arg8[%swap3A, %swap3A_103], %swap3A_106 {strides = array<i32>} : memref<80x128xf32, #tpu.memory_space<vmem>>, vector<1x16xf32>,
      %swap3A_107 = arith.index_cast %scan3A_102 : i32 to index
      %swap3A_108 = arith.constant 16 : index
      %swap3A_109 = tpu.vector_load %arg8[%swap3A_107, %swap3A_108] {strides = array<i32>} : memref<80x128xf32, #tpu.memory_space<vmem>>, vector<1x16xf32>,
      %swap3A_110 = vector.shape_cast %swap3A_109 : vector<1x16xf32> to vector<16xf32>
      %swap3A_111 = vector.shape_cast %broadcast_in_dim3A_4 : vector<16xf32> to vector<1x16xf32>
      tpu.vector_store %arg8[%swap3A_107, %swap3A_108], %swap3A_111 {strides = array<i32>} : memref<80x128xf32, #tpu.memory_space<vmem>>, vector<1x16xf32>,
      %swap3A_112 = arith.index_cast %scan3A_102 : i32 to index
      %swap3A_113 = arith.constant 32 : index
      %swap3A_114 = tpu.vector_load %arg8[%swap3A_112, %swap3A_113] {strides = array<i32>} : memref<80x128xf32, #tpu.memory_space<vmem>>, vector<1x16xf32>,
      %swap3A_115 = vector.shape_cast %swap3A_114 : vector<1x16xf32> to vector<16xf32>
      %swap3A_116 = vector.shape_cast %broadcast_in_dim3A_4 : vector<16xf32> to vector<1x16xf32>
      tpu.vector_store %arg8[%swap3A_112, %swap3A_113], %swap3A_116 {strides = array<i32>} : memref<80x128xf32, #tpu.memory_space<vmem>>, vector<1x16xf32>,
      %swap3A_117 = arith.index_cast %scan3A_102 : i32 to index
      %swap3A_118 = arith.constant 48 : index
      %swap3A_119 = tpu.vector_load %arg8[%swap3A_117, %swap3A_118] {strides = array<i32>} : memref<80x128xf32, #tpu.memory_space<vmem>>, vector<1x16xf32>,
      %swap3A_120 = vector.shape_cast %swap3A_119 : vector<1x16xf32> to vector<16xf32>
      %swap3A_121 = vector.shape_cast %broadcast_in_dim3A_4 : vector<16xf32> to vector<1x16xf32>
      tpu.vector_store %arg8[%swap3A_117, %swap3A_118], %swap3A_121 {strides = array<i32>} : memref<80x128xf32, #tpu.memory_space<vmem>>, vector<1x16xf32>,
      %swap3A_122 = arith.index_cast %scan3A_102 : i32 to index
      %swap3A_123 = arith.constant 64 : index
      %swap3A_124 = tpu.vector_load %arg8[%swap3A_122, %swap3A_123] {strides = array<i32>} : memref<80x128xf32, #tpu.memory_space<vmem>>, vector<1x16xf32>,
      %swap3A_125 = vector.shape_cast %swap3A_124 : vector<1x16xf32> to vector<16xf32>
      %swap3A_126 = vector.shape_cast %broadcast_in_dim3A_4 : vector<16xf32> to vector<1x16xf32>
      tpu.vector_store %arg8[%swap3A_122, %swap3A_123], %swap3A_126 {strides = array<i32>} : memref<80x128xf32, #tpu.memory_space<vmem>>, vector<1x16xf32>,
      %swap3A_127 = arith.index_cast %scan3A_102 : i32 to index
      %swap3A_128 = arith.constant 80 : index
      %swap3A_129 = tpu.vector_load %arg8[%swap3A_127, %swap3A_128] {strides = array<i32>} : memref<80x128xf32, #tpu.memory_space<vmem>>, vector<1x16xf32>,
      %swap3A_130 = vector.shape_cast %swap3A_129 : vector<1x16xf32> to vector<16xf32>
      %swap3A_131 = vector.shape_cast %broadcast_in_dim3A_4 : vector<16xf32> to vector<1x16xf32>
      tpu.vector_store %arg8[%swap3A_127, %swap3A_128], %swap3A_131 {strides = array<i32>} : memref<80x128xf32, #tpu.memory_space<vmem>>, vector<1x16xf32>,
      %swap3A_132 = arith.index_cast %scan3A_102 : i32 to index
      %swap3A_133 = arith.constant 96 : index
      %swap3A_134 = tpu.vector_load %arg8[%swap3A_132, %swap3A_133] {strides = array<i32>} : memref<80x128xf32, #tpu.memory_space<vmem>>, vector<1x16xf32>,
      %swap3A_135 = vector.shape_cast %swap3A_134 : vector<1x16xf32> to vector<16xf32>
      %swap3A_136 = vector.shape_cast %broadcast_in_dim3A_4 : vector<16xf32> to vector<1x16xf32>
      tpu.vector_store %arg8[%swap3A_132, %swap3A_133], %swap3A_136 {strides = array<i32>} : memref<80x128xf32, #tpu.memory_space<vmem>>, vector<1x16xf32>,
      %swap3A_137 = arith.index_cast %scan3A_102 : i32 to index
      %swap3A_138 = arith.constant 112 : index
      %swap3A_139 = tpu.vector_load %arg8[%swap3A_137, %swap3A_138] {strides = array<i32>} : memref<80x128xf32, #tpu.memory_space<vmem>>, vector<1x16xf32>,
      %swap3A_140 = vector.shape_cast %swap3A_139 : vector<1x16xf32> to vector<16xf32>
      %swap3A_141 = vector.shape_cast %broadcast_in_dim3A_4 : vector<16xf32> to vector<1x16xf32>
      tpu.vector_store %arg8[%swap3A_137, %swap3A_138], %swap3A_141 {strides = array<i32>} : memref<80x128xf32, #tpu.memory_space<vmem>>, vector<1x16xf32>,
    }
    %scan3A_9 = arith.constant 80 : i32
    %add3A_10 = arith.constant 0 : i32
    %add3A_11 = arith.addi %min3A_3, %add3A_10 : i32
    "tpu.region"() ({
      %run_scoped3A_102 = tpu.sem_alloc : memref<!tpu.dma_semaphore, #tpu.memory_space<semaphore_mem>>
      %dma_start3A_103 = arith.constant 0 : i32
      %dma_start3A_104 = tpu.memref_slice %arg10[%add3A_11, %dma_start3A_103] : memref<10000x128xf32, #tpu.memory_space<vmem_shared>> -> memref<80x128xf32, #tpu.memory_space<vmem_shared>>
      %dma_start3A_105 = arith.constant 0 : i32
      %dma_start3A_106 = tpu.memref_slice %arg10[%add3A_11, %dma_start3A_105] : memref<10000x128xf32, #tpu.memory_space<vmem_shared>> -> memref<80x128xf32, #tpu.memory_space<vmem_shared>>
      tpu.enqueue_dma source(%arg8 : memref<80x128xf32, #tpu.memory_space<vmem>>) target(%dma_start3A_106 : memref<80x128xf32, #tpu.memory_space<vmem_shared>>) target_semaphore(%run_scoped3A_102 : memref<!tpu.dma_semaphore, #tpu.memory_space<semaphore_mem>>)
      %dma_wait3A_107 = arith.constant 0 : i32
      %dma_wait3A_108 = tpu.memref_slice %arg10[%add3A_11, %dma_wait3A_107] : memref<10000x128xf32, #tpu.memory_space<vmem_shared>> -> memref<80x128xf32, #tpu.memory_space<vmem_shared>>
      %dma_wait3A_109 = arith.constant 0 : i32
      %dma_wait3A_110 = tpu.memref_slice %arg10[%add3A_11, %dma_wait3A_109] : memref<10000x128xf32, #tpu.memory_space<vmem_shared>> -> memref<80x128xf32, #tpu.memory_space<vmem_shared>>
      tpu.wait_dma2 semaphore(%run_scoped3A_102 : memref<!tpu.dma_semaphore, #tpu.memory_space<semaphore_mem>>) src(%arg8 : memref<80x128xf32, #tpu.memory_space<vmem>>) dst(%dma_wait3A_110 : memref<80x128xf32, #tpu.memory_space<vmem_shared>>)
      tpu.yield
    }) : () -> ()
    %add3A_12 = arith.constant 80 : i32
    %add3A_13 = arith.addi %min3A_3, %add3A_12 : i32
    "tpu.region"() ({
      %run_scoped3A_102 = tpu.sem_alloc : memref<!tpu.dma_semaphore, #tpu.memory_space<semaphore_mem>>
      %dma_start3A_103 = arith.constant 0 : i32
      %dma_start3A_104 = tpu.memref_slice %arg10[%add3A_13, %dma_start3A_103] : memref<10000x128xf32, #tpu.memory_space<vmem_shared>> -> memref<80x128xf32, #tpu.memory_space<vmem_shared>>
      %dma_start3A_105 = arith.constant 0 : i32
      %dma_start3A_106 = tpu.memref_slice %arg10[%add3A_13, %dma_start3A_105] : memref<10000x128xf32, #tpu.memory_space<vmem_shared>> -> memref<80x128xf32, #tpu.memory_space<vmem_shared>>
      tpu.enqueue_dma source(%arg8 : memref<80x128xf32, #tpu.memory_space<vmem>>) target(%dma_start3A_106 : memref<80x128xf32, #tpu.memory_space<vmem_shared>>) target_semaphore(%run_scoped3A_102 : memref<!tpu.dma_semaphore, #tpu.memory_space<semaphore_mem>>)
      %dma_wait3A_107 = arith.constant 0 : i32
      %dma_wait3A_108 = tpu.memref_slice %arg10[%add3A_13, %dma_wait3A_107] : memref<10000x128xf32, #tpu.memory_space<vmem_shared>> -> memref<80x128xf32, #tpu.memory_space<vmem_shared>>
      %dma_wait3A_109 = arith.constant 0 : i32
      %dma_wait3A_110 = tpu.memref_slice %arg10[%add3A_13, %dma_wait3A_109] : memref<10000x128xf32, #tpu.memory_space<vmem_shared>> -> memref<80x128xf32, #tpu.memory_space<vmem_shared>>
      tpu.wait_dma2 semaphore(%run_scoped3A_102 : memref<!tpu.dma_semaphore, #tpu.memory_space<semaphore_mem>>) src(%arg8 : memref<80x128xf32, #tpu.memory_space<vmem>>) dst(%dma_wait3A_110 : memref<80x128xf32, #tpu.memory_space<vmem_shared>>)
      tpu.yield
    }) : () -> ()
    %add3A_14 = arith.constant 160 : i32
    %add3A_15 = arith.addi %min3A_3, %add3A_14 : i32
    "tpu.region"() ({
      %run_scoped3A_102 = tpu.sem_alloc : memref<!tpu.dma_semaphore, #tpu.memory_space<semaphore_mem>>
      %dma_start3A_103 = arith.constant 0 : i32
      %dma_start3A_104 = tpu.memref_slice %arg10[%add3A_15, %dma_start3A_103] : memref<10000x128xf32, #tpu.memory_space<vmem_shared>> -> memref<80x128xf32, #tpu.memory_space<vmem_shared>>
      %dma_start3A_105 = arith.constant 0 : i32
      %dma_start3A_106 = tpu.memref_slice %arg10[%add3A_15, %dma_start3A_105] : memref<10000x128xf32, #tpu.memory_space<vmem_shared>> -> memref<80x128xf32, #tpu.memory_space<vmem_shared>>
      tpu.enqueue_dma source(%arg8 : memref<80x128xf32, #tpu.memory_space<vmem>>) target(%dma_start3A_106 : memref<80x128xf32, #tpu.memory_space<vmem_shared>>) target_semaphore(%run_scoped3A_102 : memref<!tpu.dma_semaphore, #tpu.memory_space<semaphore_mem>>)
      %dma_wait3A_107 = arith.constant 0 : i32
      %dma_wait3A_108 = tpu.memref_slice %arg10[%add3A_15, %dma_wait3A_107] : memref<10000x128xf32, #tpu.memory_space<vmem_shared>> -> memref<80x128xf32, #tpu.memory_space<vmem_shared>>
      %dma_wait3A_109 = arith.constant 0 : i32
      %dma_wait3A_110 = tpu.memref_slice %arg10[%add3A_15, %dma_wait3A_109] : memref<10000x128xf32, #tpu.memory_space<vmem_shared>> -> memref<80x128xf32, #tpu.memory_space<vmem_shared>>
      tpu.wait_dma2 semaphore(%run_scoped3A_102 : memref<!tpu.dma_semaphore, #tpu.memory_space<semaphore_mem>>) src(%arg8 : memref<80x128xf32, #tpu.memory_space<vmem>>) dst(%dma_wait3A_110 : memref<80x128xf32, #tpu.memory_space<vmem_shared>>)
      tpu.yield
    }) : () -> ()
    %add3A_16 = arith.constant 240 : i32
    %add3A_17 = arith.addi %min3A_3, %add3A_16 : i32
    "tpu.region"() ({
      %run_scoped3A_102 = tpu.sem_alloc : memref<!tpu.dma_semaphore, #tpu.memory_space<semaphore_mem>>
      %dma_start3A_103 = arith.constant 0 : i32
      %dma_start3A_104 = tpu.memref_slice %arg10[%add3A_17, %dma_start3A_103] : memref<10000x128xf32, #tpu.memory_space<vmem_shared>> -> memref<80x128xf32, #tpu.memory_space<vmem_shared>>
      %dma_start3A_105 = arith.constant 0 : i32
      %dma_start3A_106 = tpu.memref_slice %arg10[%add3A_17, %dma_start3A_105] : memref<10000x128xf32, #tpu.memory_space<vmem_shared>> -> memref<80x128xf32, #tpu.memory_space<vmem_shared>>
      tpu.enqueue_dma source(%arg8 : memref<80x128xf32, #tpu.memory_space<vmem>>) target(%dma_start3A_106 : memref<80x128xf32, #tpu.memory_space<vmem_shared>>) target_semaphore(%run_scoped3A_102 : memref<!tpu.dma_semaphore, #tpu.memory_space<semaphore_mem>>)
      %dma_wait3A_107 = arith.constant 0 : i32
      %dma_wait3A_108 = tpu.memref_slice %arg10[%add3A_17, %dma_wait3A_107] : memref<10000x128xf32, #tpu.memory_space<vmem_shared>> -> memref<80x128xf32, #tpu.memory_space<vmem_shared>>
      %dma_wait3A_109 = arith.constant 0 : i32
      %dma_wait3A_110 = tpu.memref_slice %arg10[%add3A_17, %dma_wait3A_109] : memref<10000x128xf32, #tpu.memory_space<vmem_shared>> -> memref<80x128xf32, #tpu.memory_space<vmem_shared>>
      tpu.wait_dma2 semaphore(%run_scoped3A_102 : memref<!tpu.dma_semaphore, #tpu.memory_space<semaphore_mem>>) src(%arg8 : memref<80x128xf32, #tpu.memory_space<vmem>>) dst(%dma_wait3A_110 : memref<80x128xf32, #tpu.memory_space<vmem_shared>>)
      tpu.yield
    }) : () -> ()
    %add3A_18 = arith.constant 320 : i32
    %add3A_19 = arith.addi %min3A_3, %add3A_18 : i32
    "tpu.region"() ({
      %run_scoped3A_102 = tpu.sem_alloc : memref<!tpu.dma_semaphore, #tpu.memory_space<semaphore_mem>>
      %dma_start3A_103 = arith.constant 0 : i32
      %dma_start3A_104 = tpu.memref_slice %arg10[%add3A_19, %dma_start3A_103] : memref<10000x128xf32, #tpu.memory_space<vmem_shared>> -> memref<80x128xf32, #tpu.memory_space<vmem_shared>>
      %dma_start3A_105 = arith.constant 0 : i32
      %dma_start3A_106 = tpu.memref_slice %arg10[%add3A_19, %dma_start3A_105] : memref<10000x128xf32, #tpu.memory_space<vmem_shared>> -> memref<80x128xf32, #tpu.memory_space<vmem_shared>>
      tpu.enqueue_dma source(%arg8 : memref<80x128xf32, #tpu.memory_space<vmem>>) target(%dma_start3A_106 : memref<80x128xf32, #tpu.memory_space<vmem_shared>>) target_semaphore(%run_scoped3A_102 : memref<!tpu.dma_semaphore, #tpu.memory_space<semaphore_mem>>)
      %dma_wait3A_107 = arith.constant 0 : i32
      %dma_wait3A_108 = tpu.memref_slice %arg10[%add3A_19, %dma_wait3A_107] : memref<10000x128xf32, #tpu.memory_space<vmem_shared>> -> memref<80x128xf32, #tpu.memory_space<vmem_shared>>
      %dma_wait3A_109 = arith.constant 0 : i32
      %dma_wait3A_110 = tpu.memref_slice %arg10[%add3A_19, %dma_wait3A_109] : memref<10000x128xf32, #tpu.memory_space<vmem_shared>> -> memref<80x128xf32, #tpu.memory_space<vmem_shared>>
      tpu.wait_dma2 semaphore(%run_scoped3A_102 : memref<!tpu.dma_semaphore, #tpu.memory_space<semaphore_mem>>) src(%arg8 : memref<80x128xf32, #tpu.memory_space<vmem>>) dst(%dma_wait3A_110 : memref<80x128xf32, #tpu.memory_space<vmem_shared>>)
      tpu.yield
    }) : () -> ()
    %add3A_20 = arith.constant 400 : i32
    %add3A_21 = arith.addi %min3A_3, %add3A_20 : i32
    "tpu.region"() ({
      %run_scoped3A_102 = tpu.sem_alloc : memref<!tpu.dma_semaphore, #tpu.memory_space<semaphore_mem>>
      %dma_start3A_103 = arith.constant 0 : i32
      %dma_start3A_104 = tpu.memref_slice %arg10[%add3A_21, %dma_start3A_103] : memref<10000x128xf32, #tpu.memory_space<vmem_shared>> -> memref<80x128xf32, #tpu.memory_space<vmem_shared>>
      %dma_start3A_105 = arith.constant 0 : i32
      %dma_start3A_106 = tpu.memref_slice %arg10[%add3A_21, %dma_start3A_105] : memref<10000x128xf32, #tpu.memory_space<vmem_shared>> -> memref<80x128xf32, #tpu.memory_space<vmem_shared>>
      tpu.enqueue_dma source(%arg8 : memref<80x128xf32, #tpu.memory_space<vmem>>) target(%dma_start3A_106 : memref<80x128xf32, #tpu.memory_space<vmem_shared>>) target_semaphore(%run_scoped3A_102 : memref<!tpu.dma_semaphore, #tpu.memory_space<semaphore_mem>>)
      %dma_wait3A_107 = arith.constant 0 : i32
      %dma_wait3A_108 = tpu.memref_slice %arg10[%add3A_21, %dma_wait3A_107] : memref<10000x128xf32, #tpu.memory_space<vmem_shared>> -> memref<80x128xf32, #tpu.memory_space<vmem_shared>>
      %dma_wait3A_109 = arith.constant 0 : i32
      %dma_wait3A_110 = tpu.memref_slice %arg10[%add3A_21, %dma_wait3A_109] : memref<10000x128xf32, #tpu.memory_space<vmem_shared>> -> memref<80x128xf32, #tpu.memory_space<vmem_shared>>
      tpu.wait_dma2 semaphore(%run_scoped3A_102 : memref<!tpu.dma_semaphore, #tpu.memory_space<semaphore_mem>>) src(%arg8 : memref<80x128xf32, #tpu.memory_space<vmem>>) dst(%dma_wait3A_110 : memref<80x128xf32, #tpu.memory_space<vmem_shared>>)
      tpu.yield
    }) : () -> ()
    %add3A_22 = arith.constant 480 : i32
    %add3A_23 = arith.addi %min3A_3, %add3A_22 : i32
    "tpu.region"() ({
      %run_scoped3A_102 = tpu.sem_alloc : memref<!tpu.dma_semaphore, #tpu.memory_space<semaphore_mem>>
      %dma_start3A_103 = arith.constant 0 : i32
      %dma_start3A_104 = tpu.memref_slice %arg10[%add3A_23, %dma_start3A_103] : memref<10000x128xf32, #tpu.memory_space<vmem_shared>> -> memref<80x128xf32, #tpu.memory_space<vmem_shared>>
      %dma_start3A_105 = arith.constant 0 : i32
      %dma_start3A_106 = tpu.memref_slice %arg10[%add3A_23, %dma_start3A_105] : memref<10000x128xf32, #tpu.memory_space<vmem_shared>> -> memref<80x128xf32, #tpu.memory_space<vmem_shared>>
      tpu.enqueue_dma source(%arg8 : memref<80x128xf32, #tpu.memory_space<vmem>>) target(%dma_start3A_106 : memref<80x128xf32, #tpu.memory_space<vmem_shared>>) target_semaphore(%run_scoped3A_102 : memref<!tpu.dma_semaphore, #tpu.memory_space<semaphore_mem>>)
      %dma_wait3A_107 = arith.constant 0 : i32
      %dma_wait3A_108 = tpu.memref_slice %arg10[%add3A_23, %dma_wait3A_107] : memref<10000x128xf32, #tpu.memory_space<vmem_shared>> -> memref<80x128xf32, #tpu.memory_space<vmem_shared>>
      %dma_wait3A_109 = arith.constant 0 : i32
      %dma_wait3A_110 = tpu.memref_slice %arg10[%add3A_23, %dma_wait3A_109] : memref<10000x128xf32, #tpu.memory_space<vmem_shared>> -> memref<80x128xf32, #tpu.memory_space<vmem_shared>>
      tpu.wait_dma2 semaphore(%run_scoped3A_102 : memref<!tpu.dma_semaphore, #tpu.memory_space<semaphore_mem>>) src(%arg8 : memref<80x128xf32, #tpu.memory_space<vmem>>) dst(%dma_wait3A_110 : memref<80x128xf32, #tpu.memory_space<vmem_shared>>)
      tpu.yield
    }) : () -> ()
    %add3A_24 = arith.constant 560 : i32
    %add3A_25 = arith.addi %min3A_3, %add3A_24 : i32
    "tpu.region"() ({
      %run_scoped3A_102 = tpu.sem_alloc : memref<!tpu.dma_semaphore, #tpu.memory_space<semaphore_mem>>
      %dma_start3A_103 = arith.constant 0 : i32
      %dma_start3A_104 = tpu.memref_slice %arg10[%add3A_25, %dma_start3A_103] : memref<10000x128xf32, #tpu.memory_space<vmem_shared>> -> memref<80x128xf32, #tpu.memory_space<vmem_shared>>
      %dma_start3A_105 = arith.constant 0 : i32
      %dma_start3A_106 = tpu.memref_slice %arg10[%add3A_25, %dma_start3A_105] : memref<10000x128xf32, #tpu.memory_space<vmem_shared>> -> memref<80x128xf32, #tpu.memory_space<vmem_shared>>
      tpu.enqueue_dma source(%arg8 : memref<80x128xf32, #tpu.memory_space<vmem>>) target(%dma_start3A_106 : memref<80x128xf32, #tpu.memory_space<vmem_shared>>) target_semaphore(%run_scoped3A_102 : memref<!tpu.dma_semaphore, #tpu.memory_space<semaphore_mem>>)
      %dma_wait3A_107 = arith.constant 0 : i32
      %dma_wait3A_108 = tpu.memref_slice %arg10[%add3A_25, %dma_wait3A_107] : memref<10000x128xf32, #tpu.memory_space<vmem_shared>> -> memref<80x128xf32, #tpu.memory_space<vmem_shared>>
      %dma_wait3A_109 = arith.constant 0 : i32
      %dma_wait3A_110 = tpu.memref_slice %arg10[%add3A_25, %dma_wait3A_109] : memref<10000x128xf32, #tpu.memory_space<vmem_shared>> -> memref<80x128xf32, #tpu.memory_space<vmem_shared>>
      tpu.wait_dma2 semaphore(%run_scoped3A_102 : memref<!tpu.dma_semaphore, #tpu.memory_space<semaphore_mem>>) src(%arg8 : memref<80x128xf32, #tpu.memory_space<vmem>>) dst(%dma_wait3A_110 : memref<80x128xf32, #tpu.memory_space<vmem_shared>>)
      tpu.yield
    }) : () -> ()
    %barrier3A = arith.constant 0 : index
    tpu.barrier barrier_id(%barrier3A)
    %run_scoped3A = arith.constant 0 : i32
    "tpu.region"() ({
      %run_scoped3A_102 = tpu.sem_alloc : memref<!tpu.dma_semaphore, #tpu.memory_space<semaphore_mem>>
      %dma_start3A_103 = arith.constant 0 : i32
      %dma_start3A_104 = arith.constant 0 : i32
      %dma_start3A_105 = tpu.memref_slice %arg3[%add3A, %run_scoped3A, %dma_start3A_103, %dma_start3A_104] : memref<32x2x63x80xi32, #tpu.memory_space<hbm>> -> memref<1x1x63x80xi32, #tpu.memory_space<hbm>>
      %dma_start3A_106 = tpu.memref_squeeze %dma_start3A_105 : memref<1x1x63x80xi32, #tpu.memory_space<hbm>> -> memref<63x80xi32, #tpu.memory_space<hbm>>
      %dma_start3A_107 = arith.constant 0 : i32
      %dma_start3A_108 = arith.constant 0 : i32
      %dma_start3A_109 = tpu.memref_slice %arg3[%add3A, %run_scoped3A, %dma_start3A_107, %dma_start3A_108] : memref<32x2x63x80xi32, #tpu.memory_space<hbm>> -> memref<1x1x63x80xi32, #tpu.memory_space<hbm>>
      %dma_start3A_110 = tpu.memref_squeeze %dma_start3A_109 : memref<1x1x63x80xi32, #tpu.memory_space<hbm>> -> memref<63x80xi32, #tpu.memory_space<hbm>>
      tpu.enqueue_dma source(%dma_start3A_110 : memref<63x80xi32, #tpu.memory_space<hbm>>) target(%arg6 : memref<63x80xi32, #tpu.memory_space<vmem>>) target_semaphore(%run_scoped3A_102 : memref<!tpu.dma_semaphore, #tpu.memory_space<semaphore_mem>>)
      %dma_wait3A_111 = arith.constant 0 : i32
      %dma_wait3A_112 = arith.constant 0 : i32
      %dma_wait3A_113 = tpu.memref_slice %arg3[%add3A, %run_scoped3A, %dma_wait3A_111, %dma_wait3A_112] : memref<32x2x63x80xi32, #tpu.memory_space<hbm>> -> memref<1x1x63x80xi32, #tpu.memory_space<hbm>>
      %dma_wait3A_114 = tpu.memref_squeeze %dma_wait3A_113 : memref<1x1x63x80xi32, #tpu.memory_space<hbm>> -> memref<63x80xi32, #tpu.memory_space<hbm>>
      %dma_wait3A_115 = arith.constant 0 : i32
      %dma_wait3A_116 = arith.constant 0 : i32
      %dma_wait3A_117 = tpu.memref_slice %arg3[%add3A, %run_scoped3A, %dma_wait3A_115, %dma_wait3A_116] : memref<32x2x63x80xi32, #tpu.memory_space<hbm>> -> memref<1x1x63x80xi32, #tpu.memory_space<hbm>>
      %dma_wait3A_118 = tpu.memref_squeeze %dma_wait3A_117 : memref<1x1x63x80xi32, #tpu.memory_space<hbm>> -> memref<63x80xi32, #tpu.memory_space<hbm>>
      tpu.wait_dma2 semaphore(%run_scoped3A_102 : memref<!tpu.dma_semaphore, #tpu.memory_space<semaphore_mem>>) src(%dma_wait3A_118 : memref<63x80xi32, #tpu.memory_space<hbm>>) dst(%arg6 : memref<63x80xi32, #tpu.memory_space<vmem>>)
      tpu.yield
    }) : () -> ()
    %run_scoped3A_26 = arith.constant 0 : i32
    "tpu.region"() ({
      %run_scoped3A_102 = tpu.sem_alloc : memref<!tpu.dma_semaphore, #tpu.memory_space<semaphore_mem>>
      %dma_start3A_103 = arith.constant 0 : i32
      %dma_start3A_104 = arith.constant 0 : i32
      %dma_start3A_105 = tpu.memref_slice %arg4[%add3A, %run_scoped3A_26, %dma_start3A_103, %dma_start3A_104] : memref<32x2x63x80xi32, #tpu.memory_space<hbm>> -> memref<1x1x63x80xi32, #tpu.memory_space<hbm>>
      %dma_start3A_106 = tpu.memref_squeeze %dma_start3A_105 : memref<1x1x63x80xi32, #tpu.memory_space<hbm>> -> memref<63x80xi32, #tpu.memory_space<hbm>>
      %dma_start3A_107 = arith.constant 0 : i32
      %dma_start3A_108 = arith.constant 0 : i32
      %dma_start3A_109 = tpu.memref_slice %arg4[%add3A, %run_scoped3A_26, %dma_start3A_107, %dma_start3A_108] : memref<32x2x63x80xi32, #tpu.memory_space<hbm>> -> memref<1x1x63x80xi32, #tpu.memory_space<hbm>>
      %dma_start3A_110 = tpu.memref_squeeze %dma_start3A_109 : memref<1x1x63x80xi32, #tpu.memory_space<hbm>> -> memref<63x80xi32, #tpu.memory_space<hbm>>
      tpu.enqueue_dma source(%dma_start3A_110 : memref<63x80xi32, #tpu.memory_space<hbm>>) target(%arg7 : memref<63x80xi32, #tpu.memory_space<vmem>>) target_semaphore(%run_scoped3A_102 : memref<!tpu.dma_semaphore, #tpu.memory_space<semaphore_mem>>)
      %dma_wait3A_111 = arith.constant 0 : i32
      %dma_wait3A_112 = arith.constant 0 : i32
      %dma_wait3A_113 = tpu.memref_slice %arg4[%add3A, %run_scoped3A_26, %dma_wait3A_111, %dma_wait3A_112] : memref<32x2x63x80xi32, #tpu.memory_space<hbm>> -> memref<1x1x63x80xi32, #tpu.memory_space<hbm>>
      %dma_wait3A_114 = tpu.memref_squeeze %dma_wait3A_113 : memref<1x1x63x80xi32, #tpu.memory_space<hbm>> -> memref<63x80xi32, #tpu.memory_space<hbm>>
      %dma_wait3A_115 = arith.constant 0 : i32
      %dma_wait3A_116 = arith.constant 0 : i32
      %dma_wait3A_117 = tpu.memref_slice %arg4[%add3A, %run_scoped3A_26, %dma_wait3A_115, %dma_wait3A_116] : memref<32x2x63x80xi32, #tpu.memory_space<hbm>> -> memref<1x1x63x80xi32, #tpu.memory_space<hbm>>
      %dma_wait3A_118 = tpu.memref_squeeze %dma_wait3A_117 : memref<1x1x63x80xi32, #tpu.memory_space<hbm>> -> memref<63x80xi32, #tpu.memory_space<hbm>>
      tpu.wait_dma2 semaphore(%run_scoped3A_102 : memref<!tpu.dma_semaphore, #tpu.memory_space<semaphore_mem>>) src(%dma_wait3A_118 : memref<63x80xi32, #tpu.memory_space<hbm>>) dst(%arg7 : memref<63x80xi32, #tpu.memory_space<vmem>>)
      tpu.yield
    }) : () -> ()
    %dma_start3A = arith.constant 0 : i32
    %dma_start3A_27 = arith.constant 0 : i32
    %dma_start3A_28 = tpu.memref_slice %arg6[%dma_start3A, %dma_start3A_27] : memref<63x80xi32, #tpu.memory_space<vmem>> -> memref<1x80xi32, #tpu.memory_space<vmem>>
    %dma_start3A_29 = tpu.memref_squeeze %dma_start3A_28 : memref<1x80xi32, #tpu.memory_space<vmem>> -> memref<80xi32, #tpu.memory_space<vmem>>
    %dma_start3A_30 = arith.constant 0 : i32
    %dma_start3A_31 = arith.constant 0 : i32
    %dma_start3A_32 = tpu.memref_slice %arg2[%dma_start3A_30, %dma_start3A_31] : memref<10128x128xf32, #tpu.memory_space<hbm>> -> memref<10128x128xf32, #tpu.memory_space<hbm>>
    tpu.enqueue_indirect_dma source(%dma_start3A_32 : memref<10128x128xf32, #tpu.memory_space<hbm>>) target(%arg8 : memref<80x128xf32, #tpu.memory_space<vmem>>) offsets(%dma_start3A_29 : memref<80xi32, #tpu.memory_space<vmem>>) semaphore(%arg11 : memref<!tpu.dma_semaphore, #tpu.memory_space<semaphore_mem>>)
    %dma_wait3A = arith.constant 0 : i32
    %dma_wait3A_33 = arith.constant 0 : i32
    %dma_wait3A_34 = tpu.memref_slice %arg6[%dma_wait3A, %dma_wait3A_33] : memref<63x80xi32, #tpu.memory_space<vmem>> -> memref<1x80xi32, #tpu.memory_space<vmem>>
    %dma_wait3A_35 = tpu.memref_squeeze %dma_wait3A_34 : memref<1x80xi32, #tpu.memory_space<vmem>> -> memref<80xi32, #tpu.memory_space<vmem>>
    %dma_wait3A_36 = arith.constant 0 : i32
    %dma_wait3A_37 = arith.constant 0 : i32
    %dma_wait3A_38 = tpu.memref_slice %arg2[%dma_wait3A_36, %dma_wait3A_37] : memref<10128x128xf32, #tpu.memory_space<hbm>> -> memref<10128x128xf32, #tpu.memory_space<hbm>>
    tpu.wait_indirect_dma semaphore(%arg11 : memref<!tpu.dma_semaphore, #tpu.memory_space<semaphore_mem>>) src(%dma_wait3A_38 : memref<10128x128xf32, #tpu.memory_space<hbm>>) dst(%arg8 : memref<80x128xf32, #tpu.memory_space<vmem>>)
    %scan3A_39 = arith.constant 0 : i32
    %scan3A_40 = arith.constant 0 : i32
    %scan3A_41 = arith.constant 31 : i32
    %scan3A_42 = arith.addi %scan3A_40, %scan3A_41 : i32
    %scan3A_43 = arith.constant 1 : i32
    scf.for %scan3A_102 = %scan3A_40 to %scan3A_42 step %scan3A_43  : i32 {
      %mul3A_103 = arith.constant 2 : i32
      %mul3A_104 = arith.muli %mul3A_103, %scan3A_102 : i32
      %add3A_105 = arith.constant 1 : i32
      %add3A_106 = arith.addi %mul3A_104, %add3A_105 : i32
      %dma_start3A_107 = arith.constant 0 : i32
      %dma_start3A_108 = tpu.memref_slice %arg6[%add3A_106, %dma_start3A_107] : memref<63x80xi32, #tpu.memory_space<vmem>> -> memref<1x80xi32, #tpu.memory_space<vmem>>
      %dma_start3A_109 = tpu.memref_squeeze %dma_start3A_108 : memref<1x80xi32, #tpu.memory_space<vmem>> -> memref<80xi32, #tpu.memory_space<vmem>>
      %dma_start3A_110 = arith.constant 0 : i32
      %dma_start3A_111 = arith.constant 0 : i32
      %dma_start3A_112 = tpu.memref_slice %arg2[%dma_start3A_110, %dma_start3A_111] : memref<10128x128xf32, #tpu.memory_space<hbm>> -> memref<10128x128xf32, #tpu.memory_space<hbm>>
      tpu.enqueue_indirect_dma source(%dma_start3A_112 : memref<10128x128xf32, #tpu.memory_space<hbm>>) target(%arg9 : memref<80x128xf32, #tpu.memory_space<vmem>>) offsets(%dma_start3A_109 : memref<80xi32, #tpu.memory_space<vmem>>) semaphore(%arg12 : memref<!tpu.dma_semaphore, #tpu.memory_space<semaphore_mem>>)
      "tpu.region"() ({
        %run_scoped3A_135 = tpu.sem_alloc : memref<!tpu.dma_semaphore, #tpu.memory_space<semaphore_mem>>
        %dma_start3A_136 = arith.constant 0 : i32
        %dma_start3A_137 = tpu.memref_slice %arg7[%mul3A_104, %dma_start3A_136] : memref<63x80xi32, #tpu.memory_space<vmem>> -> memref<1x80xi32, #tpu.memory_space<vmem>>
        %dma_start3A_138 = tpu.memref_squeeze %dma_start3A_137 : memref<1x80xi32, #tpu.memory_space<vmem>> -> memref<80xi32, #tpu.memory_space<vmem>>
        %dma_start3A_139 = arith.constant 0 : i32
        %dma_start3A_140 = arith.constant 0 : i32
        %dma_start3A_141 = tpu.memref_slice %arg10[%dma_start3A_139, %dma_start3A_140] : memref<10000x128xf32, #tpu.memory_space<vmem_shared>> -> memref<10000x128xf32, #tpu.memory_space<vmem_shared>>
        tpu.enqueue_indirect_dma source(%arg8 : memref<80x128xf32, #tpu.memory_space<vmem>>) target(%dma_start3A_141 : memref<10000x128xf32, #tpu.memory_space<vmem_shared>>) offsets(%dma_start3A_138 : memref<80xi32, #tpu.memory_space<vmem>>) semaphore(%run_scoped3A_135 : memref<!tpu.dma_semaphore, #tpu.memory_space<semaphore_mem>>) {add = true}
        %dma_wait3A_142 = arith.constant 0 : i32
        %dma_wait3A_143 = tpu.memref_slice %arg7[%mul3A_104, %dma_wait3A_142] : memref<63x80xi32, #tpu.memory_space<vmem>> -> memref<1x80xi32, #tpu.memory_space<vmem>>
        %dma_wait3A_144 = tpu.memref_squeeze %dma_wait3A_143 : memref<1x80xi32, #tpu.memory_space<vmem>> -> memref<80xi32, #tpu.memory_space<vmem>>
        %dma_wait3A_145 = arith.constant 0 : i32
        %dma_wait3A_146 = arith.constant 0 : i32
        %dma_wait3A_147 = tpu.memref_slice %arg10[%dma_wait3A_145, %dma_wait3A_146] : memref<10000x128xf32, #tpu.memory_space<vmem_shared>> -> memref<10000x128xf32, #tpu.memory_space<vmem_shared>>
        tpu.wait_indirect_dma semaphore(%run_scoped3A_135 : memref<!tpu.dma_semaphore, #tpu.memory_space<semaphore_mem>>) src(%arg8 : memref<80x128xf32, #tpu.memory_space<vmem>>) dst(%dma_wait3A_147 : memref<10000x128xf32, #tpu.memory_space<vmem_shared>>)
        tpu.yield
      }) : () -> ()
      %add3A_113 = arith.constant 2 : i32
      %add3A_114 = arith.addi %mul3A_104, %add3A_113 : i32
      %dma_start3A_115 = arith.constant 0 : i32
      %dma_start3A_116 = tpu.memref_slice %arg6[%add3A_114, %dma_start3A_115] : memref<63x80xi32, #tpu.memory_space<vmem>> -> memref<1x80xi32, #tpu.memory_space<vmem>>
      %dma_start3A_117 = tpu.memref_squeeze %dma_start3A_116 : memref<1x80xi32, #tpu.memory_space<vmem>> -> memref<80xi32, #tpu.memory_space<vmem>>
      %dma_start3A_118 = arith.constant 0 : i32
      %dma_start3A_119 = arith.constant 0 : i32
      %dma_start3A_120 = tpu.memref_slice %arg2[%dma_start3A_118, %dma_start3A_119] : memref<10128x128xf32, #tpu.memory_space<hbm>> -> memref<10128x128xf32, #tpu.memory_space<hbm>>
      tpu.enqueue_indirect_dma source(%dma_start3A_120 : memref<10128x128xf32, #tpu.memory_space<hbm>>) target(%arg8 : memref<80x128xf32, #tpu.memory_space<vmem>>) offsets(%dma_start3A_117 : memref<80xi32, #tpu.memory_space<vmem>>) semaphore(%arg11 : memref<!tpu.dma_semaphore, #tpu.memory_space<semaphore_mem>>)
      %dma_wait3A_121 = arith.constant 0 : i32
      %dma_wait3A_122 = tpu.memref_slice %arg6[%add3A_106, %dma_wait3A_121] : memref<63x80xi32, #tpu.memory_space<vmem>> -> memref<1x80xi32, #tpu.memory_space<vmem>>
      %dma_wait3A_123 = tpu.memref_squeeze %dma_wait3A_122 : memref<1x80xi32, #tpu.memory_space<vmem>> -> memref<80xi32, #tpu.memory_space<vmem>>
      %dma_wait3A_124 = arith.constant 0 : i32
      %dma_wait3A_125 = arith.constant 0 : i32
      %dma_wait3A_126 = tpu.memref_slice %arg2[%dma_wait3A_124, %dma_wait3A_125] : memref<10128x128xf32, #tpu.memory_space<hbm>> -> memref<10128x128xf32, #tpu.memory_space<hbm>>
      tpu.wait_indirect_dma semaphore(%arg12 : memref<!tpu.dma_semaphore, #tpu.memory_space<semaphore_mem>>) src(%dma_wait3A_126 : memref<10128x128xf32, #tpu.memory_space<hbm>>) dst(%arg9 : memref<80x128xf32, #tpu.memory_space<vmem>>)
      %add3A_127 = arith.constant 1 : i32
      %add3A_128 = arith.addi %mul3A_104, %add3A_127 : i32
      "tpu.region"() ({
        %run_scoped3A_135 = tpu.sem_alloc : memref<!tpu.dma_semaphore, #tpu.memory_space<semaphore_mem>>
        %dma_start3A_136 = arith.constant 0 : i32
        %dma_start3A_137 = tpu.memref_slice %arg7[%add3A_128, %dma_start3A_136] : memref<63x80xi32, #tpu.memory_space<vmem>> -> memref<1x80xi32, #tpu.memory_space<vmem>>
        %dma_start3A_138 = tpu.memref_squeeze %dma_start3A_137 : memref<1x80xi32, #tpu.memory_space<vmem>> -> memref<80xi32, #tpu.memory_space<vmem>>
        %dma_start3A_139 = arith.constant 0 : i32
        %dma_start3A_140 = arith.constant 0 : i32
        %dma_start3A_141 = tpu.memref_slice %arg10[%dma_start3A_139, %dma_start3A_140] : memref<10000x128xf32, #tpu.memory_space<vmem_shared>> -> memref<10000x128xf32, #tpu.memory_space<vmem_shared>>
        tpu.enqueue_indirect_dma source(%arg9 : memref<80x128xf32, #tpu.memory_space<vmem>>) target(%dma_start3A_141 : memref<10000x128xf32, #tpu.memory_space<vmem_shared>>) offsets(%dma_start3A_138 : memref<80xi32, #tpu.memory_space<vmem>>) semaphore(%run_scoped3A_135 : memref<!tpu.dma_semaphore, #tpu.memory_space<semaphore_mem>>) {add = true}
        %dma_wait3A_142 = arith.constant 0 : i32
        %dma_wait3A_143 = tpu.memref_slice %arg7[%add3A_128, %dma_wait3A_142] : memref<63x80xi32, #tpu.memory_space<vmem>> -> memref<1x80xi32, #tpu.memory_space<vmem>>
        %dma_wait3A_144 = tpu.memref_squeeze %dma_wait3A_143 : memref<1x80xi32, #tpu.memory_space<vmem>> -> memref<80xi32, #tpu.memory_space<vmem>>
        %dma_wait3A_145 = arith.constant 0 : i32
        %dma_wait3A_146 = arith.constant 0 : i32
        %dma_wait3A_147 = tpu.memref_slice %arg10[%dma_wait3A_145, %dma_wait3A_146] : memref<10000x128xf32, #tpu.memory_space<vmem_shared>> -> memref<10000x128xf32, #tpu.memory_space<vmem_shared>>
        tpu.wait_indirect_dma semaphore(%run_scoped3A_135 : memref<!tpu.dma_semaphore, #tpu.memory_space<semaphore_mem>>) src(%arg9 : memref<80x128xf32, #tpu.memory_space<vmem>>) dst(%dma_wait3A_147 : memref<10000x128xf32, #tpu.memory_space<vmem_shared>>)
        tpu.yield
      }) : () -> ()
      %dma_wait3A_129 = arith.constant 0 : i32
      %dma_wait3A_130 = tpu.memref_slice %arg6[%add3A_114, %dma_wait3A_129] : memref<63x80xi32, #tpu.memory_space<vmem>> -> memref<1x80xi32, #tpu.memory_space<vmem>>
      %dma_wait3A_131 = tpu.memref_squeeze %dma_wait3A_130 : memref<1x80xi32, #tpu.memory_space<vmem>> -> memref<80xi32, #tpu.memory_space<vmem>>
      %dma_wait3A_132 = arith.constant 0 : i32
      %dma_wait3A_133 = arith.constant 0 : i32
      %dma_wait3A_134 = tpu.memref_slice %arg2[%dma_wait3A_132, %dma_wait3A_133] : memref<10128x128xf32, #tpu.memory_space<hbm>> -> memref<10128x128xf32, #tpu.memory_space<hbm>>
      tpu.wait_indirect_dma semaphore(%arg11 : memref<!tpu.dma_semaphore, #tpu.memory_space<semaphore_mem>>) src(%dma_wait3A_134 : memref<10128x128xf32, #tpu.memory_space<hbm>>) dst(%arg8 : memref<80x128xf32, #tpu.memory_space<vmem>>)
    }
    %scan3A_44 = arith.constant 31 : i32
    %run_scoped3A_45 = arith.constant 62 : i32
    "tpu.region"() ({
      %run_scoped3A_102 = tpu.sem_alloc : memref<!tpu.dma_semaphore, #tpu.memory_space<semaphore_mem>>
      %dma_start3A_103 = arith.constant 0 : i32
      %dma_start3A_104 = tpu.memref_slice %arg7[%run_scoped3A_45, %dma_start3A_103] : memref<63x80xi32, #tpu.memory_space<vmem>> -> memref<1x80xi32, #tpu.memory_space<vmem>>
      %dma_start3A_105 = tpu.memref_squeeze %dma_start3A_104 : memref<1x80xi32, #tpu.memory_space<vmem>> -> memref<80xi32, #tpu.memory_space<vmem>>
      %dma_start3A_106 = arith.constant 0 : i32
      %dma_start3A_107 = arith.constant 0 : i32
      %dma_start3A_108 = tpu.memref_slice %arg10[%dma_start3A_106, %dma_start3A_107] : memref<10000x128xf32, #tpu.memory_space<vmem_shared>> -> memref<10000x128xf32, #tpu.memory_space<vmem_shared>>
      tpu.enqueue_indirect_dma source(%arg8 : memref<80x128xf32, #tpu.memory_space<vmem>>) target(%dma_start3A_108 : memref<10000x128xf32, #tpu.memory_space<vmem_shared>>) offsets(%dma_start3A_105 : memref<80xi32, #tpu.memory_space<vmem>>) semaphore(%run_scoped3A_102 : memref<!tpu.dma_semaphore, #tpu.memory_space<semaphore_mem>>) {add = true}
      %dma_wait3A_109 = arith.constant 0 : i32
      %dma_wait3A_110 = tpu.memref_slice %arg7[%run_scoped3A_45, %dma_wait3A_109] : memref<63x80xi32, #tpu.memory_space<vmem>> -> memref<1x80xi32, #tpu.memory_space<vmem>>
      %dma_wait3A_111 = tpu.memref_squeeze %dma_wait3A_110 : memref<1x80xi32, #tpu.memory_space<vmem>> -> memref<80xi32, #tpu.memory_space<vmem>>
      %dma_wait3A_112 = arith.constant 0 : i32
      %dma_wait3A_113 = arith.constant 0 : i32
      %dma_wait3A_114 = tpu.memref_slice %arg10[%dma_wait3A_112, %dma_wait3A_113] : memref<10000x128xf32, #tpu.memory_space<vmem_shared>> -> memref<10000x128xf32, #tpu.memory_space<vmem_shared>>
      tpu.wait_indirect_dma semaphore(%run_scoped3A_102 : memref<!tpu.dma_semaphore, #tpu.memory_space<semaphore_mem>>) src(%arg8 : memref<80x128xf32, #tpu.memory_space<vmem>>) dst(%dma_wait3A_114 : memref<10000x128xf32, #tpu.memory_space<vmem_shared>>)
      tpu.yield
    }) : () -> ()
    %run_scoped3A_46 = arith.constant 1 : i32
    "tpu.region"() ({
      %run_scoped3A_102 = tpu.sem_alloc : memref<!tpu.dma_semaphore, #tpu.memory_space<semaphore_mem>>
      %dma_start3A_103 = arith.constant 0 : i32
      %dma_start3A_104 = arith.constant 0 : i32
      %dma_start3A_105 = tpu.memref_slice %arg3[%add3A, %run_scoped3A_46, %dma_start3A_103, %dma_start3A_104] : memref<32x2x63x80xi32, #tpu.memory_space<hbm>> -> memref<1x1x63x80xi32, #tpu.memory_space<hbm>>
      %dma_start3A_106 = tpu.memref_squeeze %dma_start3A_105 : memref<1x1x63x80xi32, #tpu.memory_space<hbm>> -> memref<63x80xi32, #tpu.memory_space<hbm>>
      %dma_start3A_107 = arith.constant 0 : i32
      %dma_start3A_108 = arith.constant 0 : i32
      %dma_start3A_109 = tpu.memref_slice %arg3[%add3A, %run_scoped3A_46, %dma_start3A_107, %dma_start3A_108] : memref<32x2x63x80xi32, #tpu.memory_space<hbm>> -> memref<1x1x63x80xi32, #tpu.memory_space<hbm>>
      %dma_start3A_110 = tpu.memref_squeeze %dma_start3A_109 : memref<1x1x63x80xi32, #tpu.memory_space<hbm>> -> memref<63x80xi32, #tpu.memory_space<hbm>>
      tpu.enqueue_dma source(%dma_start3A_110 : memref<63x80xi32, #tpu.memory_space<hbm>>) target(%arg6 : memref<63x80xi32, #tpu.memory_space<vmem>>) target_semaphore(%run_scoped3A_102 : memref<!tpu.dma_semaphore, #tpu.memory_space<semaphore_mem>>)
      %dma_wait3A_111 = arith.constant 0 : i32
      %dma_wait3A_112 = arith.constant 0 : i32
      %dma_wait3A_113 = tpu.memref_slice %arg3[%add3A, %run_scoped3A_46, %dma_wait3A_111, %dma_wait3A_112] : memref<32x2x63x80xi32, #tpu.memory_space<hbm>> -> memref<1x1x63x80xi32, #tpu.memory_space<hbm>>
      %dma_wait3A_114 = tpu.memref_squeeze %dma_wait3A_113 : memref<1x1x63x80xi32, #tpu.memory_space<hbm>> -> memref<63x80xi32, #tpu.memory_space<hbm>>
      %dma_wait3A_115 = arith.constant 0 : i32
      %dma_wait3A_116 = arith.constant 0 : i32
      %dma_wait3A_117 = tpu.memref_slice %arg3[%add3A, %run_scoped3A_46, %dma_wait3A_115, %dma_wait3A_116] : memref<32x2x63x80xi32, #tpu.memory_space<hbm>> -> memref<1x1x63x80xi32, #tpu.memory_space<hbm>>
      %dma_wait3A_118 = tpu.memref_squeeze %dma_wait3A_117 : memref<1x1x63x80xi32, #tpu.memory_space<hbm>> -> memref<63x80xi32, #tpu.memory_space<hbm>>
      tpu.wait_dma2 semaphore(%run_scoped3A_102 : memref<!tpu.dma_semaphore, #tpu.memory_space<semaphore_mem>>) src(%dma_wait3A_118 : memref<63x80xi32, #tpu.memory_space<hbm>>) dst(%arg6 : memref<63x80xi32, #tpu.memory_space<vmem>>)
      tpu.yield
    }) : () -> ()
    %run_scoped3A_47 = arith.constant 1 : i32
    "tpu.region"() ({
      %run_scoped3A_102 = tpu.sem_alloc : memref<!tpu.dma_semaphore, #tpu.memory_space<semaphore_mem>>
      %dma_start3A_103 = arith.constant 0 : i32
      %dma_start3A_104 = arith.constant 0 : i32
      %dma_start3A_105 = tpu.memref_slice %arg4[%add3A, %run_scoped3A_47, %dma_start3A_103, %dma_start3A_104] : memref<32x2x63x80xi32, #tpu.memory_space<hbm>> -> memref<1x1x63x80xi32, #tpu.memory_space<hbm>>
      %dma_start3A_106 = tpu.memref_squeeze %dma_start3A_105 : memref<1x1x63x80xi32, #tpu.memory_space<hbm>> -> memref<63x80xi32, #tpu.memory_space<hbm>>
      %dma_start3A_107 = arith.constant 0 : i32
      %dma_start3A_108 = arith.constant 0 : i32
      %dma_start3A_109 = tpu.memref_slice %arg4[%add3A, %run_scoped3A_47, %dma_start3A_107, %dma_start3A_108] : memref<32x2x63x80xi32, #tpu.memory_space<hbm>> -> memref<1x1x63x80xi32, #tpu.memory_space<hbm>>
      %dma_start3A_110 = tpu.memref_squeeze %dma_start3A_109 : memref<1x1x63x80xi32, #tpu.memory_space<hbm>> -> memref<63x80xi32, #tpu.memory_space<hbm>>
      tpu.enqueue_dma source(%dma_start3A_110 : memref<63x80xi32, #tpu.memory_space<hbm>>) target(%arg7 : memref<63x80xi32, #tpu.memory_space<vmem>>) target_semaphore(%run_scoped3A_102 : memref<!tpu.dma_semaphore, #tpu.memory_space<semaphore_mem>>)
      %dma_wait3A_111 = arith.constant 0 : i32
      %dma_wait3A_112 = arith.constant 0 : i32
      %dma_wait3A_113 = tpu.memref_slice %arg4[%add3A, %run_scoped3A_47, %dma_wait3A_111, %dma_wait3A_112] : memref<32x2x63x80xi32, #tpu.memory_space<hbm>> -> memref<1x1x63x80xi32, #tpu.memory_space<hbm>>
      %dma_wait3A_114 = tpu.memref_squeeze %dma_wait3A_113 : memref<1x1x63x80xi32, #tpu.memory_space<hbm>> -> memref<63x80xi32, #tpu.memory_space<hbm>>
      %dma_wait3A_115 = arith.constant 0 : i32
      %dma_wait3A_116 = arith.constant 0 : i32
      %dma_wait3A_117 = tpu.memref_slice %arg4[%add3A, %run_scoped3A_47, %dma_wait3A_115, %dma_wait3A_116] : memref<32x2x63x80xi32, #tpu.memory_space<hbm>> -> memref<1x1x63x80xi32, #tpu.memory_space<hbm>>
      %dma_wait3A_118 = tpu.memref_squeeze %dma_wait3A_117 : memref<1x1x63x80xi32, #tpu.memory_space<hbm>> -> memref<63x80xi32, #tpu.memory_space<hbm>>
      tpu.wait_dma2 semaphore(%run_scoped3A_102 : memref<!tpu.dma_semaphore, #tpu.memory_space<semaphore_mem>>) src(%dma_wait3A_118 : memref<63x80xi32, #tpu.memory_space<hbm>>) dst(%arg7 : memref<63x80xi32, #tpu.memory_space<vmem>>)
      tpu.yield
    }) : () -> ()
    %dma_start3A_48 = arith.constant 0 : i32
    %dma_start3A_49 = arith.constant 0 : i32
    %dma_start3A_50 = tpu.memref_slice %arg6[%dma_start3A_48, %dma_start3A_49] : memref<63x80xi32, #tpu.memory_space<vmem>> -> memref<1x80xi32, #tpu.memory_space<vmem>>
    %dma_start3A_51 = tpu.memref_squeeze %dma_start3A_50 : memref<1x80xi32, #tpu.memory_space<vmem>> -> memref<80xi32, #tpu.memory_space<vmem>>
    %dma_start3A_52 = arith.constant 0 : i32
    %dma_start3A_53 = arith.constant 0 : i32
    %dma_start3A_54 = tpu.memref_slice %arg2[%dma_start3A_52, %dma_start3A_53] : memref<10128x128xf32, #tpu.memory_space<hbm>> -> memref<10128x128xf32, #tpu.memory_space<hbm>>
    tpu.enqueue_indirect_dma source(%dma_start3A_54 : memref<10128x128xf32, #tpu.memory_space<hbm>>) target(%arg8 : memref<80x128xf32, #tpu.memory_space<vmem>>) offsets(%dma_start3A_51 : memref<80xi32, #tpu.memory_space<vmem>>) semaphore(%arg11 : memref<!tpu.dma_semaphore, #tpu.memory_space<semaphore_mem>>)
    %dma_wait3A_55 = arith.constant 0 : i32
    %dma_wait3A_56 = arith.constant 0 : i32
    %dma_wait3A_57 = tpu.memref_slice %arg6[%dma_wait3A_55, %dma_wait3A_56] : memref<63x80xi32, #tpu.memory_space<vmem>> -> memref<1x80xi32, #tpu.memory_space<vmem>>
    %dma_wait3A_58 = tpu.memref_squeeze %dma_wait3A_57 : memref<1x80xi32, #tpu.memory_space<vmem>> -> memref<80xi32, #tpu.memory_space<vmem>>
    %dma_wait3A_59 = arith.constant 0 : i32
    %dma_wait3A_60 = arith.constant 0 : i32
    %dma_wait3A_61 = tpu.memref_slice %arg2[%dma_wait3A_59, %dma_wait3A_60] : memref<10128x128xf32, #tpu.memory_space<hbm>> -> memref<10128x128xf32, #tpu.memory_space<hbm>>
    tpu.wait_indirect_dma semaphore(%arg11 : memref<!tpu.dma_semaphore, #tpu.memory_space<semaphore_mem>>) src(%dma_wait3A_61 : memref<10128x128xf32, #tpu.memory_space<hbm>>) dst(%arg8 : memref<80x128xf32, #tpu.memory_space<vmem>>)
    %scan3A_62 = arith.constant 0 : i32
    %scan3A_63 = arith.constant 0 : i32
    %scan3A_64 = arith.constant 31 : i32
    %scan3A_65 = arith.addi %scan3A_63, %scan3A_64 : i32
    %scan3A_66 = arith.constant 1 : i32
    scf.for %scan3A_102 = %scan3A_63 to %scan3A_65 step %scan3A_66  : i32 {
      %mul3A_103 = arith.constant 2 : i32
      %mul3A_104 = arith.muli %mul3A_103, %scan3A_102 : i32
      %add3A_105 = arith.constant 1 : i32
      %add3A_106 = arith.addi %mul3A_104, %add3A_105 : i32
      %dma_start3A_107 = arith.constant 0 : i32
      %dma_start3A_108 = tpu.memref_slice %arg6[%add3A_106, %dma_start3A_107] : memref<63x80xi32, #tpu.memory_space<vmem>> -> memref<1x80xi32, #tpu.memory_space<vmem>>
      %dma_start3A_109 = tpu.memref_squeeze %dma_start3A_108 : memref<1x80xi32, #tpu.memory_space<vmem>> -> memref<80xi32, #tpu.memory_space<vmem>>
      %dma_start3A_110 = arith.constant 0 : i32
      %dma_start3A_111 = arith.constant 0 : i32
      %dma_start3A_112 = tpu.memref_slice %arg2[%dma_start3A_110, %dma_start3A_111] : memref<10128x128xf32, #tpu.memory_space<hbm>> -> memref<10128x128xf32, #tpu.memory_space<hbm>>
      tpu.enqueue_indirect_dma source(%dma_start3A_112 : memref<10128x128xf32, #tpu.memory_space<hbm>>) target(%arg9 : memref<80x128xf32, #tpu.memory_space<vmem>>) offsets(%dma_start3A_109 : memref<80xi32, #tpu.memory_space<vmem>>) semaphore(%arg12 : memref<!tpu.dma_semaphore, #tpu.memory_space<semaphore_mem>>)
      "tpu.region"() ({
        %run_scoped3A_135 = tpu.sem_alloc : memref<!tpu.dma_semaphore, #tpu.memory_space<semaphore_mem>>
        %dma_start3A_136 = arith.constant 0 : i32
        %dma_start3A_137 = tpu.memref_slice %arg7[%mul3A_104, %dma_start3A_136] : memref<63x80xi32, #tpu.memory_space<vmem>> -> memref<1x80xi32, #tpu.memory_space<vmem>>
        %dma_start3A_138 = tpu.memref_squeeze %dma_start3A_137 : memref<1x80xi32, #tpu.memory_space<vmem>> -> memref<80xi32, #tpu.memory_space<vmem>>
        %dma_start3A_139 = arith.constant 0 : i32
        %dma_start3A_140 = arith.constant 0 : i32
        %dma_start3A_141 = tpu.memref_slice %arg10[%dma_start3A_139, %dma_start3A_140] : memref<10000x128xf32, #tpu.memory_space<vmem_shared>> -> memref<10000x128xf32, #tpu.memory_space<vmem_shared>>
        tpu.enqueue_indirect_dma source(%arg8 : memref<80x128xf32, #tpu.memory_space<vmem>>) target(%dma_start3A_141 : memref<10000x128xf32, #tpu.memory_space<vmem_shared>>) offsets(%dma_start3A_138 : memref<80xi32, #tpu.memory_space<vmem>>) semaphore(%run_scoped3A_135 : memref<!tpu.dma_semaphore, #tpu.memory_space<semaphore_mem>>) {add = true}
        %dma_wait3A_142 = arith.constant 0 : i32
        %dma_wait3A_143 = tpu.memref_slice %arg7[%mul3A_104, %dma_wait3A_142] : memref<63x80xi32, #tpu.memory_space<vmem>> -> memref<1x80xi32, #tpu.memory_space<vmem>>
        %dma_wait3A_144 = tpu.memref_squeeze %dma_wait3A_143 : memref<1x80xi32, #tpu.memory_space<vmem>> -> memref<80xi32, #tpu.memory_space<vmem>>
        %dma_wait3A_145 = arith.constant 0 : i32
        %dma_wait3A_146 = arith.constant 0 : i32
        %dma_wait3A_147 = tpu.memref_slice %arg10[%dma_wait3A_145, %dma_wait3A_146] : memref<10000x128xf32, #tpu.memory_space<vmem_shared>> -> memref<10000x128xf32, #tpu.memory_space<vmem_shared>>
        tpu.wait_indirect_dma semaphore(%run_scoped3A_135 : memref<!tpu.dma_semaphore, #tpu.memory_space<semaphore_mem>>) src(%arg8 : memref<80x128xf32, #tpu.memory_space<vmem>>) dst(%dma_wait3A_147 : memref<10000x128xf32, #tpu.memory_space<vmem_shared>>)
        tpu.yield
      }) : () -> ()
      %add3A_113 = arith.constant 2 : i32
      %add3A_114 = arith.addi %mul3A_104, %add3A_113 : i32
      %dma_start3A_115 = arith.constant 0 : i32
      %dma_start3A_116 = tpu.memref_slice %arg6[%add3A_114, %dma_start3A_115] : memref<63x80xi32, #tpu.memory_space<vmem>> -> memref<1x80xi32, #tpu.memory_space<vmem>>
      %dma_start3A_117 = tpu.memref_squeeze %dma_start3A_116 : memref<1x80xi32, #tpu.memory_space<vmem>> -> memref<80xi32, #tpu.memory_space<vmem>>
      %dma_start3A_118 = arith.constant 0 : i32
      %dma_start3A_119 = arith.constant 0 : i32
      %dma_start3A_120 = tpu.memref_slice %arg2[%dma_start3A_118, %dma_start3A_119] : memref<10128x128xf32, #tpu.memory_space<hbm>> -> memref<10128x128xf32, #tpu.memory_space<hbm>>
      tpu.enqueue_indirect_dma source(%dma_start3A_120 : memref<10128x128xf32, #tpu.memory_space<hbm>>) target(%arg8 : memref<80x128xf32, #tpu.memory_space<vmem>>) offsets(%dma_start3A_117 : memref<80xi32, #tpu.memory_space<vmem>>) semaphore(%arg11 : memref<!tpu.dma_semaphore, #tpu.memory_space<semaphore_mem>>)
      %dma_wait3A_121 = arith.constant 0 : i32
      %dma_wait3A_122 = tpu.memref_slice %arg6[%add3A_106, %dma_wait3A_121] : memref<63x80xi32, #tpu.memory_space<vmem>> -> memref<1x80xi32, #tpu.memory_space<vmem>>
      %dma_wait3A_123 = tpu.memref_squeeze %dma_wait3A_122 : memref<1x80xi32, #tpu.memory_space<vmem>> -> memref<80xi32, #tpu.memory_space<vmem>>
      %dma_wait3A_124 = arith.constant 0 : i32
      %dma_wait3A_125 = arith.constant 0 : i32
      %dma_wait3A_126 = tpu.memref_slice %arg2[%dma_wait3A_124, %dma_wait3A_125] : memref<10128x128xf32, #tpu.memory_space<hbm>> -> memref<10128x128xf32, #tpu.memory_space<hbm>>
      tpu.wait_indirect_dma semaphore(%arg12 : memref<!tpu.dma_semaphore, #tpu.memory_space<semaphore_mem>>) src(%dma_wait3A_126 : memref<10128x128xf32, #tpu.memory_space<hbm>>) dst(%arg9 : memref<80x128xf32, #tpu.memory_space<vmem>>)
      %add3A_127 = arith.constant 1 : i32
      %add3A_128 = arith.addi %mul3A_104, %add3A_127 : i32
      "tpu.region"() ({
        %run_scoped3A_135 = tpu.sem_alloc : memref<!tpu.dma_semaphore, #tpu.memory_space<semaphore_mem>>
        %dma_start3A_136 = arith.constant 0 : i32
        %dma_start3A_137 = tpu.memref_slice %arg7[%add3A_128, %dma_start3A_136] : memref<63x80xi32, #tpu.memory_space<vmem>> -> memref<1x80xi32, #tpu.memory_space<vmem>>
        %dma_start3A_138 = tpu.memref_squeeze %dma_start3A_137 : memref<1x80xi32, #tpu.memory_space<vmem>> -> memref<80xi32, #tpu.memory_space<vmem>>
        %dma_start3A_139 = arith.constant 0 : i32
        %dma_start3A_140 = arith.constant 0 : i32
        %dma_start3A_141 = tpu.memref_slice %arg10[%dma_start3A_139, %dma_start3A_140] : memref<10000x128xf32, #tpu.memory_space<vmem_shared>> -> memref<10000x128xf32, #tpu.memory_space<vmem_shared>>
        tpu.enqueue_indirect_dma source(%arg9 : memref<80x128xf32, #tpu.memory_space<vmem>>) target(%dma_start3A_141 : memref<10000x128xf32, #tpu.memory_space<vmem_shared>>) offsets(%dma_start3A_138 : memref<80xi32, #tpu.memory_space<vmem>>) semaphore(%run_scoped3A_135 : memref<!tpu.dma_semaphore, #tpu.memory_space<semaphore_mem>>) {add = true}
        %dma_wait3A_142 = arith.constant 0 : i32
        %dma_wait3A_143 = tpu.memref_slice %arg7[%add3A_128, %dma_wait3A_142] : memref<63x80xi32, #tpu.memory_space<vmem>> -> memref<1x80xi32, #tpu.memory_space<vmem>>
        %dma_wait3A_144 = tpu.memref_squeeze %dma_wait3A_143 : memref<1x80xi32, #tpu.memory_space<vmem>> -> memref<80xi32, #tpu.memory_space<vmem>>
        %dma_wait3A_145 = arith.constant 0 : i32
        %dma_wait3A_146 = arith.constant 0 : i32
        %dma_wait3A_147 = tpu.memref_slice %arg10[%dma_wait3A_145, %dma_wait3A_146] : memref<10000x128xf32, #tpu.memory_space<vmem_shared>> -> memref<10000x128xf32, #tpu.memory_space<vmem_shared>>
        tpu.wait_indirect_dma semaphore(%run_scoped3A_135 : memref<!tpu.dma_semaphore, #tpu.memory_space<semaphore_mem>>) src(%arg9 : memref<80x128xf32, #tpu.memory_space<vmem>>) dst(%dma_wait3A_147 : memref<10000x128xf32, #tpu.memory_space<vmem_shared>>)
        tpu.yield
      }) : () -> ()
      %dma_wait3A_129 = arith.constant 0 : i32
      %dma_wait3A_130 = tpu.memref_slice %arg6[%add3A_114, %dma_wait3A_129] : memref<63x80xi32, #tpu.memory_space<vmem>> -> memref<1x80xi32, #tpu.memory_space<vmem>>
      %dma_wait3A_131 = tpu.memref_squeeze %dma_wait3A_130 : memref<1x80xi32, #tpu.memory_space<vmem>> -> memref<80xi32, #tpu.memory_space<vmem>>
      %dma_wait3A_132 = arith.constant 0 : i32
      %dma_wait3A_133 = arith.constant 0 : i32
      %dma_wait3A_134 = tpu.memref_slice %arg2[%dma_wait3A_132, %dma_wait3A_133] : memref<10128x128xf32, #tpu.memory_space<hbm>> -> memref<10128x128xf32, #tpu.memory_space<hbm>>
      tpu.wait_indirect_dma semaphore(%arg11 : memref<!tpu.dma_semaphore, #tpu.memory_space<semaphore_mem>>) src(%dma_wait3A_134 : memref<10128x128xf32, #tpu.memory_space<hbm>>) dst(%arg8 : memref<80x128xf32, #tpu.memory_space<vmem>>)
    }
    %scan3A_67 = arith.constant 31 : i32
    %run_scoped3A_68 = arith.constant 62 : i32
    "tpu.region"() ({
      %run_scoped3A_102 = tpu.sem_alloc : memref<!tpu.dma_semaphore, #tpu.memory_space<semaphore_mem>>
      %dma_start3A_103 = arith.constant 0 : i32
      %dma_start3A_104 = tpu.memref_slice %arg7[%run_scoped3A_68, %dma_start3A_103] : memref<63x80xi32, #tpu.memory_space<vmem>> -> memref<1x80xi32, #tpu.memory_space<vmem>>
      %dma_start3A_105 = tpu.memref_squeeze %dma_start3A_104 : memref<1x80xi32, #tpu.memory_space<vmem>> -> memref<80xi32, #tpu.memory_space<vmem>>
      %dma_start3A_106 = arith.constant 0 : i32
      %dma_start3A_107 = arith.constant 0 : i32
      %dma_start3A_108 = tpu.memref_slice %arg10[%dma_start3A_106, %dma_start3A_107] : memref<10000x128xf32, #tpu.memory_space<vmem_shared>> -> memref<10000x128xf32, #tpu.memory_space<vmem_shared>>
      tpu.enqueue_indirect_dma source(%arg8 : memref<80x128xf32, #tpu.memory_space<vmem>>) target(%dma_start3A_108 : memref<10000x128xf32, #tpu.memory_space<vmem_shared>>) offsets(%dma_start3A_105 : memref<80xi32, #tpu.memory_space<vmem>>) semaphore(%run_scoped3A_102 : memref<!tpu.dma_semaphore, #tpu.memory_space<semaphore_mem>>) {add = true}
      %dma_wait3A_109 = arith.constant 0 : i32
      %dma_wait3A_110 = tpu.memref_slice %arg7[%run_scoped3A_68, %dma_wait3A_109] : memref<63x80xi32, #tpu.memory_space<vmem>> -> memref<1x80xi32, #tpu.memory_space<vmem>>
      %dma_wait3A_111 = tpu.memref_squeeze %dma_wait3A_110 : memref<1x80xi32, #tpu.memory_space<vmem>> -> memref<80xi32, #tpu.memory_space<vmem>>
      %dma_wait3A_112 = arith.constant 0 : i32
      %dma_wait3A_113 = arith.constant 0 : i32
      %dma_wait3A_114 = tpu.memref_slice %arg10[%dma_wait3A_112, %dma_wait3A_113] : memref<10000x128xf32, #tpu.memory_space<vmem_shared>> -> memref<10000x128xf32, #tpu.memory_space<vmem_shared>>
      tpu.wait_indirect_dma semaphore(%run_scoped3A_102 : memref<!tpu.dma_semaphore, #tpu.memory_space<semaphore_mem>>) src(%arg8 : memref<80x128xf32, #tpu.memory_space<vmem>>) dst(%dma_wait3A_114 : memref<10000x128xf32, #tpu.memory_space<vmem_shared>>)
      tpu.yield
    }) : () -> ()
    %barrier3A_69 = arith.constant 0 : index
    tpu.barrier barrier_id(%barrier3A_69)
    %add3A_70 = arith.constant 0 : i32
    %add3A_71 = arith.addi %min3A_3, %add3A_70 : i32
    "tpu.region"() ({
      %run_scoped3A_102 = tpu.sem_alloc : memref<!tpu.dma_semaphore, #tpu.memory_space<semaphore_mem>>
      %dma_start3A_103 = arith.constant 0 : i32
      %dma_start3A_104 = tpu.memref_slice %arg10[%add3A_71, %dma_start3A_103] : memref<10000x128xf32, #tpu.memory_space<vmem_shared>> -> memref<80x128xf32, #tpu.memory_space<vmem_shared>>
      %dma_start3A_105 = arith.constant 0 : i32
      %dma_start3A_106 = tpu.memref_slice %arg10[%add3A_71, %dma_start3A_105] : memref<10000x128xf32, #tpu.memory_space<vmem_shared>> -> memref<80x128xf32, #tpu.memory_space<vmem_shared>>
      tpu.enqueue_dma source(%dma_start3A_106 : memref<80x128xf32, #tpu.memory_space<vmem_shared>>) target(%arg8 : memref<80x128xf32, #tpu.memory_space<vmem>>) target_semaphore(%run_scoped3A_102 : memref<!tpu.dma_semaphore, #tpu.memory_space<semaphore_mem>>)
      %dma_wait3A_107 = arith.constant 0 : i32
      %dma_wait3A_108 = tpu.memref_slice %arg10[%add3A_71, %dma_wait3A_107] : memref<10000x128xf32, #tpu.memory_space<vmem_shared>> -> memref<80x128xf32, #tpu.memory_space<vmem_shared>>
      %dma_wait3A_109 = arith.constant 0 : i32
      %dma_wait3A_110 = tpu.memref_slice %arg10[%add3A_71, %dma_wait3A_109] : memref<10000x128xf32, #tpu.memory_space<vmem_shared>> -> memref<80x128xf32, #tpu.memory_space<vmem_shared>>
      tpu.wait_dma2 semaphore(%run_scoped3A_102 : memref<!tpu.dma_semaphore, #tpu.memory_space<semaphore_mem>>) src(%dma_wait3A_110 : memref<80x128xf32, #tpu.memory_space<vmem_shared>>) dst(%arg8 : memref<80x128xf32, #tpu.memory_space<vmem>>)
      tpu.yield
    }) : () -> ()
    %add3A_72 = arith.constant 0 : i32
    %add3A_73 = arith.addi %min3A_3, %add3A_72 : i32
    "tpu.region"() ({
      %run_scoped3A_102 = tpu.sem_alloc : memref<!tpu.dma_semaphore, #tpu.memory_space<semaphore_mem>>
      %dma_start3A_103 = arith.constant 0 : i32
      %dma_start3A_104 = tpu.memref_slice %arg5[%arg0, %add3A_73, %dma_start3A_103] : memref<2x10000x128xf32, #tpu.memory_space<hbm>> -> memref<1x80x128xf32, #tpu.memory_space<hbm>>
      %dma_start3A_105 = tpu.memref_squeeze %dma_start3A_104 : memref<1x80x128xf32, #tpu.memory_space<hbm>> -> memref<80x128xf32, #tpu.memory_space<hbm>>
      %dma_start3A_106 = arith.constant 0 : i32
      %dma_start3A_107 = tpu.memref_slice %arg5[%arg0, %add3A_73, %dma_start3A_106] : memref<2x10000x128xf32, #tpu.memory_space<hbm>> -> memref<1x80x128xf32, #tpu.memory_space<hbm>>
      %dma_start3A_108 = tpu.memref_squeeze %dma_start3A_107 : memref<1x80x128xf32, #tpu.memory_space<hbm>> -> memref<80x128xf32, #tpu.memory_space<hbm>>
      tpu.enqueue_dma source(%arg8 : memref<80x128xf32, #tpu.memory_space<vmem>>) target(%dma_start3A_108 : memref<80x128xf32, #tpu.memory_space<hbm>>) target_semaphore(%run_scoped3A_102 : memref<!tpu.dma_semaphore, #tpu.memory_space<semaphore_mem>>)
      %dma_wait3A_109 = arith.constant 0 : i32
      %dma_wait3A_110 = tpu.memref_slice %arg5[%arg0, %add3A_73, %dma_wait3A_109] : memref<2x10000x128xf32, #tpu.memory_space<hbm>> -> memref<1x80x128xf32, #tpu.memory_space<hbm>>
      %dma_wait3A_111 = tpu.memref_squeeze %dma_wait3A_110 : memref<1x80x128xf32, #tpu.memory_space<hbm>> -> memref<80x128xf32, #tpu.memory_space<hbm>>
      %dma_wait3A_112 = arith.constant 0 : i32
      %dma_wait3A_113 = tpu.memref_slice %arg5[%arg0, %add3A_73, %dma_wait3A_112] : memref<2x10000x128xf32, #tpu.memory_space<hbm>> -> memref<1x80x128xf32, #tpu.memory_space<hbm>>
      %dma_wait3A_114 = tpu.memref_squeeze %dma_wait3A_113 : memref<1x80x128xf32, #tpu.memory_space<hbm>> -> memref<80x128xf32, #tpu.memory_space<hbm>>
      tpu.wait_dma2 semaphore(%run_scoped3A_102 : memref<!tpu.dma_semaphore, #tpu.memory_space<semaphore_mem>>) src(%arg8 : memref<80x128xf32, #tpu.memory_space<vmem>>) dst(%dma_wait3A_114 : memref<80x128xf32, #tpu.memory_space<hbm>>)
      tpu.yield
    }) : () -> ()
    %add3A_74 = arith.constant 80 : i32
    %add3A_75 = arith.addi %min3A_3, %add3A_74 : i32
    "tpu.region"() ({
      %run_scoped3A_102 = tpu.sem_alloc : memref<!tpu.dma_semaphore, #tpu.memory_space<semaphore_mem>>
      %dma_start3A_103 = arith.constant 0 : i32
      %dma_start3A_104 = tpu.memref_slice %arg10[%add3A_75, %dma_start3A_103] : memref<10000x128xf32, #tpu.memory_space<vmem_shared>> -> memref<80x128xf32, #tpu.memory_space<vmem_shared>>
      %dma_start3A_105 = arith.constant 0 : i32
      %dma_start3A_106 = tpu.memref_slice %arg10[%add3A_75, %dma_start3A_105] : memref<10000x128xf32, #tpu.memory_space<vmem_shared>> -> memref<80x128xf32, #tpu.memory_space<vmem_shared>>
      tpu.enqueue_dma source(%dma_start3A_106 : memref<80x128xf32, #tpu.memory_space<vmem_shared>>) target(%arg8 : memref<80x128xf32, #tpu.memory_space<vmem>>) target_semaphore(%run_scoped3A_102 : memref<!tpu.dma_semaphore, #tpu.memory_space<semaphore_mem>>)
      %dma_wait3A_107 = arith.constant 0 : i32
      %dma_wait3A_108 = tpu.memref_slice %arg10[%add3A_75, %dma_wait3A_107] : memref<10000x128xf32, #tpu.memory_space<vmem_shared>> -> memref<80x128xf32, #tpu.memory_space<vmem_shared>>
      %dma_wait3A_109 = arith.constant 0 : i32
      %dma_wait3A_110 = tpu.memref_slice %arg10[%add3A_75, %dma_wait3A_109] : memref<10000x128xf32, #tpu.memory_space<vmem_shared>> -> memref<80x128xf32, #tpu.memory_space<vmem_shared>>
      tpu.wait_dma2 semaphore(%run_scoped3A_102 : memref<!tpu.dma_semaphore, #tpu.memory_space<semaphore_mem>>) src(%dma_wait3A_110 : memref<80x128xf32, #tpu.memory_space<vmem_shared>>) dst(%arg8 : memref<80x128xf32, #tpu.memory_space<vmem>>)
      tpu.yield
    }) : () -> ()
    %add3A_76 = arith.constant 80 : i32
    %add3A_77 = arith.addi %min3A_3, %add3A_76 : i32
    "tpu.region"() ({
      %run_scoped3A_102 = tpu.sem_alloc : memref<!tpu.dma_semaphore, #tpu.memory_space<semaphore_mem>>
      %dma_start3A_103 = arith.constant 0 : i32
      %dma_start3A_104 = tpu.memref_slice %arg5[%arg0, %add3A_77, %dma_start3A_103] : memref<2x10000x128xf32, #tpu.memory_space<hbm>> -> memref<1x80x128xf32, #tpu.memory_space<hbm>>
      %dma_start3A_105 = tpu.memref_squeeze %dma_start3A_104 : memref<1x80x128xf32, #tpu.memory_space<hbm>> -> memref<80x128xf32, #tpu.memory_space<hbm>>
      %dma_start3A_106 = arith.constant 0 : i32
      %dma_start3A_107 = tpu.memref_slice %arg5[%arg0, %add3A_77, %dma_start3A_106] : memref<2x10000x128xf32, #tpu.memory_space<hbm>> -> memref<1x80x128xf32, #tpu.memory_space<hbm>>
      %dma_start3A_108 = tpu.memref_squeeze %dma_start3A_107 : memref<1x80x128xf32, #tpu.memory_space<hbm>> -> memref<80x128xf32, #tpu.memory_space<hbm>>
      tpu.enqueue_dma source(%arg8 : memref<80x128xf32, #tpu.memory_space<vmem>>) target(%dma_start3A_108 : memref<80x128xf32, #tpu.memory_space<hbm>>) target_semaphore(%run_scoped3A_102 : memref<!tpu.dma_semaphore, #tpu.memory_space<semaphore_mem>>)
      %dma_wait3A_109 = arith.constant 0 : i32
      %dma_wait3A_110 = tpu.memref_slice %arg5[%arg0, %add3A_77, %dma_wait3A_109] : memref<2x10000x128xf32, #tpu.memory_space<hbm>> -> memref<1x80x128xf32, #tpu.memory_space<hbm>>
      %dma_wait3A_111 = tpu.memref_squeeze %dma_wait3A_110 : memref<1x80x128xf32, #tpu.memory_space<hbm>> -> memref<80x128xf32, #tpu.memory_space<hbm>>
      %dma_wait3A_112 = arith.constant 0 : i32
      %dma_wait3A_113 = tpu.memref_slice %arg5[%arg0, %add3A_77, %dma_wait3A_112] : memref<2x10000x128xf32, #tpu.memory_space<hbm>> -> memref<1x80x128xf32, #tpu.memory_space<hbm>>
      %dma_wait3A_114 = tpu.memref_squeeze %dma_wait3A_113 : memref<1x80x128xf32, #tpu.memory_space<hbm>> -> memref<80x128xf32, #tpu.memory_space<hbm>>
      tpu.wait_dma2 semaphore(%run_scoped3A_102 : memref<!tpu.dma_semaphore, #tpu.memory_space<semaphore_mem>>) src(%arg8 : memref<80x128xf32, #tpu.memory_space<vmem>>) dst(%dma_wait3A_114 : memref<80x128xf32, #tpu.memory_space<hbm>>)
      tpu.yield
    }) : () -> ()
    %add3A_78 = arith.constant 160 : i32
    %add3A_79 = arith.addi %min3A_3, %add3A_78 : i32
    "tpu.region"() ({
      %run_scoped3A_102 = tpu.sem_alloc : memref<!tpu.dma_semaphore, #tpu.memory_space<semaphore_mem>>
      %dma_start3A_103 = arith.constant 0 : i32
      %dma_start3A_104 = tpu.memref_slice %arg10[%add3A_79, %dma_start3A_103] : memref<10000x128xf32, #tpu.memory_space<vmem_shared>> -> memref<80x128xf32, #tpu.memory_space<vmem_shared>>
      %dma_start3A_105 = arith.constant 0 : i32
      %dma_start3A_106 = tpu.memref_slice %arg10[%add3A_79, %dma_start3A_105] : memref<10000x128xf32, #tpu.memory_space<vmem_shared>> -> memref<80x128xf32, #tpu.memory_space<vmem_shared>>
      tpu.enqueue_dma source(%dma_start3A_106 : memref<80x128xf32, #tpu.memory_space<vmem_shared>>) target(%arg8 : memref<80x128xf32, #tpu.memory_space<vmem>>) target_semaphore(%run_scoped3A_102 : memref<!tpu.dma_semaphore, #tpu.memory_space<semaphore_mem>>)
      %dma_wait3A_107 = arith.constant 0 : i32
      %dma_wait3A_108 = tpu.memref_slice %arg10[%add3A_79, %dma_wait3A_107] : memref<10000x128xf32, #tpu.memory_space<vmem_shared>> -> memref<80x128xf32, #tpu.memory_space<vmem_shared>>
      %dma_wait3A_109 = arith.constant 0 : i32
      %dma_wait3A_110 = tpu.memref_slice %arg10[%add3A_79, %dma_wait3A_109] : memref<10000x128xf32, #tpu.memory_space<vmem_shared>> -> memref<80x128xf32, #tpu.memory_space<vmem_shared>>
      tpu.wait_dma2 semaphore(%run_scoped3A_102 : memref<!tpu.dma_semaphore, #tpu.memory_space<semaphore_mem>>) src(%dma_wait3A_110 : memref<80x128xf32, #tpu.memory_space<vmem_shared>>) dst(%arg8 : memref<80x128xf32, #tpu.memory_space<vmem>>)
      tpu.yield
    }) : () -> ()
    %add3A_80 = arith.constant 160 : i32
    %add3A_81 = arith.addi %min3A_3, %add3A_80 : i32
    "tpu.region"() ({
      %run_scoped3A_102 = tpu.sem_alloc : memref<!tpu.dma_semaphore, #tpu.memory_space<semaphore_mem>>
      %dma_start3A_103 = arith.constant 0 : i32
      %dma_start3A_104 = tpu.memref_slice %arg5[%arg0, %add3A_81, %dma_start3A_103] : memref<2x10000x128xf32, #tpu.memory_space<hbm>> -> memref<1x80x128xf32, #tpu.memory_space<hbm>>
      %dma_start3A_105 = tpu.memref_squeeze %dma_start3A_104 : memref<1x80x128xf32, #tpu.memory_space<hbm>> -> memref<80x128xf32, #tpu.memory_space<hbm>>
      %dma_start3A_106 = arith.constant 0 : i32
      %dma_start3A_107 = tpu.memref_slice %arg5[%arg0, %add3A_81, %dma_start3A_106] : memref<2x10000x128xf32, #tpu.memory_space<hbm>> -> memref<1x80x128xf32, #tpu.memory_space<hbm>>
      %dma_start3A_108 = tpu.memref_squeeze %dma_start3A_107 : memref<1x80x128xf32, #tpu.memory_space<hbm>> -> memref<80x128xf32, #tpu.memory_space<hbm>>
      tpu.enqueue_dma source(%arg8 : memref<80x128xf32, #tpu.memory_space<vmem>>) target(%dma_start3A_108 : memref<80x128xf32, #tpu.memory_space<hbm>>) target_semaphore(%run_scoped3A_102 : memref<!tpu.dma_semaphore, #tpu.memory_space<semaphore_mem>>)
      %dma_wait3A_109 = arith.constant 0 : i32
      %dma_wait3A_110 = tpu.memref_slice %arg5[%arg0, %add3A_81, %dma_wait3A_109] : memref<2x10000x128xf32, #tpu.memory_space<hbm>> -> memref<1x80x128xf32, #tpu.memory_space<hbm>>
      %dma_wait3A_111 = tpu.memref_squeeze %dma_wait3A_110 : memref<1x80x128xf32, #tpu.memory_space<hbm>> -> memref<80x128xf32, #tpu.memory_space<hbm>>
      %dma_wait3A_112 = arith.constant 0 : i32
      %dma_wait3A_113 = tpu.memref_slice %arg5[%arg0, %add3A_81, %dma_wait3A_112] : memref<2x10000x128xf32, #tpu.memory_space<hbm>> -> memref<1x80x128xf32, #tpu.memory_space<hbm>>
      %dma_wait3A_114 = tpu.memref_squeeze %dma_wait3A_113 : memref<1x80x128xf32, #tpu.memory_space<hbm>> -> memref<80x128xf32, #tpu.memory_space<hbm>>
      tpu.wait_dma2 semaphore(%run_scoped3A_102 : memref<!tpu.dma_semaphore, #tpu.memory_space<semaphore_mem>>) src(%arg8 : memref<80x128xf32, #tpu.memory_space<vmem>>) dst(%dma_wait3A_114 : memref<80x128xf32, #tpu.memory_space<hbm>>)
      tpu.yield
    }) : () -> ()
    %add3A_82 = arith.constant 240 : i32
    %add3A_83 = arith.addi %min3A_3, %add3A_82 : i32
    "tpu.region"() ({
      %run_scoped3A_102 = tpu.sem_alloc : memref<!tpu.dma_semaphore, #tpu.memory_space<semaphore_mem>>
      %dma_start3A_103 = arith.constant 0 : i32
      %dma_start3A_104 = tpu.memref_slice %arg10[%add3A_83, %dma_start3A_103] : memref<10000x128xf32, #tpu.memory_space<vmem_shared>> -> memref<80x128xf32, #tpu.memory_space<vmem_shared>>
      %dma_start3A_105 = arith.constant 0 : i32
      %dma_start3A_106 = tpu.memref_slice %arg10[%add3A_83, %dma_start3A_105] : memref<10000x128xf32, #tpu.memory_space<vmem_shared>> -> memref<80x128xf32, #tpu.memory_space<vmem_shared>>
      tpu.enqueue_dma source(%dma_start3A_106 : memref<80x128xf32, #tpu.memory_space<vmem_shared>>) target(%arg8 : memref<80x128xf32, #tpu.memory_space<vmem>>) target_semaphore(%run_scoped3A_102 : memref<!tpu.dma_semaphore, #tpu.memory_space<semaphore_mem>>)
      %dma_wait3A_107 = arith.constant 0 : i32
      %dma_wait3A_108 = tpu.memref_slice %arg10[%add3A_83, %dma_wait3A_107] : memref<10000x128xf32, #tpu.memory_space<vmem_shared>> -> memref<80x128xf32, #tpu.memory_space<vmem_shared>>
      %dma_wait3A_109 = arith.constant 0 : i32
      %dma_wait3A_110 = tpu.memref_slice %arg10[%add3A_83, %dma_wait3A_109] : memref<10000x128xf32, #tpu.memory_space<vmem_shared>> -> memref<80x128xf32, #tpu.memory_space<vmem_shared>>
      tpu.wait_dma2 semaphore(%run_scoped3A_102 : memref<!tpu.dma_semaphore, #tpu.memory_space<semaphore_mem>>) src(%dma_wait3A_110 : memref<80x128xf32, #tpu.memory_space<vmem_shared>>) dst(%arg8 : memref<80x128xf32, #tpu.memory_space<vmem>>)
      tpu.yield
    }) : () -> ()
    %add3A_84 = arith.constant 240 : i32
    %add3A_85 = arith.addi %min3A_3, %add3A_84 : i32
    "tpu.region"() ({
      %run_scoped3A_102 = tpu.sem_alloc : memref<!tpu.dma_semaphore, #tpu.memory_space<semaphore_mem>>
      %dma_start3A_103 = arith.constant 0 : i32
      %dma_start3A_104 = tpu.memref_slice %arg5[%arg0, %add3A_85, %dma_start3A_103] : memref<2x10000x128xf32, #tpu.memory_space<hbm>> -> memref<1x80x128xf32, #tpu.memory_space<hbm>>
      %dma_start3A_105 = tpu.memref_squeeze %dma_start3A_104 : memref<1x80x128xf32, #tpu.memory_space<hbm>> -> memref<80x128xf32, #tpu.memory_space<hbm>>
      %dma_start3A_106 = arith.constant 0 : i32
      %dma_start3A_107 = tpu.memref_slice %arg5[%arg0, %add3A_85, %dma_start3A_106] : memref<2x10000x128xf32, #tpu.memory_space<hbm>> -> memref<1x80x128xf32, #tpu.memory_space<hbm>>
      %dma_start3A_108 = tpu.memref_squeeze %dma_start3A_107 : memref<1x80x128xf32, #tpu.memory_space<hbm>> -> memref<80x128xf32, #tpu.memory_space<hbm>>
      tpu.enqueue_dma source(%arg8 : memref<80x128xf32, #tpu.memory_space<vmem>>) target(%dma_start3A_108 : memref<80x128xf32, #tpu.memory_space<hbm>>) target_semaphore(%run_scoped3A_102 : memref<!tpu.dma_semaphore, #tpu.memory_space<semaphore_mem>>)
      %dma_wait3A_109 = arith.constant 0 : i32
      %dma_wait3A_110 = tpu.memref_slice %arg5[%arg0, %add3A_85, %dma_wait3A_109] : memref<2x10000x128xf32, #tpu.memory_space<hbm>> -> memref<1x80x128xf32, #tpu.memory_space<hbm>>
      %dma_wait3A_111 = tpu.memref_squeeze %dma_wait3A_110 : memref<1x80x128xf32, #tpu.memory_space<hbm>> -> memref<80x128xf32, #tpu.memory_space<hbm>>
      %dma_wait3A_112 = arith.constant 0 : i32
      %dma_wait3A_113 = tpu.memref_slice %arg5[%arg0, %add3A_85, %dma_wait3A_112] : memref<2x10000x128xf32, #tpu.memory_space<hbm>> -> memref<1x80x128xf32, #tpu.memory_space<hbm>>
      %dma_wait3A_114 = tpu.memref_squeeze %dma_wait3A_113 : memref<1x80x128xf32, #tpu.memory_space<hbm>> -> memref<80x128xf32, #tpu.memory_space<hbm>>
      tpu.wait_dma2 semaphore(%run_scoped3A_102 : memref<!tpu.dma_semaphore, #tpu.memory_space<semaphore_mem>>) src(%arg8 : memref<80x128xf32, #tpu.memory_space<vmem>>) dst(%dma_wait3A_114 : memref<80x128xf32, #tpu.memory_space<hbm>>)
      tpu.yield
    }) : () -> ()
    %add3A_86 = arith.constant 320 : i32
    %add3A_87 = arith.addi %min3A_3, %add3A_86 : i32
    "tpu.region"() ({
      %run_scoped3A_102 = tpu.sem_alloc : memref<!tpu.dma_semaphore, #tpu.memory_space<semaphore_mem>>
      %dma_start3A_103 = arith.constant 0 : i32
      %dma_start3A_104 = tpu.memref_slice %arg10[%add3A_87, %dma_start3A_103] : memref<10000x128xf32, #tpu.memory_space<vmem_shared>> -> memref<80x128xf32, #tpu.memory_space<vmem_shared>>
      %dma_start3A_105 = arith.constant 0 : i32
      %dma_start3A_106 = tpu.memref_slice %arg10[%add3A_87, %dma_start3A_105] : memref<10000x128xf32, #tpu.memory_space<vmem_shared>> -> memref<80x128xf32, #tpu.memory_space<vmem_shared>>
      tpu.enqueue_dma source(%dma_start3A_106 : memref<80x128xf32, #tpu.memory_space<vmem_shared>>) target(%arg8 : memref<80x128xf32, #tpu.memory_space<vmem>>) target_semaphore(%run_scoped3A_102 : memref<!tpu.dma_semaphore, #tpu.memory_space<semaphore_mem>>)
      %dma_wait3A_107 = arith.constant 0 : i32
      %dma_wait3A_108 = tpu.memref_slice %arg10[%add3A_87, %dma_wait3A_107] : memref<10000x128xf32, #tpu.memory_space<vmem_shared>> -> memref<80x128xf32, #tpu.memory_space<vmem_shared>>
      %dma_wait3A_109 = arith.constant 0 : i32
      %dma_wait3A_110 = tpu.memref_slice %arg10[%add3A_87, %dma_wait3A_109] : memref<10000x128xf32, #tpu.memory_space<vmem_shared>> -> memref<80x128xf32, #tpu.memory_space<vmem_shared>>
      tpu.wait_dma2 semaphore(%run_scoped3A_102 : memref<!tpu.dma_semaphore, #tpu.memory_space<semaphore_mem>>) src(%dma_wait3A_110 : memref<80x128xf32, #tpu.memory_space<vmem_shared>>) dst(%arg8 : memref<80x128xf32, #tpu.memory_space<vmem>>)
      tpu.yield
    }) : () -> ()
    %add3A_88 = arith.constant 320 : i32
    %add3A_89 = arith.addi %min3A_3, %add3A_88 : i32
    "tpu.region"() ({
      %run_scoped3A_102 = tpu.sem_alloc : memref<!tpu.dma_semaphore, #tpu.memory_space<semaphore_mem>>
      %dma_start3A_103 = arith.constant 0 : i32
      %dma_start3A_104 = tpu.memref_slice %arg5[%arg0, %add3A_89, %dma_start3A_103] : memref<2x10000x128xf32, #tpu.memory_space<hbm>> -> memref<1x80x128xf32, #tpu.memory_space<hbm>>
      %dma_start3A_105 = tpu.memref_squeeze %dma_start3A_104 : memref<1x80x128xf32, #tpu.memory_space<hbm>> -> memref<80x128xf32, #tpu.memory_space<hbm>>
      %dma_start3A_106 = arith.constant 0 : i32
      %dma_start3A_107 = tpu.memref_slice %arg5[%arg0, %add3A_89, %dma_start3A_106] : memref<2x10000x128xf32, #tpu.memory_space<hbm>> -> memref<1x80x128xf32, #tpu.memory_space<hbm>>
      %dma_start3A_108 = tpu.memref_squeeze %dma_start3A_107 : memref<1x80x128xf32, #tpu.memory_space<hbm>> -> memref<80x128xf32, #tpu.memory_space<hbm>>
      tpu.enqueue_dma source(%arg8 : memref<80x128xf32, #tpu.memory_space<vmem>>) target(%dma_start3A_108 : memref<80x128xf32, #tpu.memory_space<hbm>>) target_semaphore(%run_scoped3A_102 : memref<!tpu.dma_semaphore, #tpu.memory_space<semaphore_mem>>)
      %dma_wait3A_109 = arith.constant 0 : i32
      %dma_wait3A_110 = tpu.memref_slice %arg5[%arg0, %add3A_89, %dma_wait3A_109] : memref<2x10000x128xf32, #tpu.memory_space<hbm>> -> memref<1x80x128xf32, #tpu.memory_space<hbm>>
      %dma_wait3A_111 = tpu.memref_squeeze %dma_wait3A_110 : memref<1x80x128xf32, #tpu.memory_space<hbm>> -> memref<80x128xf32, #tpu.memory_space<hbm>>
      %dma_wait3A_112 = arith.constant 0 : i32
      %dma_wait3A_113 = tpu.memref_slice %arg5[%arg0, %add3A_89, %dma_wait3A_112] : memref<2x10000x128xf32, #tpu.memory_space<hbm>> -> memref<1x80x128xf32, #tpu.memory_space<hbm>>
      %dma_wait3A_114 = tpu.memref_squeeze %dma_wait3A_113 : memref<1x80x128xf32, #tpu.memory_space<hbm>> -> memref<80x128xf32, #tpu.memory_space<hbm>>
      tpu.wait_dma2 semaphore(%run_scoped3A_102 : memref<!tpu.dma_semaphore, #tpu.memory_space<semaphore_mem>>) src(%arg8 : memref<80x128xf32, #tpu.memory_space<vmem>>) dst(%dma_wait3A_114 : memref<80x128xf32, #tpu.memory_space<hbm>>)
      tpu.yield
    }) : () -> ()
    %add3A_90 = arith.constant 400 : i32
    %add3A_91 = arith.addi %min3A_3, %add3A_90 : i32
    "tpu.region"() ({
      %run_scoped3A_102 = tpu.sem_alloc : memref<!tpu.dma_semaphore, #tpu.memory_space<semaphore_mem>>
      %dma_start3A_103 = arith.constant 0 : i32
      %dma_start3A_104 = tpu.memref_slice %arg10[%add3A_91, %dma_start3A_103] : memref<10000x128xf32, #tpu.memory_space<vmem_shared>> -> memref<80x128xf32, #tpu.memory_space<vmem_shared>>
      %dma_start3A_105 = arith.constant 0 : i32
      %dma_start3A_106 = tpu.memref_slice %arg10[%add3A_91, %dma_start3A_105] : memref<10000x128xf32, #tpu.memory_space<vmem_shared>> -> memref<80x128xf32, #tpu.memory_space<vmem_shared>>
      tpu.enqueue_dma source(%dma_start3A_106 : memref<80x128xf32, #tpu.memory_space<vmem_shared>>) target(%arg8 : memref<80x128xf32, #tpu.memory_space<vmem>>) target_semaphore(%run_scoped3A_102 : memref<!tpu.dma_semaphore, #tpu.memory_space<semaphore_mem>>)
      %dma_wait3A_107 = arith.constant 0 : i32
      %dma_wait3A_108 = tpu.memref_slice %arg10[%add3A_91, %dma_wait3A_107] : memref<10000x128xf32, #tpu.memory_space<vmem_shared>> -> memref<80x128xf32, #tpu.memory_space<vmem_shared>>
      %dma_wait3A_109 = arith.constant 0 : i32
      %dma_wait3A_110 = tpu.memref_slice %arg10[%add3A_91, %dma_wait3A_109] : memref<10000x128xf32, #tpu.memory_space<vmem_shared>> -> memref<80x128xf32, #tpu.memory_space<vmem_shared>>
      tpu.wait_dma2 semaphore(%run_scoped3A_102 : memref<!tpu.dma_semaphore, #tpu.memory_space<semaphore_mem>>) src(%dma_wait3A_110 : memref<80x128xf32, #tpu.memory_space<vmem_shared>>) dst(%arg8 : memref<80x128xf32, #tpu.memory_space<vmem>>)
      tpu.yield
    }) : () -> ()
    %add3A_92 = arith.constant 400 : i32
    %add3A_93 = arith.addi %min3A_3, %add3A_92 : i32
    "tpu.region"() ({
      %run_scoped3A_102 = tpu.sem_alloc : memref<!tpu.dma_semaphore, #tpu.memory_space<semaphore_mem>>
      %dma_start3A_103 = arith.constant 0 : i32
      %dma_start3A_104 = tpu.memref_slice %arg5[%arg0, %add3A_93, %dma_start3A_103] : memref<2x10000x128xf32, #tpu.memory_space<hbm>> -> memref<1x80x128xf32, #tpu.memory_space<hbm>>
      %dma_start3A_105 = tpu.memref_squeeze %dma_start3A_104 : memref<1x80x128xf32, #tpu.memory_space<hbm>> -> memref<80x128xf32, #tpu.memory_space<hbm>>
      %dma_start3A_106 = arith.constant 0 : i32
      %dma_start3A_107 = tpu.memref_slice %arg5[%arg0, %add3A_93, %dma_start3A_106] : memref<2x10000x128xf32, #tpu.memory_space<hbm>> -> memref<1x80x128xf32, #tpu.memory_space<hbm>>
      %dma_start3A_108 = tpu.memref_squeeze %dma_start3A_107 : memref<1x80x128xf32, #tpu.memory_space<hbm>> -> memref<80x128xf32, #tpu.memory_space<hbm>>
      tpu.enqueue_dma source(%arg8 : memref<80x128xf32, #tpu.memory_space<vmem>>) target(%dma_start3A_108 : memref<80x128xf32, #tpu.memory_space<hbm>>) target_semaphore(%run_scoped3A_102 : memref<!tpu.dma_semaphore, #tpu.memory_space<semaphore_mem>>)
      %dma_wait3A_109 = arith.constant 0 : i32
      %dma_wait3A_110 = tpu.memref_slice %arg5[%arg0, %add3A_93, %dma_wait3A_109] : memref<2x10000x128xf32, #tpu.memory_space<hbm>> -> memref<1x80x128xf32, #tpu.memory_space<hbm>>
      %dma_wait3A_111 = tpu.memref_squeeze %dma_wait3A_110 : memref<1x80x128xf32, #tpu.memory_space<hbm>> -> memref<80x128xf32, #tpu.memory_space<hbm>>
      %dma_wait3A_112 = arith.constant 0 : i32
      %dma_wait3A_113 = tpu.memref_slice %arg5[%arg0, %add3A_93, %dma_wait3A_112] : memref<2x10000x128xf32, #tpu.memory_space<hbm>> -> memref<1x80x128xf32, #tpu.memory_space<hbm>>
      %dma_wait3A_114 = tpu.memref_squeeze %dma_wait3A_113 : memref<1x80x128xf32, #tpu.memory_space<hbm>> -> memref<80x128xf32, #tpu.memory_space<hbm>>
      tpu.wait_dma2 semaphore(%run_scoped3A_102 : memref<!tpu.dma_semaphore, #tpu.memory_space<semaphore_mem>>) src(%arg8 : memref<80x128xf32, #tpu.memory_space<vmem>>) dst(%dma_wait3A_114 : memref<80x128xf32, #tpu.memory_space<hbm>>)
      tpu.yield
    }) : () -> ()
    %add3A_94 = arith.constant 480 : i32
    %add3A_95 = arith.addi %min3A_3, %add3A_94 : i32
    "tpu.region"() ({
      %run_scoped3A_102 = tpu.sem_alloc : memref<!tpu.dma_semaphore, #tpu.memory_space<semaphore_mem>>
      %dma_start3A_103 = arith.constant 0 : i32
      %dma_start3A_104 = tpu.memref_slice %arg10[%add3A_95, %dma_start3A_103] : memref<10000x128xf32, #tpu.memory_space<vmem_shared>> -> memref<80x128xf32, #tpu.memory_space<vmem_shared>>
      %dma_start3A_105 = arith.constant 0 : i32
      %dma_start3A_106 = tpu.memref_slice %arg10[%add3A_95, %dma_start3A_105] : memref<10000x128xf32, #tpu.memory_space<vmem_shared>> -> memref<80x128xf32, #tpu.memory_space<vmem_shared>>
      tpu.enqueue_dma source(%dma_start3A_106 : memref<80x128xf32, #tpu.memory_space<vmem_shared>>) target(%arg8 : memref<80x128xf32, #tpu.memory_space<vmem>>) target_semaphore(%run_scoped3A_102 : memref<!tpu.dma_semaphore, #tpu.memory_space<semaphore_mem>>)
      %dma_wait3A_107 = arith.constant 0 : i32
      %dma_wait3A_108 = tpu.memref_slice %arg10[%add3A_95, %dma_wait3A_107] : memref<10000x128xf32, #tpu.memory_space<vmem_shared>> -> memref<80x128xf32, #tpu.memory_space<vmem_shared>>
      %dma_wait3A_109 = arith.constant 0 : i32
      %dma_wait3A_110 = tpu.memref_slice %arg10[%add3A_95, %dma_wait3A_109] : memref<10000x128xf32, #tpu.memory_space<vmem_shared>> -> memref<80x128xf32, #tpu.memory_space<vmem_shared>>
      tpu.wait_dma2 semaphore(%run_scoped3A_102 : memref<!tpu.dma_semaphore, #tpu.memory_space<semaphore_mem>>) src(%dma_wait3A_110 : memref<80x128xf32, #tpu.memory_space<vmem_shared>>) dst(%arg8 : memref<80x128xf32, #tpu.memory_space<vmem>>)
      tpu.yield
    }) : () -> ()
    %add3A_96 = arith.constant 480 : i32
    %add3A_97 = arith.addi %min3A_3, %add3A_96 : i32
    "tpu.region"() ({
      %run_scoped3A_102 = tpu.sem_alloc : memref<!tpu.dma_semaphore, #tpu.memory_space<semaphore_mem>>
      %dma_start3A_103 = arith.constant 0 : i32
      %dma_start3A_104 = tpu.memref_slice %arg5[%arg0, %add3A_97, %dma_start3A_103] : memref<2x10000x128xf32, #tpu.memory_space<hbm>> -> memref<1x80x128xf32, #tpu.memory_space<hbm>>
      %dma_start3A_105 = tpu.memref_squeeze %dma_start3A_104 : memref<1x80x128xf32, #tpu.memory_space<hbm>> -> memref<80x128xf32, #tpu.memory_space<hbm>>
      %dma_start3A_106 = arith.constant 0 : i32
      %dma_start3A_107 = tpu.memref_slice %arg5[%arg0, %add3A_97, %dma_start3A_106] : memref<2x10000x128xf32, #tpu.memory_space<hbm>> -> memref<1x80x128xf32, #tpu.memory_space<hbm>>
      %dma_start3A_108 = tpu.memref_squeeze %dma_start3A_107 : memref<1x80x128xf32, #tpu.memory_space<hbm>> -> memref<80x128xf32, #tpu.memory_space<hbm>>
      tpu.enqueue_dma source(%arg8 : memref<80x128xf32, #tpu.memory_space<vmem>>) target(%dma_start3A_108 : memref<80x128xf32, #tpu.memory_space<hbm>>) target_semaphore(%run_scoped3A_102 : memref<!tpu.dma_semaphore, #tpu.memory_space<semaphore_mem>>)
      %dma_wait3A_109 = arith.constant 0 : i32
      %dma_wait3A_110 = tpu.memref_slice %arg5[%arg0, %add3A_97, %dma_wait3A_109] : memref<2x10000x128xf32, #tpu.memory_space<hbm>> -> memref<1x80x128xf32, #tpu.memory_space<hbm>>
      %dma_wait3A_111 = tpu.memref_squeeze %dma_wait3A_110 : memref<1x80x128xf32, #tpu.memory_space<hbm>> -> memref<80x128xf32, #tpu.memory_space<hbm>>
      %dma_wait3A_112 = arith.constant 0 : i32
      %dma_wait3A_113 = tpu.memref_slice %arg5[%arg0, %add3A_97, %dma_wait3A_112] : memref<2x10000x128xf32, #tpu.memory_space<hbm>> -> memref<1x80x128xf32, #tpu.memory_space<hbm>>
      %dma_wait3A_114 = tpu.memref_squeeze %dma_wait3A_113 : memref<1x80x128xf32, #tpu.memory_space<hbm>> -> memref<80x128xf32, #tpu.memory_space<hbm>>
      tpu.wait_dma2 semaphore(%run_scoped3A_102 : memref<!tpu.dma_semaphore, #tpu.memory_space<semaphore_mem>>) src(%arg8 : memref<80x128xf32, #tpu.memory_space<vmem>>) dst(%dma_wait3A_114 : memref<80x128xf32, #tpu.memory_space<hbm>>)
      tpu.yield
    }) : () -> ()
    %add3A_98 = arith.constant 560 : i32
    %add3A_99 = arith.addi %min3A_3, %add3A_98 : i32
    "tpu.region"() ({
      %run_scoped3A_102 = tpu.sem_alloc : memref<!tpu.dma_semaphore, #tpu.memory_space<semaphore_mem>>
      %dma_start3A_103 = arith.constant 0 : i32
      %dma_start3A_104 = tpu.memref_slice %arg10[%add3A_99, %dma_start3A_103] : memref<10000x128xf32, #tpu.memory_space<vmem_shared>> -> memref<80x128xf32, #tpu.memory_space<vmem_shared>>
      %dma_start3A_105 = arith.constant 0 : i32
      %dma_start3A_106 = tpu.memref_slice %arg10[%add3A_99, %dma_start3A_105] : memref<10000x128xf32, #tpu.memory_space<vmem_shared>> -> memref<80x128xf32, #tpu.memory_space<vmem_shared>>
      tpu.enqueue_dma source(%dma_start3A_106 : memref<80x128xf32, #tpu.memory_space<vmem_shared>>) target(%arg8 : memref<80x128xf32, #tpu.memory_space<vmem>>) target_semaphore(%run_scoped3A_102 : memref<!tpu.dma_semaphore, #tpu.memory_space<semaphore_mem>>)
      %dma_wait3A_107 = arith.constant 0 : i32
      %dma_wait3A_108 = tpu.memref_slice %arg10[%add3A_99, %dma_wait3A_107] : memref<10000x128xf32, #tpu.memory_space<vmem_shared>> -> memref<80x128xf32, #tpu.memory_space<vmem_shared>>
      %dma_wait3A_109 = arith.constant 0 : i32
      %dma_wait3A_110 = tpu.memref_slice %arg10[%add3A_99, %dma_wait3A_109] : memref<10000x128xf32, #tpu.memory_space<vmem_shared>> -> memref<80x128xf32, #tpu.memory_space<vmem_shared>>
      tpu.wait_dma2 semaphore(%run_scoped3A_102 : memref<!tpu.dma_semaphore, #tpu.memory_space<semaphore_mem>>) src(%dma_wait3A_110 : memref<80x128xf32, #tpu.memory_space<vmem_shared>>) dst(%arg8 : memref<80x128xf32, #tpu.memory_space<vmem>>)
      tpu.yield
    }) : () -> ()
    %add3A_100 = arith.constant 560 : i32
    %add3A_101 = arith.addi %min3A_3, %add3A_100 : i32
    "tpu.region"() ({
      %run_scoped3A_102 = tpu.sem_alloc : memref<!tpu.dma_semaphore, #tpu.memory_space<semaphore_mem>>
      %dma_start3A_103 = arith.constant 0 : i32
      %dma_start3A_104 = tpu.memref_slice %arg5[%arg0, %add3A_101, %dma_start3A_103] : memref<2x10000x128xf32, #tpu.memory_space<hbm>> -> memref<1x80x128xf32, #tpu.memory_space<hbm>>
      %dma_start3A_105 = tpu.memref_squeeze %dma_start3A_104 : memref<1x80x128xf32, #tpu.memory_space<hbm>> -> memref<80x128xf32, #tpu.memory_space<hbm>>
      %dma_start3A_106 = arith.constant 0 : i32
      %dma_start3A_107 = tpu.memref_slice %arg5[%arg0, %add3A_101, %dma_start3A_106] : memref<2x10000x128xf32, #tpu.memory_space<hbm>> -> memref<1x80x128xf32, #tpu.memory_space<hbm>>
      %dma_start3A_108 = tpu.memref_squeeze %dma_start3A_107 : memref<1x80x128xf32, #tpu.memory_space<hbm>> -> memref<80x128xf32, #tpu.memory_space<hbm>>
      tpu.enqueue_dma source(%arg8 : memref<80x128xf32, #tpu.memory_space<vmem>>) target(%dma_start3A_108 : memref<80x128xf32, #tpu.memory_space<hbm>>) target_semaphore(%run_scoped3A_102 : memref<!tpu.dma_semaphore, #tpu.memory_space<semaphore_mem>>)
      %dma_wait3A_109 = arith.constant 0 : i32
      %dma_wait3A_110 = tpu.memref_slice %arg5[%arg0, %add3A_101, %dma_wait3A_109] : memref<2x10000x128xf32, #tpu.memory_space<hbm>> -> memref<1x80x128xf32, #tpu.memory_space<hbm>>
      %dma_wait3A_111 = tpu.memref_squeeze %dma_wait3A_110 : memref<1x80x128xf32, #tpu.memory_space<hbm>> -> memref<80x128xf32, #tpu.memory_space<hbm>>
      %dma_wait3A_112 = arith.constant 0 : i32
      %dma_wait3A_113 = tpu.memref_slice %arg5[%arg0, %add3A_101, %dma_wait3A_112] : memref<2x10000x128xf32, #tpu.memory_space<hbm>> -> memref<1x80x128xf32, #tpu.memory_space<hbm>>
      %dma_wait3A_114 = tpu.memref_squeeze %dma_wait3A_113 : memref<1x80x128xf32, #tpu.memory_space<hbm>> -> memref<80x128xf32, #tpu.memory_space<hbm>>
      tpu.wait_dma2 semaphore(%run_scoped3A_102 : memref<!tpu.dma_semaphore, #tpu.memory_space<semaphore_mem>>) src(%arg8 : memref<80x128xf32, #tpu.memory_space<vmem>>) dst(%dma_wait3A_114 : memref<80x128xf32, #tpu.memory_space<hbm>>)
      tpu.yield
    }) : () -> ()
    return
  }
}

#map = affine_map<(d0, d1) -> (0, 0)>
#map1 = affine_map<(d0, d1) -> (0, 0, 0, 0)>
#map2 = affine_map<(d0, d1) -> (0, 0, 0)>
module attributes {stable_mosaic.version = 14 : i64} {
  func.func @_segsum(%arg0: i32, %arg1: i32, %arg2: memref<10128x128xf32, #tpu.memory_space<hbm>>, %arg3: memref<32x2x63x80xi32, #tpu.memory_space<hbm>>, %arg4: memref<32x2x63x80xi32, #tpu.memory_space<hbm>>, %arg5: memref<2x10000x128xf32, #tpu.memory_space<hbm>>, %arg6: memref<63x80xi32, #tpu.memory_space<vmem>>, %arg7: memref<63x80xi32, #tpu.memory_space<vmem>>, %arg8: memref<80x128xf32, #tpu.memory_space<vmem>>, %arg9: memref<80x128xf32, #tpu.memory_space<vmem>>, %arg10: memref<10000x128xf32, #tpu.memory_space<vmem_shared>>, %arg11: memref<!tpu.dma_semaphore, #tpu.memory_space<semaphore_mem>>, %arg12: memref<!tpu.dma_semaphore, #tpu.memory_space<semaphore_mem>>) attributes {dimension_semantics = [#tpu.dimension_semantics<core_parallel>, #tpu.dimension_semantics<subcore_parallel>], iteration_bounds = array<i64: 2, 16>, scalar_prefetch = 0 : i64, scratch_operands = 7 : i64, tpu.core_type = #tpu.core_type<sc_vector_subcore>, window_params = [{transform_indices = #map}, {transform_indices = #map1}, {transform_indices = #map1}, {transform_indices = #map2}]} {
    %mul3A = arith.constant 2 : i32
    %mul3A_0 = arith.muli %arg1, %mul3A : i32
    %add3A = arith.addi %mul3A_0, %arg0 : i32
    %mul3A_1 = arith.constant 624 : i32
    %mul3A_2 = arith.muli %arg1, %mul3A_1 : i32
    %min3A = arith.constant 9360 : i32
    %min3A_3 = arith.minsi %mul3A_2, %min3A : i32
    %broadcast_in_dim3A = arith.constant 0.000000e+00 : f32
    %broadcast_in_dim3A_4 = vector.broadcast %broadcast_in_dim3A : f32 to vector<16xf32>
    %scan3A = arith.constant 0 : i32
    %scan3A_5 = arith.constant 0 : i32
    %scan3A_6 = arith.constant 80 : i32
    %scan3A_7 = arith.addi %scan3A_5, %scan3A_6 : i32
    %scan3A_8 = arith.constant 1 : i32
    scf.for %scan3A_102 = %scan3A_5 to %scan3A_7 step %scan3A_8  : i32 {
      %swap3A = arith.index_cast %scan3A_102 : i32 to index
      %swap3A_103 = arith.constant 0 : index
      %swap3A_104 = tpu.vector_load %arg8[%swap3A, %swap3A_103] {strides = array<i32>} : memref<80x128xf32, #tpu.memory_space<vmem>>, vector<1x16xf32>,
      %swap3A_105 = vector.shape_cast %swap3A_104 : vector<1x16xf32> to vector<16xf32>
      %swap3A_106 = vector.shape_cast %broadcast_in_dim3A_4 : vector<16xf32> to vector<1x16xf32>
      tpu.vector_store %arg8[%swap3A, %swap3A_103], %swap3A_106 {strides = array<i32>} : memref<80x128xf32, #tpu.memory_space<vmem>>, vector<1x16xf32>,
      %swap3A_107 = arith.index_cast %scan3A_102 : i32 to index
      %swap3A_108 = arith.constant 16 : index
      %swap3A_109 = tpu.vector_load %arg8[%swap3A_107, %swap3A_108] {strides = array<i32>} : memref<80x128xf32, #tpu.memory_space<vmem>>, vector<1x16xf32>,
      %swap3A_110 = vector.shape_cast %swap3A_109 : vector<1x16xf32> to vector<16xf32>
      %swap3A_111 = vector.shape_cast %broadcast_in_dim3A_4 : vector<16xf32> to vector<1x16xf32>
      tpu.vector_store %arg8[%swap3A_107, %swap3A_108], %swap3A_111 {strides = array<i32>} : memref<80x128xf32, #tpu.memory_space<vmem>>, vector<1x16xf32>,
      %swap3A_112 = arith.index_cast %scan3A_102 : i32 to index
      %swap3A_113 = arith.constant 32 : index
      %swap3A_114 = tpu.vector_load %arg8[%swap3A_112, %swap3A_113] {strides = array<i32>} : memref<80x128xf32, #tpu.memory_space<vmem>>, vector<1x16xf32>,
      %swap3A_115 = vector.shape_cast %swap3A_114 : vector<1x16xf32> to vector<16xf32>
      %swap3A_116 = vector.shape_cast %broadcast_in_dim3A_4 : vector<16xf32> to vector<1x16xf32>
      tpu.vector_store %arg8[%swap3A_112, %swap3A_113], %swap3A_116 {strides = array<i32>} : memref<80x128xf32, #tpu.memory_space<vmem>>, vector<1x16xf32>,
      %swap3A_117 = arith.index_cast %scan3A_102 : i32 to index
      %swap3A_118 = arith.constant 48 : index
      %swap3A_119 = tpu.vector_load %arg8[%swap3A_117, %swap3A_118] {strides = array<i32>} : memref<80x128xf32, #tpu.memory_space<vmem>>, vector<1x16xf32>,
      %swap3A_120 = vector.shape_cast %swap3A_119 : vector<1x16xf32> to vector<16xf32>
      %swap3A_121 = vector.shape_cast %broadcast_in_dim3A_4 : vector<16xf32> to vector<1x16xf32>
      tpu.vector_store %arg8[%swap3A_117, %swap3A_118], %swap3A_121 {strides = array<i32>} : memref<80x128xf32, #tpu.memory_space<vmem>>, vector<1x16xf32>,
      %swap3A_122 = arith.index_cast %scan3A_102 : i32 to index
      %swap3A_123 = arith.constant 64 : index
      %swap3A_124 = tpu.vector_load %arg8[%swap3A_122, %swap3A_123] {strides = array<i32>} : memref<80x128xf32, #tpu.memory_space<vmem>>, vector<1x16xf32>,
      %swap3A_125 = vector.shape_cast %swap3A_124 : vector<1x16xf32> to vector<16xf32>
      %swap3A_126 = vector.shape_cast %broadcast_in_dim3A_4 : vector<16xf32> to vector<1x16xf32>
      tpu.vector_store %arg8[%swap3A_122, %swap3A_123], %swap3A_126 {strides = array<i32>} : memref<80x128xf32, #tpu.memory_space<vmem>>, vector<1x16xf32>,
      %swap3A_127 = arith.index_cast %scan3A_102 : i32 to index
      %swap3A_128 = arith.constant 80 : index
      %swap3A_129 = tpu.vector_load %arg8[%swap3A_127, %swap3A_128] {strides = array<i32>} : memref<80x128xf32, #tpu.memory_space<vmem>>, vector<1x16xf32>,
      %swap3A_130 = vector.shape_cast %swap3A_129 : vector<1x16xf32> to vector<16xf32>
      %swap3A_131 = vector.shape_cast %broadcast_in_dim3A_4 : vector<16xf32> to vector<1x16xf32>
      tpu.vector_store %arg8[%swap3A_127, %swap3A_128], %swap3A_131 {strides = array<i32>} : memref<80x128xf32, #tpu.memory_space<vmem>>, vector<1x16xf32>,
      %swap3A_132 = arith.index_cast %scan3A_102 : i32 to index
      %swap3A_133 = arith.constant 96 : index
      %swap3A_134 = tpu.vector_load %arg8[%swap3A_132, %swap3A_133] {strides = array<i32>} : memref<80x128xf32, #tpu.memory_space<vmem>>, vector<1x16xf32>,
      %swap3A_135 = vector.shape_cast %swap3A_134 : vector<1x16xf32> to vector<16xf32>
      %swap3A_136 = vector.shape_cast %broadcast_in_dim3A_4 : vector<16xf32> to vector<1x16xf32>
      tpu.vector_store %arg8[%swap3A_132, %swap3A_133], %swap3A_136 {strides = array<i32>} : memref<80x128xf32, #tpu.memory_space<vmem>>, vector<1x16xf32>,
      %swap3A_137 = arith.index_cast %scan3A_102 : i32 to index
      %swap3A_138 = arith.constant 112 : index
      %swap3A_139 = tpu.vector_load %arg8[%swap3A_137, %swap3A_138] {strides = array<i32>} : memref<80x128xf32, #tpu.memory_space<vmem>>, vector<1x16xf32>,
      %swap3A_140 = vector.shape_cast %swap3A_139 : vector<1x16xf32> to vector<16xf32>
      %swap3A_141 = vector.shape_cast %broadcast_in_dim3A_4 : vector<16xf32> to vector<1x16xf32>
      tpu.vector_store %arg8[%swap3A_137, %swap3A_138], %swap3A_141 {strides = array<i32>} : memref<80x128xf32, #tpu.memory_space<vmem>>, vector<1x16xf32>,
    }
    %scan3A_9 = arith.constant 80 : i32
    %add3A_10 = arith.constant 0 : i32
    %add3A_11 = arith.addi %min3A_3, %add3A_10 : i32
    "tpu.region"() ({
      %run_scoped3A_102 = tpu.sem_alloc : memref<!tpu.dma_semaphore, #tpu.memory_space<semaphore_mem>>
      %dma_start3A_103 = arith.constant 0 : i32
      %dma_start3A_104 = tpu.memref_slice %arg10[%add3A_11, %dma_start3A_103] : memref<10000x128xf32, #tpu.memory_space<vmem_shared>> -> memref<80x128xf32, #tpu.memory_space<vmem_shared>>
      %dma_start3A_105 = arith.constant 0 : i32
      %dma_start3A_106 = tpu.memref_slice %arg10[%add3A_11, %dma_start3A_105] : memref<10000x128xf32, #tpu.memory_space<vmem_shared>> -> memref<80x128xf32, #tpu.memory_space<vmem_shared>>
      tpu.enqueue_dma source(%arg8 : memref<80x128xf32, #tpu.memory_space<vmem>>) target(%dma_start3A_106 : memref<80x128xf32, #tpu.memory_space<vmem_shared>>) target_semaphore(%run_scoped3A_102 : memref<!tpu.dma_semaphore, #tpu.memory_space<semaphore_mem>>)
      %dma_wait3A_107 = arith.constant 0 : i32
      %dma_wait3A_108 = tpu.memref_slice %arg10[%add3A_11, %dma_wait3A_107] : memref<10000x128xf32, #tpu.memory_space<vmem_shared>> -> memref<80x128xf32, #tpu.memory_space<vmem_shared>>
      %dma_wait3A_109 = arith.constant 0 : i32
      %dma_wait3A_110 = tpu.memref_slice %arg10[%add3A_11, %dma_wait3A_109] : memref<10000x128xf32, #tpu.memory_space<vmem_shared>> -> memref<80x128xf32, #tpu.memory_space<vmem_shared>>
      tpu.wait_dma2 semaphore(%run_scoped3A_102 : memref<!tpu.dma_semaphore, #tpu.memory_space<semaphore_mem>>) src(%arg8 : memref<80x128xf32, #tpu.memory_space<vmem>>) dst(%dma_wait3A_110 : memref<80x128xf32, #tpu.memory_space<vmem_shared>>)
      tpu.yield
    }) : () -> ()
    %add3A_12 = arith.constant 80 : i32
    %add3A_13 = arith.addi %min3A_3, %add3A_12 : i32
    "tpu.region"() ({
      %run_scoped3A_102 = tpu.sem_alloc : memref<!tpu.dma_semaphore, #tpu.memory_space<semaphore_mem>>
      %dma_start3A_103 = arith.constant 0 : i32
      %dma_start3A_104 = tpu.memref_slice %arg10[%add3A_13, %dma_start3A_103] : memref<10000x128xf32, #tpu.memory_space<vmem_shared>> -> memref<80x128xf32, #tpu.memory_space<vmem_shared>>
      %dma_start3A_105 = arith.constant 0 : i32
      %dma_start3A_106 = tpu.memref_slice %arg10[%add3A_13, %dma_start3A_105] : memref<10000x128xf32, #tpu.memory_space<vmem_shared>> -> memref<80x128xf32, #tpu.memory_space<vmem_shared>>
      tpu.enqueue_dma source(%arg8 : memref<80x128xf32, #tpu.memory_space<vmem>>) target(%dma_start3A_106 : memref<80x128xf32, #tpu.memory_space<vmem_shared>>) target_semaphore(%run_scoped3A_102 : memref<!tpu.dma_semaphore, #tpu.memory_space<semaphore_mem>>)
      %dma_wait3A_107 = arith.constant 0 : i32
      %dma_wait3A_108 = tpu.memref_slice %arg10[%add3A_13, %dma_wait3A_107] : memref<10000x128xf32, #tpu.memory_space<vmem_shared>> -> memref<80x128xf32, #tpu.memory_space<vmem_shared>>
      %dma_wait3A_109 = arith.constant 0 : i32
      %dma_wait3A_110 = tpu.memref_slice %arg10[%add3A_13, %dma_wait3A_109] : memref<10000x128xf32, #tpu.memory_space<vmem_shared>> -> memref<80x128xf32, #tpu.memory_space<vmem_shared>>
      tpu.wait_dma2 semaphore(%run_scoped3A_102 : memref<!tpu.dma_semaphore, #tpu.memory_space<semaphore_mem>>) src(%arg8 : memref<80x128xf32, #tpu.memory_space<vmem>>) dst(%dma_wait3A_110 : memref<80x128xf32, #tpu.memory_space<vmem_shared>>)
      tpu.yield
    }) : () -> ()
    %add3A_14 = arith.constant 160 : i32
    %add3A_15 = arith.addi %min3A_3, %add3A_14 : i32
    "tpu.region"() ({
      %run_scoped3A_102 = tpu.sem_alloc : memref<!tpu.dma_semaphore, #tpu.memory_space<semaphore_mem>>
      %dma_start3A_103 = arith.constant 0 : i32
      %dma_start3A_104 = tpu.memref_slice %arg10[%add3A_15, %dma_start3A_103] : memref<10000x128xf32, #tpu.memory_space<vmem_shared>> -> memref<80x128xf32, #tpu.memory_space<vmem_shared>>
      %dma_start3A_105 = arith.constant 0 : i32
      %dma_start3A_106 = tpu.memref_slice %arg10[%add3A_15, %dma_start3A_105] : memref<10000x128xf32, #tpu.memory_space<vmem_shared>> -> memref<80x128xf32, #tpu.memory_space<vmem_shared>>
      tpu.enqueue_dma source(%arg8 : memref<80x128xf32, #tpu.memory_space<vmem>>) target(%dma_start3A_106 : memref<80x128xf32, #tpu.memory_space<vmem_shared>>) target_semaphore(%run_scoped3A_102 : memref<!tpu.dma_semaphore, #tpu.memory_space<semaphore_mem>>)
      %dma_wait3A_107 = arith.constant 0 : i32
      %dma_wait3A_108 = tpu.memref_slice %arg10[%add3A_15, %dma_wait3A_107] : memref<10000x128xf32, #tpu.memory_space<vmem_shared>> -> memref<80x128xf32, #tpu.memory_space<vmem_shared>>
      %dma_wait3A_109 = arith.constant 0 : i32
      %dma_wait3A_110 = tpu.memref_slice %arg10[%add3A_15, %dma_wait3A_109] : memref<10000x128xf32, #tpu.memory_space<vmem_shared>> -> memref<80x128xf32, #tpu.memory_space<vmem_shared>>
      tpu.wait_dma2 semaphore(%run_scoped3A_102 : memref<!tpu.dma_semaphore, #tpu.memory_space<semaphore_mem>>) src(%arg8 : memref<80x128xf32, #tpu.memory_space<vmem>>) dst(%dma_wait3A_110 : memref<80x128xf32, #tpu.memory_space<vmem_shared>>)
      tpu.yield
    }) : () -> ()
    %add3A_16 = arith.constant 240 : i32
    %add3A_17 = arith.addi %min3A_3, %add3A_16 : i32
    "tpu.region"() ({
      %run_scoped3A_102 = tpu.sem_alloc : memref<!tpu.dma_semaphore, #tpu.memory_space<semaphore_mem>>
      %dma_start3A_103 = arith.constant 0 : i32
      %dma_start3A_104 = tpu.memref_slice %arg10[%add3A_17, %dma_start3A_103] : memref<10000x128xf32, #tpu.memory_space<vmem_shared>> -> memref<80x128xf32, #tpu.memory_space<vmem_shared>>
      %dma_start3A_105 = arith.constant 0 : i32
      %dma_start3A_106 = tpu.memref_slice %arg10[%add3A_17, %dma_start3A_105] : memref<10000x128xf32, #tpu.memory_space<vmem_shared>> -> memref<80x128xf32, #tpu.memory_space<vmem_shared>>
      tpu.enqueue_dma source(%arg8 : memref<80x128xf32, #tpu.memory_space<vmem>>) target(%dma_start3A_106 : memref<80x128xf32, #tpu.memory_space<vmem_shared>>) target_semaphore(%run_scoped3A_102 : memref<!tpu.dma_semaphore, #tpu.memory_space<semaphore_mem>>)
      %dma_wait3A_107 = arith.constant 0 : i32
      %dma_wait3A_108 = tpu.memref_slice %arg10[%add3A_17, %dma_wait3A_107] : memref<10000x128xf32, #tpu.memory_space<vmem_shared>> -> memref<80x128xf32, #tpu.memory_space<vmem_shared>>
      %dma_wait3A_109 = arith.constant 0 : i32
      %dma_wait3A_110 = tpu.memref_slice %arg10[%add3A_17, %dma_wait3A_109] : memref<10000x128xf32, #tpu.memory_space<vmem_shared>> -> memref<80x128xf32, #tpu.memory_space<vmem_shared>>
      tpu.wait_dma2 semaphore(%run_scoped3A_102 : memref<!tpu.dma_semaphore, #tpu.memory_space<semaphore_mem>>) src(%arg8 : memref<80x128xf32, #tpu.memory_space<vmem>>) dst(%dma_wait3A_110 : memref<80x128xf32, #tpu.memory_space<vmem_shared>>)
      tpu.yield
    }) : () -> ()
    %add3A_18 = arith.constant 320 : i32
    %add3A_19 = arith.addi %min3A_3, %add3A_18 : i32
    "tpu.region"() ({
      %run_scoped3A_102 = tpu.sem_alloc : memref<!tpu.dma_semaphore, #tpu.memory_space<semaphore_mem>>
      %dma_start3A_103 = arith.constant 0 : i32
      %dma_start3A_104 = tpu.memref_slice %arg10[%add3A_19, %dma_start3A_103] : memref<10000x128xf32, #tpu.memory_space<vmem_shared>> -> memref<80x128xf32, #tpu.memory_space<vmem_shared>>
      %dma_start3A_105 = arith.constant 0 : i32
      %dma_start3A_106 = tpu.memref_slice %arg10[%add3A_19, %dma_start3A_105] : memref<10000x128xf32, #tpu.memory_space<vmem_shared>> -> memref<80x128xf32, #tpu.memory_space<vmem_shared>>
      tpu.enqueue_dma source(%arg8 : memref<80x128xf32, #tpu.memory_space<vmem>>) target(%dma_start3A_106 : memref<80x128xf32, #tpu.memory_space<vmem_shared>>) target_semaphore(%run_scoped3A_102 : memref<!tpu.dma_semaphore, #tpu.memory_space<semaphore_mem>>)
      %dma_wait3A_107 = arith.constant 0 : i32
      %dma_wait3A_108 = tpu.memref_slice %arg10[%add3A_19, %dma_wait3A_107] : memref<10000x128xf32, #tpu.memory_space<vmem_shared>> -> memref<80x128xf32, #tpu.memory_space<vmem_shared>>
      %dma_wait3A_109 = arith.constant 0 : i32
      %dma_wait3A_110 = tpu.memref_slice %arg10[%add3A_19, %dma_wait3A_109] : memref<10000x128xf32, #tpu.memory_space<vmem_shared>> -> memref<80x128xf32, #tpu.memory_space<vmem_shared>>
      tpu.wait_dma2 semaphore(%run_scoped3A_102 : memref<!tpu.dma_semaphore, #tpu.memory_space<semaphore_mem>>) src(%arg8 : memref<80x128xf32, #tpu.memory_space<vmem>>) dst(%dma_wait3A_110 : memref<80x128xf32, #tpu.memory_space<vmem_shared>>)
      tpu.yield
    }) : () -> ()
    %add3A_20 = arith.constant 400 : i32
    %add3A_21 = arith.addi %min3A_3, %add3A_20 : i32
    "tpu.region"() ({
      %run_scoped3A_102 = tpu.sem_alloc : memref<!tpu.dma_semaphore, #tpu.memory_space<semaphore_mem>>
      %dma_start3A_103 = arith.constant 0 : i32
      %dma_start3A_104 = tpu.memref_slice %arg10[%add3A_21, %dma_start3A_103] : memref<10000x128xf32, #tpu.memory_space<vmem_shared>> -> memref<80x128xf32, #tpu.memory_space<vmem_shared>>
      %dma_start3A_105 = arith.constant 0 : i32
      %dma_start3A_106 = tpu.memref_slice %arg10[%add3A_21, %dma_start3A_105] : memref<10000x128xf32, #tpu.memory_space<vmem_shared>> -> memref<80x128xf32, #tpu.memory_space<vmem_shared>>
      tpu.enqueue_dma source(%arg8 : memref<80x128xf32, #tpu.memory_space<vmem>>) target(%dma_start3A_106 : memref<80x128xf32, #tpu.memory_space<vmem_shared>>) target_semaphore(%run_scoped3A_102 : memref<!tpu.dma_semaphore, #tpu.memory_space<semaphore_mem>>)
      %dma_wait3A_107 = arith.constant 0 : i32
      %dma_wait3A_108 = tpu.memref_slice %arg10[%add3A_21, %dma_wait3A_107] : memref<10000x128xf32, #tpu.memory_space<vmem_shared>> -> memref<80x128xf32, #tpu.memory_space<vmem_shared>>
      %dma_wait3A_109 = arith.constant 0 : i32
      %dma_wait3A_110 = tpu.memref_slice %arg10[%add3A_21, %dma_wait3A_109] : memref<10000x128xf32, #tpu.memory_space<vmem_shared>> -> memref<80x128xf32, #tpu.memory_space<vmem_shared>>
      tpu.wait_dma2 semaphore(%run_scoped3A_102 : memref<!tpu.dma_semaphore, #tpu.memory_space<semaphore_mem>>) src(%arg8 : memref<80x128xf32, #tpu.memory_space<vmem>>) dst(%dma_wait3A_110 : memref<80x128xf32, #tpu.memory_space<vmem_shared>>)
      tpu.yield
    }) : () -> ()
    %add3A_22 = arith.constant 480 : i32
    %add3A_23 = arith.addi %min3A_3, %add3A_22 : i32
    "tpu.region"() ({
      %run_scoped3A_102 = tpu.sem_alloc : memref<!tpu.dma_semaphore, #tpu.memory_space<semaphore_mem>>
      %dma_start3A_103 = arith.constant 0 : i32
      %dma_start3A_104 = tpu.memref_slice %arg10[%add3A_23, %dma_start3A_103] : memref<10000x128xf32, #tpu.memory_space<vmem_shared>> -> memref<80x128xf32, #tpu.memory_space<vmem_shared>>
      %dma_start3A_105 = arith.constant 0 : i32
      %dma_start3A_106 = tpu.memref_slice %arg10[%add3A_23, %dma_start3A_105] : memref<10000x128xf32, #tpu.memory_space<vmem_shared>> -> memref<80x128xf32, #tpu.memory_space<vmem_shared>>
      tpu.enqueue_dma source(%arg8 : memref<80x128xf32, #tpu.memory_space<vmem>>) target(%dma_start3A_106 : memref<80x128xf32, #tpu.memory_space<vmem_shared>>) target_semaphore(%run_scoped3A_102 : memref<!tpu.dma_semaphore, #tpu.memory_space<semaphore_mem>>)
      %dma_wait3A_107 = arith.constant 0 : i32
      %dma_wait3A_108 = tpu.memref_slice %arg10[%add3A_23, %dma_wait3A_107] : memref<10000x128xf32, #tpu.memory_space<vmem_shared>> -> memref<80x128xf32, #tpu.memory_space<vmem_shared>>
      %dma_wait3A_109 = arith.constant 0 : i32
      %dma_wait3A_110 = tpu.memref_slice %arg10[%add3A_23, %dma_wait3A_109] : memref<10000x128xf32, #tpu.memory_space<vmem_shared>> -> memref<80x128xf32, #tpu.memory_space<vmem_shared>>
      tpu.wait_dma2 semaphore(%run_scoped3A_102 : memref<!tpu.dma_semaphore, #tpu.memory_space<semaphore_mem>>) src(%arg8 : memref<80x128xf32, #tpu.memory_space<vmem>>) dst(%dma_wait3A_110 : memref<80x128xf32, #tpu.memory_space<vmem_shared>>)
      tpu.yield
    }) : () -> ()
    %add3A_24 = arith.constant 560 : i32
    %add3A_25 = arith.addi %min3A_3, %add3A_24 : i32
    "tpu.region"() ({
      %run_scoped3A_102 = tpu.sem_alloc : memref<!tpu.dma_semaphore, #tpu.memory_space<semaphore_mem>>
      %dma_start3A_103 = arith.constant 0 : i32
      %dma_start3A_104 = tpu.memref_slice %arg10[%add3A_25, %dma_start3A_103] : memref<10000x128xf32, #tpu.memory_space<vmem_shared>> -> memref<80x128xf32, #tpu.memory_space<vmem_shared>>
      %dma_start3A_105 = arith.constant 0 : i32
      %dma_start3A_106 = tpu.memref_slice %arg10[%add3A_25, %dma_start3A_105] : memref<10000x128xf32, #tpu.memory_space<vmem_shared>> -> memref<80x128xf32, #tpu.memory_space<vmem_shared>>
      tpu.enqueue_dma source(%arg8 : memref<80x128xf32, #tpu.memory_space<vmem>>) target(%dma_start3A_106 : memref<80x128xf32, #tpu.memory_space<vmem_shared>>) target_semaphore(%run_scoped3A_102 : memref<!tpu.dma_semaphore, #tpu.memory_space<semaphore_mem>>)
      %dma_wait3A_107 = arith.constant 0 : i32
      %dma_wait3A_108 = tpu.memref_slice %arg10[%add3A_25, %dma_wait3A_107] : memref<10000x128xf32, #tpu.memory_space<vmem_shared>> -> memref<80x128xf32, #tpu.memory_space<vmem_shared>>
      %dma_wait3A_109 = arith.constant 0 : i32
      %dma_wait3A_110 = tpu.memref_slice %arg10[%add3A_25, %dma_wait3A_109] : memref<10000x128xf32, #tpu.memory_space<vmem_shared>> -> memref<80x128xf32, #tpu.memory_space<vmem_shared>>
      tpu.wait_dma2 semaphore(%run_scoped3A_102 : memref<!tpu.dma_semaphore, #tpu.memory_space<semaphore_mem>>) src(%arg8 : memref<80x128xf32, #tpu.memory_space<vmem>>) dst(%dma_wait3A_110 : memref<80x128xf32, #tpu.memory_space<vmem_shared>>)
      tpu.yield
    }) : () -> ()
    %barrier3A = arith.constant 0 : index
    tpu.barrier barrier_id(%barrier3A)
    %run_scoped3A = arith.constant 0 : i32
    "tpu.region"() ({
      %run_scoped3A_102 = tpu.sem_alloc : memref<!tpu.dma_semaphore, #tpu.memory_space<semaphore_mem>>
      %dma_start3A_103 = arith.constant 0 : i32
      %dma_start3A_104 = arith.constant 0 : i32
      %dma_start3A_105 = tpu.memref_slice %arg3[%add3A, %run_scoped3A, %dma_start3A_103, %dma_start3A_104] : memref<32x2x63x80xi32, #tpu.memory_space<hbm>> -> memref<1x1x63x80xi32, #tpu.memory_space<hbm>>
      %dma_start3A_106 = tpu.memref_squeeze %dma_start3A_105 : memref<1x1x63x80xi32, #tpu.memory_space<hbm>> -> memref<63x80xi32, #tpu.memory_space<hbm>>
      %dma_start3A_107 = arith.constant 0 : i32
      %dma_start3A_108 = arith.constant 0 : i32
      %dma_start3A_109 = tpu.memref_slice %arg3[%add3A, %run_scoped3A, %dma_start3A_107, %dma_start3A_108] : memref<32x2x63x80xi32, #tpu.memory_space<hbm>> -> memref<1x1x63x80xi32, #tpu.memory_space<hbm>>
      %dma_start3A_110 = tpu.memref_squeeze %dma_start3A_109 : memref<1x1x63x80xi32, #tpu.memory_space<hbm>> -> memref<63x80xi32, #tpu.memory_space<hbm>>
      tpu.enqueue_dma source(%dma_start3A_110 : memref<63x80xi32, #tpu.memory_space<hbm>>) target(%arg6 : memref<63x80xi32, #tpu.memory_space<vmem>>) target_semaphore(%run_scoped3A_102 : memref<!tpu.dma_semaphore, #tpu.memory_space<semaphore_mem>>)
      %dma_wait3A_111 = arith.constant 0 : i32
      %dma_wait3A_112 = arith.constant 0 : i32
      %dma_wait3A_113 = tpu.memref_slice %arg3[%add3A, %run_scoped3A, %dma_wait3A_111, %dma_wait3A_112] : memref<32x2x63x80xi32, #tpu.memory_space<hbm>> -> memref<1x1x63x80xi32, #tpu.memory_space<hbm>>
      %dma_wait3A_114 = tpu.memref_squeeze %dma_wait3A_113 : memref<1x1x63x80xi32, #tpu.memory_space<hbm>> -> memref<63x80xi32, #tpu.memory_space<hbm>>
      %dma_wait3A_115 = arith.constant 0 : i32
      %dma_wait3A_116 = arith.constant 0 : i32
      %dma_wait3A_117 = tpu.memref_slice %arg3[%add3A, %run_scoped3A, %dma_wait3A_115, %dma_wait3A_116] : memref<32x2x63x80xi32, #tpu.memory_space<hbm>> -> memref<1x1x63x80xi32, #tpu.memory_space<hbm>>
      %dma_wait3A_118 = tpu.memref_squeeze %dma_wait3A_117 : memref<1x1x63x80xi32, #tpu.memory_space<hbm>> -> memref<63x80xi32, #tpu.memory_space<hbm>>
      tpu.wait_dma2 semaphore(%run_scoped3A_102 : memref<!tpu.dma_semaphore, #tpu.memory_space<semaphore_mem>>) src(%dma_wait3A_118 : memref<63x80xi32, #tpu.memory_space<hbm>>) dst(%arg6 : memref<63x80xi32, #tpu.memory_space<vmem>>)
      tpu.yield
    }) : () -> ()
    %run_scoped3A_26 = arith.constant 0 : i32
    "tpu.region"() ({
      %run_scoped3A_102 = tpu.sem_alloc : memref<!tpu.dma_semaphore, #tpu.memory_space<semaphore_mem>>
      %dma_start3A_103 = arith.constant 0 : i32
      %dma_start3A_104 = arith.constant 0 : i32
      %dma_start3A_105 = tpu.memref_slice %arg4[%add3A, %run_scoped3A_26, %dma_start3A_103, %dma_start3A_104] : memref<32x2x63x80xi32, #tpu.memory_space<hbm>> -> memref<1x1x63x80xi32, #tpu.memory_space<hbm>>
      %dma_start3A_106 = tpu.memref_squeeze %dma_start3A_105 : memref<1x1x63x80xi32, #tpu.memory_space<hbm>> -> memref<63x80xi32, #tpu.memory_space<hbm>>
      %dma_start3A_107 = arith.constant 0 : i32
      %dma_start3A_108 = arith.constant 0 : i32
      %dma_start3A_109 = tpu.memref_slice %arg4[%add3A, %run_scoped3A_26, %dma_start3A_107, %dma_start3A_108] : memref<32x2x63x80xi32, #tpu.memory_space<hbm>> -> memref<1x1x63x80xi32, #tpu.memory_space<hbm>>
      %dma_start3A_110 = tpu.memref_squeeze %dma_start3A_109 : memref<1x1x63x80xi32, #tpu.memory_space<hbm>> -> memref<63x80xi32, #tpu.memory_space<hbm>>
      tpu.enqueue_dma source(%dma_start3A_110 : memref<63x80xi32, #tpu.memory_space<hbm>>) target(%arg7 : memref<63x80xi32, #tpu.memory_space<vmem>>) target_semaphore(%run_scoped3A_102 : memref<!tpu.dma_semaphore, #tpu.memory_space<semaphore_mem>>)
      %dma_wait3A_111 = arith.constant 0 : i32
      %dma_wait3A_112 = arith.constant 0 : i32
      %dma_wait3A_113 = tpu.memref_slice %arg4[%add3A, %run_scoped3A_26, %dma_wait3A_111, %dma_wait3A_112] : memref<32x2x63x80xi32, #tpu.memory_space<hbm>> -> memref<1x1x63x80xi32, #tpu.memory_space<hbm>>
      %dma_wait3A_114 = tpu.memref_squeeze %dma_wait3A_113 : memref<1x1x63x80xi32, #tpu.memory_space<hbm>> -> memref<63x80xi32, #tpu.memory_space<hbm>>
      %dma_wait3A_115 = arith.constant 0 : i32
      %dma_wait3A_116 = arith.constant 0 : i32
      %dma_wait3A_117 = tpu.memref_slice %arg4[%add3A, %run_scoped3A_26, %dma_wait3A_115, %dma_wait3A_116] : memref<32x2x63x80xi32, #tpu.memory_space<hbm>> -> memref<1x1x63x80xi32, #tpu.memory_space<hbm>>
      %dma_wait3A_118 = tpu.memref_squeeze %dma_wait3A_117 : memref<1x1x63x80xi32, #tpu.memory_space<hbm>> -> memref<63x80xi32, #tpu.memory_space<hbm>>
      tpu.wait_dma2 semaphore(%run_scoped3A_102 : memref<!tpu.dma_semaphore, #tpu.memory_space<semaphore_mem>>) src(%dma_wait3A_118 : memref<63x80xi32, #tpu.memory_space<hbm>>) dst(%arg7 : memref<63x80xi32, #tpu.memory_space<vmem>>)
      tpu.yield
    }) : () -> ()
    %dma_start3A = arith.constant 0 : i32
    %dma_start3A_27 = arith.constant 0 : i32
    %dma_start3A_28 = tpu.memref_slice %arg6[%dma_start3A, %dma_start3A_27] : memref<63x80xi32, #tpu.memory_space<vmem>> -> memref<1x80xi32, #tpu.memory_space<vmem>>
    %dma_start3A_29 = tpu.memref_squeeze %dma_start3A_28 : memref<1x80xi32, #tpu.memory_space<vmem>> -> memref<80xi32, #tpu.memory_space<vmem>>
    %dma_start3A_30 = arith.constant 0 : i32
    %dma_start3A_31 = arith.constant 0 : i32
    %dma_start3A_32 = tpu.memref_slice %arg2[%dma_start3A_30, %dma_start3A_31] : memref<10128x128xf32, #tpu.memory_space<hbm>> -> memref<10128x128xf32, #tpu.memory_space<hbm>>
    tpu.enqueue_indirect_dma source(%dma_start3A_32 : memref<10128x128xf32, #tpu.memory_space<hbm>>) target(%arg8 : memref<80x128xf32, #tpu.memory_space<vmem>>) offsets(%dma_start3A_29 : memref<80xi32, #tpu.memory_space<vmem>>) semaphore(%arg11 : memref<!tpu.dma_semaphore, #tpu.memory_space<semaphore_mem>>)
    %dma_wait3A = arith.constant 0 : i32
    %dma_wait3A_33 = arith.constant 0 : i32
    %dma_wait3A_34 = tpu.memref_slice %arg6[%dma_wait3A, %dma_wait3A_33] : memref<63x80xi32, #tpu.memory_space<vmem>> -> memref<1x80xi32, #tpu.memory_space<vmem>>
    %dma_wait3A_35 = tpu.memref_squeeze %dma_wait3A_34 : memref<1x80xi32, #tpu.memory_space<vmem>> -> memref<80xi32, #tpu.memory_space<vmem>>
    %dma_wait3A_36 = arith.constant 0 : i32
    %dma_wait3A_37 = arith.constant 0 : i32
    %dma_wait3A_38 = tpu.memref_slice %arg2[%dma_wait3A_36, %dma_wait3A_37] : memref<10128x128xf32, #tpu.memory_space<hbm>> -> memref<10128x128xf32, #tpu.memory_space<hbm>>
    tpu.wait_indirect_dma semaphore(%arg11 : memref<!tpu.dma_semaphore, #tpu.memory_space<semaphore_mem>>) src(%dma_wait3A_38 : memref<10128x128xf32, #tpu.memory_space<hbm>>) dst(%arg8 : memref<80x128xf32, #tpu.memory_space<vmem>>)
    %scan3A_39 = arith.constant 0 : i32
    %scan3A_40 = arith.constant 0 : i32
    %scan3A_41 = arith.constant 31 : i32
    %scan3A_42 = arith.addi %scan3A_40, %scan3A_41 : i32
    %scan3A_43 = arith.constant 1 : i32
    scf.for %scan3A_102 = %scan3A_40 to %scan3A_42 step %scan3A_43  : i32 {
      %mul3A_103 = arith.constant 2 : i32
      %mul3A_104 = arith.muli %mul3A_103, %scan3A_102 : i32
      %add3A_105 = arith.constant 1 : i32
      %add3A_106 = arith.addi %mul3A_104, %add3A_105 : i32
      %dma_start3A_107 = arith.constant 0 : i32
      %dma_start3A_108 = tpu.memref_slice %arg6[%add3A_106, %dma_start3A_107] : memref<63x80xi32, #tpu.memory_space<vmem>> -> memref<1x80xi32, #tpu.memory_space<vmem>>
      %dma_start3A_109 = tpu.memref_squeeze %dma_start3A_108 : memref<1x80xi32, #tpu.memory_space<vmem>> -> memref<80xi32, #tpu.memory_space<vmem>>
      %dma_start3A_110 = arith.constant 0 : i32
      %dma_start3A_111 = arith.constant 0 : i32
      %dma_start3A_112 = tpu.memref_slice %arg2[%dma_start3A_110, %dma_start3A_111] : memref<10128x128xf32, #tpu.memory_space<hbm>> -> memref<10128x128xf32, #tpu.memory_space<hbm>>
      tpu.enqueue_indirect_dma source(%dma_start3A_112 : memref<10128x128xf32, #tpu.memory_space<hbm>>) target(%arg9 : memref<80x128xf32, #tpu.memory_space<vmem>>) offsets(%dma_start3A_109 : memref<80xi32, #tpu.memory_space<vmem>>) semaphore(%arg12 : memref<!tpu.dma_semaphore, #tpu.memory_space<semaphore_mem>>)
      "tpu.region"() ({
        %run_scoped3A_135 = tpu.sem_alloc : memref<!tpu.dma_semaphore, #tpu.memory_space<semaphore_mem>>
        %dma_start3A_136 = arith.constant 0 : i32
        %dma_start3A_137 = tpu.memref_slice %arg7[%mul3A_104, %dma_start3A_136] : memref<63x80xi32, #tpu.memory_space<vmem>> -> memref<1x80xi32, #tpu.memory_space<vmem>>
        %dma_start3A_138 = tpu.memref_squeeze %dma_start3A_137 : memref<1x80xi32, #tpu.memory_space<vmem>> -> memref<80xi32, #tpu.memory_space<vmem>>
        %dma_start3A_139 = arith.constant 0 : i32
        %dma_start3A_140 = arith.constant 0 : i32
        %dma_start3A_141 = tpu.memref_slice %arg10[%dma_start3A_139, %dma_start3A_140] : memref<10000x128xf32, #tpu.memory_space<vmem_shared>> -> memref<10000x128xf32, #tpu.memory_space<vmem_shared>>
        tpu.enqueue_indirect_dma source(%arg8 : memref<80x128xf32, #tpu.memory_space<vmem>>) target(%dma_start3A_141 : memref<10000x128xf32, #tpu.memory_space<vmem_shared>>) offsets(%dma_start3A_138 : memref<80xi32, #tpu.memory_space<vmem>>) semaphore(%run_scoped3A_135 : memref<!tpu.dma_semaphore, #tpu.memory_space<semaphore_mem>>) {add = true}
        %dma_wait3A_142 = arith.constant 0 : i32
        %dma_wait3A_143 = tpu.memref_slice %arg7[%mul3A_104, %dma_wait3A_142] : memref<63x80xi32, #tpu.memory_space<vmem>> -> memref<1x80xi32, #tpu.memory_space<vmem>>
        %dma_wait3A_144 = tpu.memref_squeeze %dma_wait3A_143 : memref<1x80xi32, #tpu.memory_space<vmem>> -> memref<80xi32, #tpu.memory_space<vmem>>
        %dma_wait3A_145 = arith.constant 0 : i32
        %dma_wait3A_146 = arith.constant 0 : i32
        %dma_wait3A_147 = tpu.memref_slice %arg10[%dma_wait3A_145, %dma_wait3A_146] : memref<10000x128xf32, #tpu.memory_space<vmem_shared>> -> memref<10000x128xf32, #tpu.memory_space<vmem_shared>>
        tpu.wait_indirect_dma semaphore(%run_scoped3A_135 : memref<!tpu.dma_semaphore, #tpu.memory_space<semaphore_mem>>) src(%arg8 : memref<80x128xf32, #tpu.memory_space<vmem>>) dst(%dma_wait3A_147 : memref<10000x128xf32, #tpu.memory_space<vmem_shared>>)
        tpu.yield
      }) : () -> ()
      %add3A_113 = arith.constant 2 : i32
      %add3A_114 = arith.addi %mul3A_104, %add3A_113 : i32
      %dma_start3A_115 = arith.constant 0 : i32
      %dma_start3A_116 = tpu.memref_slice %arg6[%add3A_114, %dma_start3A_115] : memref<63x80xi32, #tpu.memory_space<vmem>> -> memref<1x80xi32, #tpu.memory_space<vmem>>
      %dma_start3A_117 = tpu.memref_squeeze %dma_start3A_116 : memref<1x80xi32, #tpu.memory_space<vmem>> -> memref<80xi32, #tpu.memory_space<vmem>>
      %dma_start3A_118 = arith.constant 0 : i32
      %dma_start3A_119 = arith.constant 0 : i32
      %dma_start3A_120 = tpu.memref_slice %arg2[%dma_start3A_118, %dma_start3A_119] : memref<10128x128xf32, #tpu.memory_space<hbm>> -> memref<10128x128xf32, #tpu.memory_space<hbm>>
      tpu.enqueue_indirect_dma source(%dma_start3A_120 : memref<10128x128xf32, #tpu.memory_space<hbm>>) target(%arg8 : memref<80x128xf32, #tpu.memory_space<vmem>>) offsets(%dma_start3A_117 : memref<80xi32, #tpu.memory_space<vmem>>) semaphore(%arg11 : memref<!tpu.dma_semaphore, #tpu.memory_space<semaphore_mem>>)
      %dma_wait3A_121 = arith.constant 0 : i32
      %dma_wait3A_122 = tpu.memref_slice %arg6[%add3A_106, %dma_wait3A_121] : memref<63x80xi32, #tpu.memory_space<vmem>> -> memref<1x80xi32, #tpu.memory_space<vmem>>
      %dma_wait3A_123 = tpu.memref_squeeze %dma_wait3A_122 : memref<1x80xi32, #tpu.memory_space<vmem>> -> memref<80xi32, #tpu.memory_space<vmem>>
      %dma_wait3A_124 = arith.constant 0 : i32
      %dma_wait3A_125 = arith.constant 0 : i32
      %dma_wait3A_126 = tpu.memref_slice %arg2[%dma_wait3A_124, %dma_wait3A_125] : memref<10128x128xf32, #tpu.memory_space<hbm>> -> memref<10128x128xf32, #tpu.memory_space<hbm>>
      tpu.wait_indirect_dma semaphore(%arg12 : memref<!tpu.dma_semaphore, #tpu.memory_space<semaphore_mem>>) src(%dma_wait3A_126 : memref<10128x128xf32, #tpu.memory_space<hbm>>) dst(%arg9 : memref<80x128xf32, #tpu.memory_space<vmem>>)
      %add3A_127 = arith.constant 1 : i32
      %add3A_128 = arith.addi %mul3A_104, %add3A_127 : i32
      "tpu.region"() ({
        %run_scoped3A_135 = tpu.sem_alloc : memref<!tpu.dma_semaphore, #tpu.memory_space<semaphore_mem>>
        %dma_start3A_136 = arith.constant 0 : i32
        %dma_start3A_137 = tpu.memref_slice %arg7[%add3A_128, %dma_start3A_136] : memref<63x80xi32, #tpu.memory_space<vmem>> -> memref<1x80xi32, #tpu.memory_space<vmem>>
        %dma_start3A_138 = tpu.memref_squeeze %dma_start3A_137 : memref<1x80xi32, #tpu.memory_space<vmem>> -> memref<80xi32, #tpu.memory_space<vmem>>
        %dma_start3A_139 = arith.constant 0 : i32
        %dma_start3A_140 = arith.constant 0 : i32
        %dma_start3A_141 = tpu.memref_slice %arg10[%dma_start3A_139, %dma_start3A_140] : memref<10000x128xf32, #tpu.memory_space<vmem_shared>> -> memref<10000x128xf32, #tpu.memory_space<vmem_shared>>
        tpu.enqueue_indirect_dma source(%arg9 : memref<80x128xf32, #tpu.memory_space<vmem>>) target(%dma_start3A_141 : memref<10000x128xf32, #tpu.memory_space<vmem_shared>>) offsets(%dma_start3A_138 : memref<80xi32, #tpu.memory_space<vmem>>) semaphore(%run_scoped3A_135 : memref<!tpu.dma_semaphore, #tpu.memory_space<semaphore_mem>>) {add = true}
        %dma_wait3A_142 = arith.constant 0 : i32
        %dma_wait3A_143 = tpu.memref_slice %arg7[%add3A_128, %dma_wait3A_142] : memref<63x80xi32, #tpu.memory_space<vmem>> -> memref<1x80xi32, #tpu.memory_space<vmem>>
        %dma_wait3A_144 = tpu.memref_squeeze %dma_wait3A_143 : memref<1x80xi32, #tpu.memory_space<vmem>> -> memref<80xi32, #tpu.memory_space<vmem>>
        %dma_wait3A_145 = arith.constant 0 : i32
        %dma_wait3A_146 = arith.constant 0 : i32
        %dma_wait3A_147 = tpu.memref_slice %arg10[%dma_wait3A_145, %dma_wait3A_146] : memref<10000x128xf32, #tpu.memory_space<vmem_shared>> -> memref<10000x128xf32, #tpu.memory_space<vmem_shared>>
        tpu.wait_indirect_dma semaphore(%run_scoped3A_135 : memref<!tpu.dma_semaphore, #tpu.memory_space<semaphore_mem>>) src(%arg9 : memref<80x128xf32, #tpu.memory_space<vmem>>) dst(%dma_wait3A_147 : memref<10000x128xf32, #tpu.memory_space<vmem_shared>>)
        tpu.yield
      }) : () -> ()
      %dma_wait3A_129 = arith.constant 0 : i32
      %dma_wait3A_130 = tpu.memref_slice %arg6[%add3A_114, %dma_wait3A_129] : memref<63x80xi32, #tpu.memory_space<vmem>> -> memref<1x80xi32, #tpu.memory_space<vmem>>
      %dma_wait3A_131 = tpu.memref_squeeze %dma_wait3A_130 : memref<1x80xi32, #tpu.memory_space<vmem>> -> memref<80xi32, #tpu.memory_space<vmem>>
      %dma_wait3A_132 = arith.constant 0 : i32
      %dma_wait3A_133 = arith.constant 0 : i32
      %dma_wait3A_134 = tpu.memref_slice %arg2[%dma_wait3A_132, %dma_wait3A_133] : memref<10128x128xf32, #tpu.memory_space<hbm>> -> memref<10128x128xf32, #tpu.memory_space<hbm>>
      tpu.wait_indirect_dma semaphore(%arg11 : memref<!tpu.dma_semaphore, #tpu.memory_space<semaphore_mem>>) src(%dma_wait3A_134 : memref<10128x128xf32, #tpu.memory_space<hbm>>) dst(%arg8 : memref<80x128xf32, #tpu.memory_space<vmem>>)
    }
    %scan3A_44 = arith.constant 31 : i32
    %run_scoped3A_45 = arith.constant 62 : i32
    "tpu.region"() ({
      %run_scoped3A_102 = tpu.sem_alloc : memref<!tpu.dma_semaphore, #tpu.memory_space<semaphore_mem>>
      %dma_start3A_103 = arith.constant 0 : i32
      %dma_start3A_104 = tpu.memref_slice %arg7[%run_scoped3A_45, %dma_start3A_103] : memref<63x80xi32, #tpu.memory_space<vmem>> -> memref<1x80xi32, #tpu.memory_space<vmem>>
      %dma_start3A_105 = tpu.memref_squeeze %dma_start3A_104 : memref<1x80xi32, #tpu.memory_space<vmem>> -> memref<80xi32, #tpu.memory_space<vmem>>
      %dma_start3A_106 = arith.constant 0 : i32
      %dma_start3A_107 = arith.constant 0 : i32
      %dma_start3A_108 = tpu.memref_slice %arg10[%dma_start3A_106, %dma_start3A_107] : memref<10000x128xf32, #tpu.memory_space<vmem_shared>> -> memref<10000x128xf32, #tpu.memory_space<vmem_shared>>
      tpu.enqueue_indirect_dma source(%arg8 : memref<80x128xf32, #tpu.memory_space<vmem>>) target(%dma_start3A_108 : memref<10000x128xf32, #tpu.memory_space<vmem_shared>>) offsets(%dma_start3A_105 : memref<80xi32, #tpu.memory_space<vmem>>) semaphore(%run_scoped3A_102 : memref<!tpu.dma_semaphore, #tpu.memory_space<semaphore_mem>>) {add = true}
      %dma_wait3A_109 = arith.constant 0 : i32
      %dma_wait3A_110 = tpu.memref_slice %arg7[%run_scoped3A_45, %dma_wait3A_109] : memref<63x80xi32, #tpu.memory_space<vmem>> -> memref<1x80xi32, #tpu.memory_space<vmem>>
      %dma_wait3A_111 = tpu.memref_squeeze %dma_wait3A_110 : memref<1x80xi32, #tpu.memory_space<vmem>> -> memref<80xi32, #tpu.memory_space<vmem>>
      %dma_wait3A_112 = arith.constant 0 : i32
      %dma_wait3A_113 = arith.constant 0 : i32
      %dma_wait3A_114 = tpu.memref_slice %arg10[%dma_wait3A_112, %dma_wait3A_113] : memref<10000x128xf32, #tpu.memory_space<vmem_shared>> -> memref<10000x128xf32, #tpu.memory_space<vmem_shared>>
      tpu.wait_indirect_dma semaphore(%run_scoped3A_102 : memref<!tpu.dma_semaphore, #tpu.memory_space<semaphore_mem>>) src(%arg8 : memref<80x128xf32, #tpu.memory_space<vmem>>) dst(%dma_wait3A_114 : memref<10000x128xf32, #tpu.memory_space<vmem_shared>>)
      tpu.yield
    }) : () -> ()
    %run_scoped3A_46 = arith.constant 1 : i32
    "tpu.region"() ({
      %run_scoped3A_102 = tpu.sem_alloc : memref<!tpu.dma_semaphore, #tpu.memory_space<semaphore_mem>>
      %dma_start3A_103 = arith.constant 0 : i32
      %dma_start3A_104 = arith.constant 0 : i32
      %dma_start3A_105 = tpu.memref_slice %arg3[%add3A, %run_scoped3A_46, %dma_start3A_103, %dma_start3A_104] : memref<32x2x63x80xi32, #tpu.memory_space<hbm>> -> memref<1x1x63x80xi32, #tpu.memory_space<hbm>>
      %dma_start3A_106 = tpu.memref_squeeze %dma_start3A_105 : memref<1x1x63x80xi32, #tpu.memory_space<hbm>> -> memref<63x80xi32, #tpu.memory_space<hbm>>
      %dma_start3A_107 = arith.constant 0 : i32
      %dma_start3A_108 = arith.constant 0 : i32
      %dma_start3A_109 = tpu.memref_slice %arg3[%add3A, %run_scoped3A_46, %dma_start3A_107, %dma_start3A_108] : memref<32x2x63x80xi32, #tpu.memory_space<hbm>> -> memref<1x1x63x80xi32, #tpu.memory_space<hbm>>
      %dma_start3A_110 = tpu.memref_squeeze %dma_start3A_109 : memref<1x1x63x80xi32, #tpu.memory_space<hbm>> -> memref<63x80xi32, #tpu.memory_space<hbm>>
      tpu.enqueue_dma source(%dma_start3A_110 : memref<63x80xi32, #tpu.memory_space<hbm>>) target(%arg6 : memref<63x80xi32, #tpu.memory_space<vmem>>) target_semaphore(%run_scoped3A_102 : memref<!tpu.dma_semaphore, #tpu.memory_space<semaphore_mem>>)
      %dma_wait3A_111 = arith.constant 0 : i32
      %dma_wait3A_112 = arith.constant 0 : i32
      %dma_wait3A_113 = tpu.memref_slice %arg3[%add3A, %run_scoped3A_46, %dma_wait3A_111, %dma_wait3A_112] : memref<32x2x63x80xi32, #tpu.memory_space<hbm>> -> memref<1x1x63x80xi32, #tpu.memory_space<hbm>>
      %dma_wait3A_114 = tpu.memref_squeeze %dma_wait3A_113 : memref<1x1x63x80xi32, #tpu.memory_space<hbm>> -> memref<63x80xi32, #tpu.memory_space<hbm>>
      %dma_wait3A_115 = arith.constant 0 : i32
      %dma_wait3A_116 = arith.constant 0 : i32
      %dma_wait3A_117 = tpu.memref_slice %arg3[%add3A, %run_scoped3A_46, %dma_wait3A_115, %dma_wait3A_116] : memref<32x2x63x80xi32, #tpu.memory_space<hbm>> -> memref<1x1x63x80xi32, #tpu.memory_space<hbm>>
      %dma_wait3A_118 = tpu.memref_squeeze %dma_wait3A_117 : memref<1x1x63x80xi32, #tpu.memory_space<hbm>> -> memref<63x80xi32, #tpu.memory_space<hbm>>
      tpu.wait_dma2 semaphore(%run_scoped3A_102 : memref<!tpu.dma_semaphore, #tpu.memory_space<semaphore_mem>>) src(%dma_wait3A_118 : memref<63x80xi32, #tpu.memory_space<hbm>>) dst(%arg6 : memref<63x80xi32, #tpu.memory_space<vmem>>)
      tpu.yield
    }) : () -> ()
    %run_scoped3A_47 = arith.constant 1 : i32
    "tpu.region"() ({
      %run_scoped3A_102 = tpu.sem_alloc : memref<!tpu.dma_semaphore, #tpu.memory_space<semaphore_mem>>
      %dma_start3A_103 = arith.constant 0 : i32
      %dma_start3A_104 = arith.constant 0 : i32
      %dma_start3A_105 = tpu.memref_slice %arg4[%add3A, %run_scoped3A_47, %dma_start3A_103, %dma_start3A_104] : memref<32x2x63x80xi32, #tpu.memory_space<hbm>> -> memref<1x1x63x80xi32, #tpu.memory_space<hbm>>
      %dma_start3A_106 = tpu.memref_squeeze %dma_start3A_105 : memref<1x1x63x80xi32, #tpu.memory_space<hbm>> -> memref<63x80xi32, #tpu.memory_space<hbm>>
      %dma_start3A_107 = arith.constant 0 : i32
      %dma_start3A_108 = arith.constant 0 : i32
      %dma_start3A_109 = tpu.memref_slice %arg4[%add3A, %run_scoped3A_47, %dma_start3A_107, %dma_start3A_108] : memref<32x2x63x80xi32, #tpu.memory_space<hbm>> -> memref<1x1x63x80xi32, #tpu.memory_space<hbm>>
      %dma_start3A_110 = tpu.memref_squeeze %dma_start3A_109 : memref<1x1x63x80xi32, #tpu.memory_space<hbm>> -> memref<63x80xi32, #tpu.memory_space<hbm>>
      tpu.enqueue_dma source(%dma_start3A_110 : memref<63x80xi32, #tpu.memory_space<hbm>>) target(%arg7 : memref<63x80xi32, #tpu.memory_space<vmem>>) target_semaphore(%run_scoped3A_102 : memref<!tpu.dma_semaphore, #tpu.memory_space<semaphore_mem>>)
      %dma_wait3A_111 = arith.constant 0 : i32
      %dma_wait3A_112 = arith.constant 0 : i32
      %dma_wait3A_113 = tpu.memref_slice %arg4[%add3A, %run_scoped3A_47, %dma_wait3A_111, %dma_wait3A_112] : memref<32x2x63x80xi32, #tpu.memory_space<hbm>> -> memref<1x1x63x80xi32, #tpu.memory_space<hbm>>
      %dma_wait3A_114 = tpu.memref_squeeze %dma_wait3A_113 : memref<1x1x63x80xi32, #tpu.memory_space<hbm>> -> memref<63x80xi32, #tpu.memory_space<hbm>>
      %dma_wait3A_115 = arith.constant 0 : i32
      %dma_wait3A_116 = arith.constant 0 : i32
      %dma_wait3A_117 = tpu.memref_slice %arg4[%add3A, %run_scoped3A_47, %dma_wait3A_115, %dma_wait3A_116] : memref<32x2x63x80xi32, #tpu.memory_space<hbm>> -> memref<1x1x63x80xi32, #tpu.memory_space<hbm>>
      %dma_wait3A_118 = tpu.memref_squeeze %dma_wait3A_117 : memref<1x1x63x80xi32, #tpu.memory_space<hbm>> -> memref<63x80xi32, #tpu.memory_space<hbm>>
      tpu.wait_dma2 semaphore(%run_scoped3A_102 : memref<!tpu.dma_semaphore, #tpu.memory_space<semaphore_mem>>) src(%dma_wait3A_118 : memref<63x80xi32, #tpu.memory_space<hbm>>) dst(%arg7 : memref<63x80xi32, #tpu.memory_space<vmem>>)
      tpu.yield
    }) : () -> ()
    %dma_start3A_48 = arith.constant 0 : i32
    %dma_start3A_49 = arith.constant 0 : i32
    %dma_start3A_50 = tpu.memref_slice %arg6[%dma_start3A_48, %dma_start3A_49] : memref<63x80xi32, #tpu.memory_space<vmem>> -> memref<1x80xi32, #tpu.memory_space<vmem>>
    %dma_start3A_51 = tpu.memref_squeeze %dma_start3A_50 : memref<1x80xi32, #tpu.memory_space<vmem>> -> memref<80xi32, #tpu.memory_space<vmem>>
    %dma_start3A_52 = arith.constant 0 : i32
    %dma_start3A_53 = arith.constant 0 : i32
    %dma_start3A_54 = tpu.memref_slice %arg2[%dma_start3A_52, %dma_start3A_53] : memref<10128x128xf32, #tpu.memory_space<hbm>> -> memref<10128x128xf32, #tpu.memory_space<hbm>>
    tpu.enqueue_indirect_dma source(%dma_start3A_54 : memref<10128x128xf32, #tpu.memory_space<hbm>>) target(%arg8 : memref<80x128xf32, #tpu.memory_space<vmem>>) offsets(%dma_start3A_51 : memref<80xi32, #tpu.memory_space<vmem>>) semaphore(%arg11 : memref<!tpu.dma_semaphore, #tpu.memory_space<semaphore_mem>>)
    %dma_wait3A_55 = arith.constant 0 : i32
    %dma_wait3A_56 = arith.constant 0 : i32
    %dma_wait3A_57 = tpu.memref_slice %arg6[%dma_wait3A_55, %dma_wait3A_56] : memref<63x80xi32, #tpu.memory_space<vmem>> -> memref<1x80xi32, #tpu.memory_space<vmem>>
    %dma_wait3A_58 = tpu.memref_squeeze %dma_wait3A_57 : memref<1x80xi32, #tpu.memory_space<vmem>> -> memref<80xi32, #tpu.memory_space<vmem>>
    %dma_wait3A_59 = arith.constant 0 : i32
    %dma_wait3A_60 = arith.constant 0 : i32
    %dma_wait3A_61 = tpu.memref_slice %arg2[%dma_wait3A_59, %dma_wait3A_60] : memref<10128x128xf32, #tpu.memory_space<hbm>> -> memref<10128x128xf32, #tpu.memory_space<hbm>>
    tpu.wait_indirect_dma semaphore(%arg11 : memref<!tpu.dma_semaphore, #tpu.memory_space<semaphore_mem>>) src(%dma_wait3A_61 : memref<10128x128xf32, #tpu.memory_space<hbm>>) dst(%arg8 : memref<80x128xf32, #tpu.memory_space<vmem>>)
    %scan3A_62 = arith.constant 0 : i32
    %scan3A_63 = arith.constant 0 : i32
    %scan3A_64 = arith.constant 31 : i32
    %scan3A_65 = arith.addi %scan3A_63, %scan3A_64 : i32
    %scan3A_66 = arith.constant 1 : i32
    scf.for %scan3A_102 = %scan3A_63 to %scan3A_65 step %scan3A_66  : i32 {
      %mul3A_103 = arith.constant 2 : i32
      %mul3A_104 = arith.muli %mul3A_103, %scan3A_102 : i32
      %add3A_105 = arith.constant 1 : i32
      %add3A_106 = arith.addi %mul3A_104, %add3A_105 : i32
      %dma_start3A_107 = arith.constant 0 : i32
      %dma_start3A_108 = tpu.memref_slice %arg6[%add3A_106, %dma_start3A_107] : memref<63x80xi32, #tpu.memory_space<vmem>> -> memref<1x80xi32, #tpu.memory_space<vmem>>
      %dma_start3A_109 = tpu.memref_squeeze %dma_start3A_108 : memref<1x80xi32, #tpu.memory_space<vmem>> -> memref<80xi32, #tpu.memory_space<vmem>>
      %dma_start3A_110 = arith.constant 0 : i32
      %dma_start3A_111 = arith.constant 0 : i32
      %dma_start3A_112 = tpu.memref_slice %arg2[%dma_start3A_110, %dma_start3A_111] : memref<10128x128xf32, #tpu.memory_space<hbm>> -> memref<10128x128xf32, #tpu.memory_space<hbm>>
      tpu.enqueue_indirect_dma source(%dma_start3A_112 : memref<10128x128xf32, #tpu.memory_space<hbm>>) target(%arg9 : memref<80x128xf32, #tpu.memory_space<vmem>>) offsets(%dma_start3A_109 : memref<80xi32, #tpu.memory_space<vmem>>) semaphore(%arg12 : memref<!tpu.dma_semaphore, #tpu.memory_space<semaphore_mem>>)
      "tpu.region"() ({
        %run_scoped3A_135 = tpu.sem_alloc : memref<!tpu.dma_semaphore, #tpu.memory_space<semaphore_mem>>
        %dma_start3A_136 = arith.constant 0 : i32
        %dma_start3A_137 = tpu.memref_slice %arg7[%mul3A_104, %dma_start3A_136] : memref<63x80xi32, #tpu.memory_space<vmem>> -> memref<1x80xi32, #tpu.memory_space<vmem>>
        %dma_start3A_138 = tpu.memref_squeeze %dma_start3A_137 : memref<1x80xi32, #tpu.memory_space<vmem>> -> memref<80xi32, #tpu.memory_space<vmem>>
        %dma_start3A_139 = arith.constant 0 : i32
        %dma_start3A_140 = arith.constant 0 : i32
        %dma_start3A_141 = tpu.memref_slice %arg10[%dma_start3A_139, %dma_start3A_140] : memref<10000x128xf32, #tpu.memory_space<vmem_shared>> -> memref<10000x128xf32, #tpu.memory_space<vmem_shared>>
        tpu.enqueue_indirect_dma source(%arg8 : memref<80x128xf32, #tpu.memory_space<vmem>>) target(%dma_start3A_141 : memref<10000x128xf32, #tpu.memory_space<vmem_shared>>) offsets(%dma_start3A_138 : memref<80xi32, #tpu.memory_space<vmem>>) semaphore(%run_scoped3A_135 : memref<!tpu.dma_semaphore, #tpu.memory_space<semaphore_mem>>) {add = true}
        %dma_wait3A_142 = arith.constant 0 : i32
        %dma_wait3A_143 = tpu.memref_slice %arg7[%mul3A_104, %dma_wait3A_142] : memref<63x80xi32, #tpu.memory_space<vmem>> -> memref<1x80xi32, #tpu.memory_space<vmem>>
        %dma_wait3A_144 = tpu.memref_squeeze %dma_wait3A_143 : memref<1x80xi32, #tpu.memory_space<vmem>> -> memref<80xi32, #tpu.memory_space<vmem>>
        %dma_wait3A_145 = arith.constant 0 : i32
        %dma_wait3A_146 = arith.constant 0 : i32
        %dma_wait3A_147 = tpu.memref_slice %arg10[%dma_wait3A_145, %dma_wait3A_146] : memref<10000x128xf32, #tpu.memory_space<vmem_shared>> -> memref<10000x128xf32, #tpu.memory_space<vmem_shared>>
        tpu.wait_indirect_dma semaphore(%run_scoped3A_135 : memref<!tpu.dma_semaphore, #tpu.memory_space<semaphore_mem>>) src(%arg8 : memref<80x128xf32, #tpu.memory_space<vmem>>) dst(%dma_wait3A_147 : memref<10000x128xf32, #tpu.memory_space<vmem_shared>>)
        tpu.yield
      }) : () -> ()
      %add3A_113 = arith.constant 2 : i32
      %add3A_114 = arith.addi %mul3A_104, %add3A_113 : i32
      %dma_start3A_115 = arith.constant 0 : i32
      %dma_start3A_116 = tpu.memref_slice %arg6[%add3A_114, %dma_start3A_115] : memref<63x80xi32, #tpu.memory_space<vmem>> -> memref<1x80xi32, #tpu.memory_space<vmem>>
      %dma_start3A_117 = tpu.memref_squeeze %dma_start3A_116 : memref<1x80xi32, #tpu.memory_space<vmem>> -> memref<80xi32, #tpu.memory_space<vmem>>
      %dma_start3A_118 = arith.constant 0 : i32
      %dma_start3A_119 = arith.constant 0 : i32
      %dma_start3A_120 = tpu.memref_slice %arg2[%dma_start3A_118, %dma_start3A_119] : memref<10128x128xf32, #tpu.memory_space<hbm>> -> memref<10128x128xf32, #tpu.memory_space<hbm>>
      tpu.enqueue_indirect_dma source(%dma_start3A_120 : memref<10128x128xf32, #tpu.memory_space<hbm>>) target(%arg8 : memref<80x128xf32, #tpu.memory_space<vmem>>) offsets(%dma_start3A_117 : memref<80xi32, #tpu.memory_space<vmem>>) semaphore(%arg11 : memref<!tpu.dma_semaphore, #tpu.memory_space<semaphore_mem>>)
      %dma_wait3A_121 = arith.constant 0 : i32
      %dma_wait3A_122 = tpu.memref_slice %arg6[%add3A_106, %dma_wait3A_121] : memref<63x80xi32, #tpu.memory_space<vmem>> -> memref<1x80xi32, #tpu.memory_space<vmem>>
      %dma_wait3A_123 = tpu.memref_squeeze %dma_wait3A_122 : memref<1x80xi32, #tpu.memory_space<vmem>> -> memref<80xi32, #tpu.memory_space<vmem>>
      %dma_wait3A_124 = arith.constant 0 : i32
      %dma_wait3A_125 = arith.constant 0 : i32
      %dma_wait3A_126 = tpu.memref_slice %arg2[%dma_wait3A_124, %dma_wait3A_125] : memref<10128x128xf32, #tpu.memory_space<hbm>> -> memref<10128x128xf32, #tpu.memory_space<hbm>>
      tpu.wait_indirect_dma semaphore(%arg12 : memref<!tpu.dma_semaphore, #tpu.memory_space<semaphore_mem>>) src(%dma_wait3A_126 : memref<10128x128xf32, #tpu.memory_space<hbm>>) dst(%arg9 : memref<80x128xf32, #tpu.memory_space<vmem>>)
      %add3A_127 = arith.constant 1 : i32
      %add3A_128 = arith.addi %mul3A_104, %add3A_127 : i32
      "tpu.region"() ({
        %run_scoped3A_135 = tpu.sem_alloc : memref<!tpu.dma_semaphore, #tpu.memory_space<semaphore_mem>>
        %dma_start3A_136 = arith.constant 0 : i32
        %dma_start3A_137 = tpu.memref_slice %arg7[%add3A_128, %dma_start3A_136] : memref<63x80xi32, #tpu.memory_space<vmem>> -> memref<1x80xi32, #tpu.memory_space<vmem>>
        %dma_start3A_138 = tpu.memref_squeeze %dma_start3A_137 : memref<1x80xi32, #tpu.memory_space<vmem>> -> memref<80xi32, #tpu.memory_space<vmem>>
        %dma_start3A_139 = arith.constant 0 : i32
        %dma_start3A_140 = arith.constant 0 : i32
        %dma_start3A_141 = tpu.memref_slice %arg10[%dma_start3A_139, %dma_start3A_140] : memref<10000x128xf32, #tpu.memory_space<vmem_shared>> -> memref<10000x128xf32, #tpu.memory_space<vmem_shared>>
        tpu.enqueue_indirect_dma source(%arg9 : memref<80x128xf32, #tpu.memory_space<vmem>>) target(%dma_start3A_141 : memref<10000x128xf32, #tpu.memory_space<vmem_shared>>) offsets(%dma_start3A_138 : memref<80xi32, #tpu.memory_space<vmem>>) semaphore(%run_scoped3A_135 : memref<!tpu.dma_semaphore, #tpu.memory_space<semaphore_mem>>) {add = true}
        %dma_wait3A_142 = arith.constant 0 : i32
        %dma_wait3A_143 = tpu.memref_slice %arg7[%add3A_128, %dma_wait3A_142] : memref<63x80xi32, #tpu.memory_space<vmem>> -> memref<1x80xi32, #tpu.memory_space<vmem>>
        %dma_wait3A_144 = tpu.memref_squeeze %dma_wait3A_143 : memref<1x80xi32, #tpu.memory_space<vmem>> -> memref<80xi32, #tpu.memory_space<vmem>>
        %dma_wait3A_145 = arith.constant 0 : i32
        %dma_wait3A_146 = arith.constant 0 : i32
        %dma_wait3A_147 = tpu.memref_slice %arg10[%dma_wait3A_145, %dma_wait3A_146] : memref<10000x128xf32, #tpu.memory_space<vmem_shared>> -> memref<10000x128xf32, #tpu.memory_space<vmem_shared>>
        tpu.wait_indirect_dma semaphore(%run_scoped3A_135 : memref<!tpu.dma_semaphore, #tpu.memory_space<semaphore_mem>>) src(%arg9 : memref<80x128xf32, #tpu.memory_space<vmem>>) dst(%dma_wait3A_147 : memref<10000x128xf32, #tpu.memory_space<vmem_shared>>)
        tpu.yield
      }) : () -> ()
      %dma_wait3A_129 = arith.constant 0 : i32
      %dma_wait3A_130 = tpu.memref_slice %arg6[%add3A_114, %dma_wait3A_129] : memref<63x80xi32, #tpu.memory_space<vmem>> -> memref<1x80xi32, #tpu.memory_space<vmem>>
      %dma_wait3A_131 = tpu.memref_squeeze %dma_wait3A_130 : memref<1x80xi32, #tpu.memory_space<vmem>> -> memref<80xi32, #tpu.memory_space<vmem>>
      %dma_wait3A_132 = arith.constant 0 : i32
      %dma_wait3A_133 = arith.constant 0 : i32
      %dma_wait3A_134 = tpu.memref_slice %arg2[%dma_wait3A_132, %dma_wait3A_133] : memref<10128x128xf32, #tpu.memory_space<hbm>> -> memref<10128x128xf32, #tpu.memory_space<hbm>>
      tpu.wait_indirect_dma semaphore(%arg11 : memref<!tpu.dma_semaphore, #tpu.memory_space<semaphore_mem>>) src(%dma_wait3A_134 : memref<10128x128xf32, #tpu.memory_space<hbm>>) dst(%arg8 : memref<80x128xf32, #tpu.memory_space<vmem>>)
    }
    %scan3A_67 = arith.constant 31 : i32
    %run_scoped3A_68 = arith.constant 62 : i32
    "tpu.region"() ({
      %run_scoped3A_102 = tpu.sem_alloc : memref<!tpu.dma_semaphore, #tpu.memory_space<semaphore_mem>>
      %dma_start3A_103 = arith.constant 0 : i32
      %dma_start3A_104 = tpu.memref_slice %arg7[%run_scoped3A_68, %dma_start3A_103] : memref<63x80xi32, #tpu.memory_space<vmem>> -> memref<1x80xi32, #tpu.memory_space<vmem>>
      %dma_start3A_105 = tpu.memref_squeeze %dma_start3A_104 : memref<1x80xi32, #tpu.memory_space<vmem>> -> memref<80xi32, #tpu.memory_space<vmem>>
      %dma_start3A_106 = arith.constant 0 : i32
      %dma_start3A_107 = arith.constant 0 : i32
      %dma_start3A_108 = tpu.memref_slice %arg10[%dma_start3A_106, %dma_start3A_107] : memref<10000x128xf32, #tpu.memory_space<vmem_shared>> -> memref<10000x128xf32, #tpu.memory_space<vmem_shared>>
      tpu.enqueue_indirect_dma source(%arg8 : memref<80x128xf32, #tpu.memory_space<vmem>>) target(%dma_start3A_108 : memref<10000x128xf32, #tpu.memory_space<vmem_shared>>) offsets(%dma_start3A_105 : memref<80xi32, #tpu.memory_space<vmem>>) semaphore(%run_scoped3A_102 : memref<!tpu.dma_semaphore, #tpu.memory_space<semaphore_mem>>) {add = true}
      %dma_wait3A_109 = arith.constant 0 : i32
      %dma_wait3A_110 = tpu.memref_slice %arg7[%run_scoped3A_68, %dma_wait3A_109] : memref<63x80xi32, #tpu.memory_space<vmem>> -> memref<1x80xi32, #tpu.memory_space<vmem>>
      %dma_wait3A_111 = tpu.memref_squeeze %dma_wait3A_110 : memref<1x80xi32, #tpu.memory_space<vmem>> -> memref<80xi32, #tpu.memory_space<vmem>>
      %dma_wait3A_112 = arith.constant 0 : i32
      %dma_wait3A_113 = arith.constant 0 : i32
      %dma_wait3A_114 = tpu.memref_slice %arg10[%dma_wait3A_112, %dma_wait3A_113] : memref<10000x128xf32, #tpu.memory_space<vmem_shared>> -> memref<10000x128xf32, #tpu.memory_space<vmem_shared>>
      tpu.wait_indirect_dma semaphore(%run_scoped3A_102 : memref<!tpu.dma_semaphore, #tpu.memory_space<semaphore_mem>>) src(%arg8 : memref<80x128xf32, #tpu.memory_space<vmem>>) dst(%dma_wait3A_114 : memref<10000x128xf32, #tpu.memory_space<vmem_shared>>)
      tpu.yield
    }) : () -> ()
    %barrier3A_69 = arith.constant 0 : index
    tpu.barrier barrier_id(%barrier3A_69)
    %add3A_70 = arith.constant 0 : i32
    %add3A_71 = arith.addi %min3A_3, %add3A_70 : i32
    "tpu.region"() ({
      %run_scoped3A_102 = tpu.sem_alloc : memref<!tpu.dma_semaphore, #tpu.memory_space<semaphore_mem>>
      %dma_start3A_103 = arith.constant 0 : i32
      %dma_start3A_104 = tpu.memref_slice %arg10[%add3A_71, %dma_start3A_103] : memref<10000x128xf32, #tpu.memory_space<vmem_shared>> -> memref<80x128xf32, #tpu.memory_space<vmem_shared>>
      %dma_start3A_105 = arith.constant 0 : i32
      %dma_start3A_106 = tpu.memref_slice %arg10[%add3A_71, %dma_start3A_105] : memref<10000x128xf32, #tpu.memory_space<vmem_shared>> -> memref<80x128xf32, #tpu.memory_space<vmem_shared>>
      tpu.enqueue_dma source(%dma_start3A_106 : memref<80x128xf32, #tpu.memory_space<vmem_shared>>) target(%arg8 : memref<80x128xf32, #tpu.memory_space<vmem>>) target_semaphore(%run_scoped3A_102 : memref<!tpu.dma_semaphore, #tpu.memory_space<semaphore_mem>>)
      %dma_wait3A_107 = arith.constant 0 : i32
      %dma_wait3A_108 = tpu.memref_slice %arg10[%add3A_71, %dma_wait3A_107] : memref<10000x128xf32, #tpu.memory_space<vmem_shared>> -> memref<80x128xf32, #tpu.memory_space<vmem_shared>>
      %dma_wait3A_109 = arith.constant 0 : i32
      %dma_wait3A_110 = tpu.memref_slice %arg10[%add3A_71, %dma_wait3A_109] : memref<10000x128xf32, #tpu.memory_space<vmem_shared>> -> memref<80x128xf32, #tpu.memory_space<vmem_shared>>
      tpu.wait_dma2 semaphore(%run_scoped3A_102 : memref<!tpu.dma_semaphore, #tpu.memory_space<semaphore_mem>>) src(%dma_wait3A_110 : memref<80x128xf32, #tpu.memory_space<vmem_shared>>) dst(%arg8 : memref<80x128xf32, #tpu.memory_space<vmem>>)
      tpu.yield
    }) : () -> ()
    %add3A_72 = arith.constant 0 : i32
    %add3A_73 = arith.addi %min3A_3, %add3A_72 : i32
    "tpu.region"() ({
      %run_scoped3A_102 = tpu.sem_alloc : memref<!tpu.dma_semaphore, #tpu.memory_space<semaphore_mem>>
      %dma_start3A_103 = arith.constant 0 : i32
      %dma_start3A_104 = tpu.memref_slice %arg5[%arg0, %add3A_73, %dma_start3A_103] : memref<2x10000x128xf32, #tpu.memory_space<hbm>> -> memref<1x80x128xf32, #tpu.memory_space<hbm>>
      %dma_start3A_105 = tpu.memref_squeeze %dma_start3A_104 : memref<1x80x128xf32, #tpu.memory_space<hbm>> -> memref<80x128xf32, #tpu.memory_space<hbm>>
      %dma_start3A_106 = arith.constant 0 : i32
      %dma_start3A_107 = tpu.memref_slice %arg5[%arg0, %add3A_73, %dma_start3A_106] : memref<2x10000x128xf32, #tpu.memory_space<hbm>> -> memref<1x80x128xf32, #tpu.memory_space<hbm>>
      %dma_start3A_108 = tpu.memref_squeeze %dma_start3A_107 : memref<1x80x128xf32, #tpu.memory_space<hbm>> -> memref<80x128xf32, #tpu.memory_space<hbm>>
      tpu.enqueue_dma source(%arg8 : memref<80x128xf32, #tpu.memory_space<vmem>>) target(%dma_start3A_108 : memref<80x128xf32, #tpu.memory_space<hbm>>) target_semaphore(%run_scoped3A_102 : memref<!tpu.dma_semaphore, #tpu.memory_space<semaphore_mem>>)
      %dma_wait3A_109 = arith.constant 0 : i32
      %dma_wait3A_110 = tpu.memref_slice %arg5[%arg0, %add3A_73, %dma_wait3A_109] : memref<2x10000x128xf32, #tpu.memory_space<hbm>> -> memref<1x80x128xf32, #tpu.memory_space<hbm>>
      %dma_wait3A_111 = tpu.memref_squeeze %dma_wait3A_110 : memref<1x80x128xf32, #tpu.memory_space<hbm>> -> memref<80x128xf32, #tpu.memory_space<hbm>>
      %dma_wait3A_112 = arith.constant 0 : i32
      %dma_wait3A_113 = tpu.memref_slice %arg5[%arg0, %add3A_73, %dma_wait3A_112] : memref<2x10000x128xf32, #tpu.memory_space<hbm>> -> memref<1x80x128xf32, #tpu.memory_space<hbm>>
      %dma_wait3A_114 = tpu.memref_squeeze %dma_wait3A_113 : memref<1x80x128xf32, #tpu.memory_space<hbm>> -> memref<80x128xf32, #tpu.memory_space<hbm>>
      tpu.wait_dma2 semaphore(%run_scoped3A_102 : memref<!tpu.dma_semaphore, #tpu.memory_space<semaphore_mem>>) src(%arg8 : memref<80x128xf32, #tpu.memory_space<vmem>>) dst(%dma_wait3A_114 : memref<80x128xf32, #tpu.memory_space<hbm>>)
      tpu.yield
    }) : () -> ()
    %add3A_74 = arith.constant 80 : i32
    %add3A_75 = arith.addi %min3A_3, %add3A_74 : i32
    "tpu.region"() ({
      %run_scoped3A_102 = tpu.sem_alloc : memref<!tpu.dma_semaphore, #tpu.memory_space<semaphore_mem>>
      %dma_start3A_103 = arith.constant 0 : i32
      %dma_start3A_104 = tpu.memref_slice %arg10[%add3A_75, %dma_start3A_103] : memref<10000x128xf32, #tpu.memory_space<vmem_shared>> -> memref<80x128xf32, #tpu.memory_space<vmem_shared>>
      %dma_start3A_105 = arith.constant 0 : i32
      %dma_start3A_106 = tpu.memref_slice %arg10[%add3A_75, %dma_start3A_105] : memref<10000x128xf32, #tpu.memory_space<vmem_shared>> -> memref<80x128xf32, #tpu.memory_space<vmem_shared>>
      tpu.enqueue_dma source(%dma_start3A_106 : memref<80x128xf32, #tpu.memory_space<vmem_shared>>) target(%arg8 : memref<80x128xf32, #tpu.memory_space<vmem>>) target_semaphore(%run_scoped3A_102 : memref<!tpu.dma_semaphore, #tpu.memory_space<semaphore_mem>>)
      %dma_wait3A_107 = arith.constant 0 : i32
      %dma_wait3A_108 = tpu.memref_slice %arg10[%add3A_75, %dma_wait3A_107] : memref<10000x128xf32, #tpu.memory_space<vmem_shared>> -> memref<80x128xf32, #tpu.memory_space<vmem_shared>>
      %dma_wait3A_109 = arith.constant 0 : i32
      %dma_wait3A_110 = tpu.memref_slice %arg10[%add3A_75, %dma_wait3A_109] : memref<10000x128xf32, #tpu.memory_space<vmem_shared>> -> memref<80x128xf32, #tpu.memory_space<vmem_shared>>
      tpu.wait_dma2 semaphore(%run_scoped3A_102 : memref<!tpu.dma_semaphore, #tpu.memory_space<semaphore_mem>>) src(%dma_wait3A_110 : memref<80x128xf32, #tpu.memory_space<vmem_shared>>) dst(%arg8 : memref<80x128xf32, #tpu.memory_space<vmem>>)
      tpu.yield
    }) : () -> ()
    %add3A_76 = arith.constant 80 : i32
    %add3A_77 = arith.addi %min3A_3, %add3A_76 : i32
    "tpu.region"() ({
      %run_scoped3A_102 = tpu.sem_alloc : memref<!tpu.dma_semaphore, #tpu.memory_space<semaphore_mem>>
      %dma_start3A_103 = arith.constant 0 : i32
      %dma_start3A_104 = tpu.memref_slice %arg5[%arg0, %add3A_77, %dma_start3A_103] : memref<2x10000x128xf32, #tpu.memory_space<hbm>> -> memref<1x80x128xf32, #tpu.memory_space<hbm>>
      %dma_start3A_105 = tpu.memref_squeeze %dma_start3A_104 : memref<1x80x128xf32, #tpu.memory_space<hbm>> -> memref<80x128xf32, #tpu.memory_space<hbm>>
      %dma_start3A_106 = arith.constant 0 : i32
      %dma_start3A_107 = tpu.memref_slice %arg5[%arg0, %add3A_77, %dma_start3A_106] : memref<2x10000x128xf32, #tpu.memory_space<hbm>> -> memref<1x80x128xf32, #tpu.memory_space<hbm>>
      %dma_start3A_108 = tpu.memref_squeeze %dma_start3A_107 : memref<1x80x128xf32, #tpu.memory_space<hbm>> -> memref<80x128xf32, #tpu.memory_space<hbm>>
      tpu.enqueue_dma source(%arg8 : memref<80x128xf32, #tpu.memory_space<vmem>>) target(%dma_start3A_108 : memref<80x128xf32, #tpu.memory_space<hbm>>) target_semaphore(%run_scoped3A_102 : memref<!tpu.dma_semaphore, #tpu.memory_space<semaphore_mem>>)
      %dma_wait3A_109 = arith.constant 0 : i32
      %dma_wait3A_110 = tpu.memref_slice %arg5[%arg0, %add3A_77, %dma_wait3A_109] : memref<2x10000x128xf32, #tpu.memory_space<hbm>> -> memref<1x80x128xf32, #tpu.memory_space<hbm>>
      %dma_wait3A_111 = tpu.memref_squeeze %dma_wait3A_110 : memref<1x80x128xf32, #tpu.memory_space<hbm>> -> memref<80x128xf32, #tpu.memory_space<hbm>>
      %dma_wait3A_112 = arith.constant 0 : i32
      %dma_wait3A_113 = tpu.memref_slice %arg5[%arg0, %add3A_77, %dma_wait3A_112] : memref<2x10000x128xf32, #tpu.memory_space<hbm>> -> memref<1x80x128xf32, #tpu.memory_space<hbm>>
      %dma_wait3A_114 = tpu.memref_squeeze %dma_wait3A_113 : memref<1x80x128xf32, #tpu.memory_space<hbm>> -> memref<80x128xf32, #tpu.memory_space<hbm>>
      tpu.wait_dma2 semaphore(%run_scoped3A_102 : memref<!tpu.dma_semaphore, #tpu.memory_space<semaphore_mem>>) src(%arg8 : memref<80x128xf32, #tpu.memory_space<vmem>>) dst(%dma_wait3A_114 : memref<80x128xf32, #tpu.memory_space<hbm>>)
      tpu.yield
    }) : () -> ()
    %add3A_78 = arith.constant 160 : i32
    %add3A_79 = arith.addi %min3A_3, %add3A_78 : i32
    "tpu.region"() ({
      %run_scoped3A_102 = tpu.sem_alloc : memref<!tpu.dma_semaphore, #tpu.memory_space<semaphore_mem>>
      %dma_start3A_103 = arith.constant 0 : i32
      %dma_start3A_104 = tpu.memref_slice %arg10[%add3A_79, %dma_start3A_103] : memref<10000x128xf32, #tpu.memory_space<vmem_shared>> -> memref<80x128xf32, #tpu.memory_space<vmem_shared>>
      %dma_start3A_105 = arith.constant 0 : i32
      %dma_start3A_106 = tpu.memref_slice %arg10[%add3A_79, %dma_start3A_105] : memref<10000x128xf32, #tpu.memory_space<vmem_shared>> -> memref<80x128xf32, #tpu.memory_space<vmem_shared>>
      tpu.enqueue_dma source(%dma_start3A_106 : memref<80x128xf32, #tpu.memory_space<vmem_shared>>) target(%arg8 : memref<80x128xf32, #tpu.memory_space<vmem>>) target_semaphore(%run_scoped3A_102 : memref<!tpu.dma_semaphore, #tpu.memory_space<semaphore_mem>>)
      %dma_wait3A_107 = arith.constant 0 : i32
      %dma_wait3A_108 = tpu.memref_slice %arg10[%add3A_79, %dma_wait3A_107] : memref<10000x128xf32, #tpu.memory_space<vmem_shared>> -> memref<80x128xf32, #tpu.memory_space<vmem_shared>>
      %dma_wait3A_109 = arith.constant 0 : i32
      %dma_wait3A_110 = tpu.memref_slice %arg10[%add3A_79, %dma_wait3A_109] : memref<10000x128xf32, #tpu.memory_space<vmem_shared>> -> memref<80x128xf32, #tpu.memory_space<vmem_shared>>
      tpu.wait_dma2 semaphore(%run_scoped3A_102 : memref<!tpu.dma_semaphore, #tpu.memory_space<semaphore_mem>>) src(%dma_wait3A_110 : memref<80x128xf32, #tpu.memory_space<vmem_shared>>) dst(%arg8 : memref<80x128xf32, #tpu.memory_space<vmem>>)
      tpu.yield
    }) : () -> ()
    %add3A_80 = arith.constant 160 : i32
    %add3A_81 = arith.addi %min3A_3, %add3A_80 : i32
    "tpu.region"() ({
      %run_scoped3A_102 = tpu.sem_alloc : memref<!tpu.dma_semaphore, #tpu.memory_space<semaphore_mem>>
      %dma_start3A_103 = arith.constant 0 : i32
      %dma_start3A_104 = tpu.memref_slice %arg5[%arg0, %add3A_81, %dma_start3A_103] : memref<2x10000x128xf32, #tpu.memory_space<hbm>> -> memref<1x80x128xf32, #tpu.memory_space<hbm>>
      %dma_start3A_105 = tpu.memref_squeeze %dma_start3A_104 : memref<1x80x128xf32, #tpu.memory_space<hbm>> -> memref<80x128xf32, #tpu.memory_space<hbm>>
      %dma_start3A_106 = arith.constant 0 : i32
      %dma_start3A_107 = tpu.memref_slice %arg5[%arg0, %add3A_81, %dma_start3A_106] : memref<2x10000x128xf32, #tpu.memory_space<hbm>> -> memref<1x80x128xf32, #tpu.memory_space<hbm>>
      %dma_start3A_108 = tpu.memref_squeeze %dma_start3A_107 : memref<1x80x128xf32, #tpu.memory_space<hbm>> -> memref<80x128xf32, #tpu.memory_space<hbm>>
      tpu.enqueue_dma source(%arg8 : memref<80x128xf32, #tpu.memory_space<vmem>>) target(%dma_start3A_108 : memref<80x128xf32, #tpu.memory_space<hbm>>) target_semaphore(%run_scoped3A_102 : memref<!tpu.dma_semaphore, #tpu.memory_space<semaphore_mem>>)
      %dma_wait3A_109 = arith.constant 0 : i32
      %dma_wait3A_110 = tpu.memref_slice %arg5[%arg0, %add3A_81, %dma_wait3A_109] : memref<2x10000x128xf32, #tpu.memory_space<hbm>> -> memref<1x80x128xf32, #tpu.memory_space<hbm>>
      %dma_wait3A_111 = tpu.memref_squeeze %dma_wait3A_110 : memref<1x80x128xf32, #tpu.memory_space<hbm>> -> memref<80x128xf32, #tpu.memory_space<hbm>>
      %dma_wait3A_112 = arith.constant 0 : i32
      %dma_wait3A_113 = tpu.memref_slice %arg5[%arg0, %add3A_81, %dma_wait3A_112] : memref<2x10000x128xf32, #tpu.memory_space<hbm>> -> memref<1x80x128xf32, #tpu.memory_space<hbm>>
      %dma_wait3A_114 = tpu.memref_squeeze %dma_wait3A_113 : memref<1x80x128xf32, #tpu.memory_space<hbm>> -> memref<80x128xf32, #tpu.memory_space<hbm>>
      tpu.wait_dma2 semaphore(%run_scoped3A_102 : memref<!tpu.dma_semaphore, #tpu.memory_space<semaphore_mem>>) src(%arg8 : memref<80x128xf32, #tpu.memory_space<vmem>>) dst(%dma_wait3A_114 : memref<80x128xf32, #tpu.memory_space<hbm>>)
      tpu.yield
    }) : () -> ()
    %add3A_82 = arith.constant 240 : i32
    %add3A_83 = arith.addi %min3A_3, %add3A_82 : i32
    "tpu.region"() ({
      %run_scoped3A_102 = tpu.sem_alloc : memref<!tpu.dma_semaphore, #tpu.memory_space<semaphore_mem>>
      %dma_start3A_103 = arith.constant 0 : i32
      %dma_start3A_104 = tpu.memref_slice %arg10[%add3A_83, %dma_start3A_103] : memref<10000x128xf32, #tpu.memory_space<vmem_shared>> -> memref<80x128xf32, #tpu.memory_space<vmem_shared>>
      %dma_start3A_105 = arith.constant 0 : i32
      %dma_start3A_106 = tpu.memref_slice %arg10[%add3A_83, %dma_start3A_105] : memref<10000x128xf32, #tpu.memory_space<vmem_shared>> -> memref<80x128xf32, #tpu.memory_space<vmem_shared>>
      tpu.enqueue_dma source(%dma_start3A_106 : memref<80x128xf32, #tpu.memory_space<vmem_shared>>) target(%arg8 : memref<80x128xf32, #tpu.memory_space<vmem>>) target_semaphore(%run_scoped3A_102 : memref<!tpu.dma_semaphore, #tpu.memory_space<semaphore_mem>>)
      %dma_wait3A_107 = arith.constant 0 : i32
      %dma_wait3A_108 = tpu.memref_slice %arg10[%add3A_83, %dma_wait3A_107] : memref<10000x128xf32, #tpu.memory_space<vmem_shared>> -> memref<80x128xf32, #tpu.memory_space<vmem_shared>>
      %dma_wait3A_109 = arith.constant 0 : i32
      %dma_wait3A_110 = tpu.memref_slice %arg10[%add3A_83, %dma_wait3A_109] : memref<10000x128xf32, #tpu.memory_space<vmem_shared>> -> memref<80x128xf32, #tpu.memory_space<vmem_shared>>
      tpu.wait_dma2 semaphore(%run_scoped3A_102 : memref<!tpu.dma_semaphore, #tpu.memory_space<semaphore_mem>>) src(%dma_wait3A_110 : memref<80x128xf32, #tpu.memory_space<vmem_shared>>) dst(%arg8 : memref<80x128xf32, #tpu.memory_space<vmem>>)
      tpu.yield
    }) : () -> ()
    %add3A_84 = arith.constant 240 : i32
    %add3A_85 = arith.addi %min3A_3, %add3A_84 : i32
    "tpu.region"() ({
      %run_scoped3A_102 = tpu.sem_alloc : memref<!tpu.dma_semaphore, #tpu.memory_space<semaphore_mem>>
      %dma_start3A_103 = arith.constant 0 : i32
      %dma_start3A_104 = tpu.memref_slice %arg5[%arg0, %add3A_85, %dma_start3A_103] : memref<2x10000x128xf32, #tpu.memory_space<hbm>> -> memref<1x80x128xf32, #tpu.memory_space<hbm>>
      %dma_start3A_105 = tpu.memref_squeeze %dma_start3A_104 : memref<1x80x128xf32, #tpu.memory_space<hbm>> -> memref<80x128xf32, #tpu.memory_space<hbm>>
      %dma_start3A_106 = arith.constant 0 : i32
      %dma_start3A_107 = tpu.memref_slice %arg5[%arg0, %add3A_85, %dma_start3A_106] : memref<2x10000x128xf32, #tpu.memory_space<hbm>> -> memref<1x80x128xf32, #tpu.memory_space<hbm>>
      %dma_start3A_108 = tpu.memref_squeeze %dma_start3A_107 : memref<1x80x128xf32, #tpu.memory_space<hbm>> -> memref<80x128xf32, #tpu.memory_space<hbm>>
      tpu.enqueue_dma source(%arg8 : memref<80x128xf32, #tpu.memory_space<vmem>>) target(%dma_start3A_108 : memref<80x128xf32, #tpu.memory_space<hbm>>) target_semaphore(%run_scoped3A_102 : memref<!tpu.dma_semaphore, #tpu.memory_space<semaphore_mem>>)
      %dma_wait3A_109 = arith.constant 0 : i32
      %dma_wait3A_110 = tpu.memref_slice %arg5[%arg0, %add3A_85, %dma_wait3A_109] : memref<2x10000x128xf32, #tpu.memory_space<hbm>> -> memref<1x80x128xf32, #tpu.memory_space<hbm>>
      %dma_wait3A_111 = tpu.memref_squeeze %dma_wait3A_110 : memref<1x80x128xf32, #tpu.memory_space<hbm>> -> memref<80x128xf32, #tpu.memory_space<hbm>>
      %dma_wait3A_112 = arith.constant 0 : i32
      %dma_wait3A_113 = tpu.memref_slice %arg5[%arg0, %add3A_85, %dma_wait3A_112] : memref<2x10000x128xf32, #tpu.memory_space<hbm>> -> memref<1x80x128xf32, #tpu.memory_space<hbm>>
      %dma_wait3A_114 = tpu.memref_squeeze %dma_wait3A_113 : memref<1x80x128xf32, #tpu.memory_space<hbm>> -> memref<80x128xf32, #tpu.memory_space<hbm>>
      tpu.wait_dma2 semaphore(%run_scoped3A_102 : memref<!tpu.dma_semaphore, #tpu.memory_space<semaphore_mem>>) src(%arg8 : memref<80x128xf32, #tpu.memory_space<vmem>>) dst(%dma_wait3A_114 : memref<80x128xf32, #tpu.memory_space<hbm>>)
      tpu.yield
    }) : () -> ()
    %add3A_86 = arith.constant 320 : i32
    %add3A_87 = arith.addi %min3A_3, %add3A_86 : i32
    "tpu.region"() ({
      %run_scoped3A_102 = tpu.sem_alloc : memref<!tpu.dma_semaphore, #tpu.memory_space<semaphore_mem>>
      %dma_start3A_103 = arith.constant 0 : i32
      %dma_start3A_104 = tpu.memref_slice %arg10[%add3A_87, %dma_start3A_103] : memref<10000x128xf32, #tpu.memory_space<vmem_shared>> -> memref<80x128xf32, #tpu.memory_space<vmem_shared>>
      %dma_start3A_105 = arith.constant 0 : i32
      %dma_start3A_106 = tpu.memref_slice %arg10[%add3A_87, %dma_start3A_105] : memref<10000x128xf32, #tpu.memory_space<vmem_shared>> -> memref<80x128xf32, #tpu.memory_space<vmem_shared>>
      tpu.enqueue_dma source(%dma_start3A_106 : memref<80x128xf32, #tpu.memory_space<vmem_shared>>) target(%arg8 : memref<80x128xf32, #tpu.memory_space<vmem>>) target_semaphore(%run_scoped3A_102 : memref<!tpu.dma_semaphore, #tpu.memory_space<semaphore_mem>>)
      %dma_wait3A_107 = arith.constant 0 : i32
      %dma_wait3A_108 = tpu.memref_slice %arg10[%add3A_87, %dma_wait3A_107] : memref<10000x128xf32, #tpu.memory_space<vmem_shared>> -> memref<80x128xf32, #tpu.memory_space<vmem_shared>>
      %dma_wait3A_109 = arith.constant 0 : i32
      %dma_wait3A_110 = tpu.memref_slice %arg10[%add3A_87, %dma_wait3A_109] : memref<10000x128xf32, #tpu.memory_space<vmem_shared>> -> memref<80x128xf32, #tpu.memory_space<vmem_shared>>
      tpu.wait_dma2 semaphore(%run_scoped3A_102 : memref<!tpu.dma_semaphore, #tpu.memory_space<semaphore_mem>>) src(%dma_wait3A_110 : memref<80x128xf32, #tpu.memory_space<vmem_shared>>) dst(%arg8 : memref<80x128xf32, #tpu.memory_space<vmem>>)
      tpu.yield
    }) : () -> ()
    %add3A_88 = arith.constant 320 : i32
    %add3A_89 = arith.addi %min3A_3, %add3A_88 : i32
    "tpu.region"() ({
      %run_scoped3A_102 = tpu.sem_alloc : memref<!tpu.dma_semaphore, #tpu.memory_space<semaphore_mem>>
      %dma_start3A_103 = arith.constant 0 : i32
      %dma_start3A_104 = tpu.memref_slice %arg5[%arg0, %add3A_89, %dma_start3A_103] : memref<2x10000x128xf32, #tpu.memory_space<hbm>> -> memref<1x80x128xf32, #tpu.memory_space<hbm>>
      %dma_start3A_105 = tpu.memref_squeeze %dma_start3A_104 : memref<1x80x128xf32, #tpu.memory_space<hbm>> -> memref<80x128xf32, #tpu.memory_space<hbm>>
      %dma_start3A_106 = arith.constant 0 : i32
      %dma_start3A_107 = tpu.memref_slice %arg5[%arg0, %add3A_89, %dma_start3A_106] : memref<2x10000x128xf32, #tpu.memory_space<hbm>> -> memref<1x80x128xf32, #tpu.memory_space<hbm>>
      %dma_start3A_108 = tpu.memref_squeeze %dma_start3A_107 : memref<1x80x128xf32, #tpu.memory_space<hbm>> -> memref<80x128xf32, #tpu.memory_space<hbm>>
      tpu.enqueue_dma source(%arg8 : memref<80x128xf32, #tpu.memory_space<vmem>>) target(%dma_start3A_108 : memref<80x128xf32, #tpu.memory_space<hbm>>) target_semaphore(%run_scoped3A_102 : memref<!tpu.dma_semaphore, #tpu.memory_space<semaphore_mem>>)
      %dma_wait3A_109 = arith.constant 0 : i32
      %dma_wait3A_110 = tpu.memref_slice %arg5[%arg0, %add3A_89, %dma_wait3A_109] : memref<2x10000x128xf32, #tpu.memory_space<hbm>> -> memref<1x80x128xf32, #tpu.memory_space<hbm>>
      %dma_wait3A_111 = tpu.memref_squeeze %dma_wait3A_110 : memref<1x80x128xf32, #tpu.memory_space<hbm>> -> memref<80x128xf32, #tpu.memory_space<hbm>>
      %dma_wait3A_112 = arith.constant 0 : i32
      %dma_wait3A_113 = tpu.memref_slice %arg5[%arg0, %add3A_89, %dma_wait3A_112] : memref<2x10000x128xf32, #tpu.memory_space<hbm>> -> memref<1x80x128xf32, #tpu.memory_space<hbm>>
      %dma_wait3A_114 = tpu.memref_squeeze %dma_wait3A_113 : memref<1x80x128xf32, #tpu.memory_space<hbm>> -> memref<80x128xf32, #tpu.memory_space<hbm>>
      tpu.wait_dma2 semaphore(%run_scoped3A_102 : memref<!tpu.dma_semaphore, #tpu.memory_space<semaphore_mem>>) src(%arg8 : memref<80x128xf32, #tpu.memory_space<vmem>>) dst(%dma_wait3A_114 : memref<80x128xf32, #tpu.memory_space<hbm>>)
      tpu.yield
    }) : () -> ()
    %add3A_90 = arith.constant 400 : i32
    %add3A_91 = arith.addi %min3A_3, %add3A_90 : i32
    "tpu.region"() ({
      %run_scoped3A_102 = tpu.sem_alloc : memref<!tpu.dma_semaphore, #tpu.memory_space<semaphore_mem>>
      %dma_start3A_103 = arith.constant 0 : i32
      %dma_start3A_104 = tpu.memref_slice %arg10[%add3A_91, %dma_start3A_103] : memref<10000x128xf32, #tpu.memory_space<vmem_shared>> -> memref<80x128xf32, #tpu.memory_space<vmem_shared>>
      %dma_start3A_105 = arith.constant 0 : i32
      %dma_start3A_106 = tpu.memref_slice %arg10[%add3A_91, %dma_start3A_105] : memref<10000x128xf32, #tpu.memory_space<vmem_shared>> -> memref<80x128xf32, #tpu.memory_space<vmem_shared>>
      tpu.enqueue_dma source(%dma_start3A_106 : memref<80x128xf32, #tpu.memory_space<vmem_shared>>) target(%arg8 : memref<80x128xf32, #tpu.memory_space<vmem>>) target_semaphore(%run_scoped3A_102 : memref<!tpu.dma_semaphore, #tpu.memory_space<semaphore_mem>>)
      %dma_wait3A_107 = arith.constant 0 : i32
      %dma_wait3A_108 = tpu.memref_slice %arg10[%add3A_91, %dma_wait3A_107] : memref<10000x128xf32, #tpu.memory_space<vmem_shared>> -> memref<80x128xf32, #tpu.memory_space<vmem_shared>>
      %dma_wait3A_109 = arith.constant 0 : i32
      %dma_wait3A_110 = tpu.memref_slice %arg10[%add3A_91, %dma_wait3A_109] : memref<10000x128xf32, #tpu.memory_space<vmem_shared>> -> memref<80x128xf32, #tpu.memory_space<vmem_shared>>
      tpu.wait_dma2 semaphore(%run_scoped3A_102 : memref<!tpu.dma_semaphore, #tpu.memory_space<semaphore_mem>>) src(%dma_wait3A_110 : memref<80x128xf32, #tpu.memory_space<vmem_shared>>) dst(%arg8 : memref<80x128xf32, #tpu.memory_space<vmem>>)
      tpu.yield
    }) : () -> ()
    %add3A_92 = arith.constant 400 : i32
    %add3A_93 = arith.addi %min3A_3, %add3A_92 : i32
    "tpu.region"() ({
      %run_scoped3A_102 = tpu.sem_alloc : memref<!tpu.dma_semaphore, #tpu.memory_space<semaphore_mem>>
      %dma_start3A_103 = arith.constant 0 : i32
      %dma_start3A_104 = tpu.memref_slice %arg5[%arg0, %add3A_93, %dma_start3A_103] : memref<2x10000x128xf32, #tpu.memory_space<hbm>> -> memref<1x80x128xf32, #tpu.memory_space<hbm>>
      %dma_start3A_105 = tpu.memref_squeeze %dma_start3A_104 : memref<1x80x128xf32, #tpu.memory_space<hbm>> -> memref<80x128xf32, #tpu.memory_space<hbm>>
      %dma_start3A_106 = arith.constant 0 : i32
      %dma_start3A_107 = tpu.memref_slice %arg5[%arg0, %add3A_93, %dma_start3A_106] : memref<2x10000x128xf32, #tpu.memory_space<hbm>> -> memref<1x80x128xf32, #tpu.memory_space<hbm>>
      %dma_start3A_108 = tpu.memref_squeeze %dma_start3A_107 : memref<1x80x128xf32, #tpu.memory_space<hbm>> -> memref<80x128xf32, #tpu.memory_space<hbm>>
      tpu.enqueue_dma source(%arg8 : memref<80x128xf32, #tpu.memory_space<vmem>>) target(%dma_start3A_108 : memref<80x128xf32, #tpu.memory_space<hbm>>) target_semaphore(%run_scoped3A_102 : memref<!tpu.dma_semaphore, #tpu.memory_space<semaphore_mem>>)
      %dma_wait3A_109 = arith.constant 0 : i32
      %dma_wait3A_110 = tpu.memref_slice %arg5[%arg0, %add3A_93, %dma_wait3A_109] : memref<2x10000x128xf32, #tpu.memory_space<hbm>> -> memref<1x80x128xf32, #tpu.memory_space<hbm>>
      %dma_wait3A_111 = tpu.memref_squeeze %dma_wait3A_110 : memref<1x80x128xf32, #tpu.memory_space<hbm>> -> memref<80x128xf32, #tpu.memory_space<hbm>>
      %dma_wait3A_112 = arith.constant 0 : i32
      %dma_wait3A_113 = tpu.memref_slice %arg5[%arg0, %add3A_93, %dma_wait3A_112] : memref<2x10000x128xf32, #tpu.memory_space<hbm>> -> memref<1x80x128xf32, #tpu.memory_space<hbm>>
      %dma_wait3A_114 = tpu.memref_squeeze %dma_wait3A_113 : memref<1x80x128xf32, #tpu.memory_space<hbm>> -> memref<80x128xf32, #tpu.memory_space<hbm>>
      tpu.wait_dma2 semaphore(%run_scoped3A_102 : memref<!tpu.dma_semaphore, #tpu.memory_space<semaphore_mem>>) src(%arg8 : memref<80x128xf32, #tpu.memory_space<vmem>>) dst(%dma_wait3A_114 : memref<80x128xf32, #tpu.memory_space<hbm>>)
      tpu.yield
    }) : () -> ()
    %add3A_94 = arith.constant 480 : i32
    %add3A_95 = arith.addi %min3A_3, %add3A_94 : i32
    "tpu.region"() ({
      %run_scoped3A_102 = tpu.sem_alloc : memref<!tpu.dma_semaphore, #tpu.memory_space<semaphore_mem>>
      %dma_start3A_103 = arith.constant 0 : i32
      %dma_start3A_104 = tpu.memref_slice %arg10[%add3A_95, %dma_start3A_103] : memref<10000x128xf32, #tpu.memory_space<vmem_shared>> -> memref<80x128xf32, #tpu.memory_space<vmem_shared>>
      %dma_start3A_105 = arith.constant 0 : i32
      %dma_start3A_106 = tpu.memref_slice %arg10[%add3A_95, %dma_start3A_105] : memref<10000x128xf32, #tpu.memory_space<vmem_shared>> -> memref<80x128xf32, #tpu.memory_space<vmem_shared>>
      tpu.enqueue_dma source(%dma_start3A_106 : memref<80x128xf32, #tpu.memory_space<vmem_shared>>) target(%arg8 : memref<80x128xf32, #tpu.memory_space<vmem>>) target_semaphore(%run_scoped3A_102 : memref<!tpu.dma_semaphore, #tpu.memory_space<semaphore_mem>>)
      %dma_wait3A_107 = arith.constant 0 : i32
      %dma_wait3A_108 = tpu.memref_slice %arg10[%add3A_95, %dma_wait3A_107] : memref<10000x128xf32, #tpu.memory_space<vmem_shared>> -> memref<80x128xf32, #tpu.memory_space<vmem_shared>>
      %dma_wait3A_109 = arith.constant 0 : i32
      %dma_wait3A_110 = tpu.memref_slice %arg10[%add3A_95, %dma_wait3A_109] : memref<10000x128xf32, #tpu.memory_space<vmem_shared>> -> memref<80x128xf32, #tpu.memory_space<vmem_shared>>
      tpu.wait_dma2 semaphore(%run_scoped3A_102 : memref<!tpu.dma_semaphore, #tpu.memory_space<semaphore_mem>>) src(%dma_wait3A_110 : memref<80x128xf32, #tpu.memory_space<vmem_shared>>) dst(%arg8 : memref<80x128xf32, #tpu.memory_space<vmem>>)
      tpu.yield
    }) : () -> ()
    %add3A_96 = arith.constant 480 : i32
    %add3A_97 = arith.addi %min3A_3, %add3A_96 : i32
    "tpu.region"() ({
      %run_scoped3A_102 = tpu.sem_alloc : memref<!tpu.dma_semaphore, #tpu.memory_space<semaphore_mem>>
      %dma_start3A_103 = arith.constant 0 : i32
      %dma_start3A_104 = tpu.memref_slice %arg5[%arg0, %add3A_97, %dma_start3A_103] : memref<2x10000x128xf32, #tpu.memory_space<hbm>> -> memref<1x80x128xf32, #tpu.memory_space<hbm>>
      %dma_start3A_105 = tpu.memref_squeeze %dma_start3A_104 : memref<1x80x128xf32, #tpu.memory_space<hbm>> -> memref<80x128xf32, #tpu.memory_space<hbm>>
      %dma_start3A_106 = arith.constant 0 : i32
      %dma_start3A_107 = tpu.memref_slice %arg5[%arg0, %add3A_97, %dma_start3A_106] : memref<2x10000x128xf32, #tpu.memory_space<hbm>> -> memref<1x80x128xf32, #tpu.memory_space<hbm>>
      %dma_start3A_108 = tpu.memref_squeeze %dma_start3A_107 : memref<1x80x128xf32, #tpu.memory_space<hbm>> -> memref<80x128xf32, #tpu.memory_space<hbm>>
      tpu.enqueue_dma source(%arg8 : memref<80x128xf32, #tpu.memory_space<vmem>>) target(%dma_start3A_108 : memref<80x128xf32, #tpu.memory_space<hbm>>) target_semaphore(%run_scoped3A_102 : memref<!tpu.dma_semaphore, #tpu.memory_space<semaphore_mem>>)
      %dma_wait3A_109 = arith.constant 0 : i32
      %dma_wait3A_110 = tpu.memref_slice %arg5[%arg0, %add3A_97, %dma_wait3A_109] : memref<2x10000x128xf32, #tpu.memory_space<hbm>> -> memref<1x80x128xf32, #tpu.memory_space<hbm>>
      %dma_wait3A_111 = tpu.memref_squeeze %dma_wait3A_110 : memref<1x80x128xf32, #tpu.memory_space<hbm>> -> memref<80x128xf32, #tpu.memory_space<hbm>>
      %dma_wait3A_112 = arith.constant 0 : i32
      %dma_wait3A_113 = tpu.memref_slice %arg5[%arg0, %add3A_97, %dma_wait3A_112] : memref<2x10000x128xf32, #tpu.memory_space<hbm>> -> memref<1x80x128xf32, #tpu.memory_space<hbm>>
      %dma_wait3A_114 = tpu.memref_squeeze %dma_wait3A_113 : memref<1x80x128xf32, #tpu.memory_space<hbm>> -> memref<80x128xf32, #tpu.memory_space<hbm>>
      tpu.wait_dma2 semaphore(%run_scoped3A_102 : memref<!tpu.dma_semaphore, #tpu.memory_space<semaphore_mem>>) src(%arg8 : memref<80x128xf32, #tpu.memory_space<vmem>>) dst(%dma_wait3A_114 : memref<80x128xf32, #tpu.memory_space<hbm>>)
      tpu.yield
    }) : () -> ()
    %add3A_98 = arith.constant 560 : i32
    %add3A_99 = arith.addi %min3A_3, %add3A_98 : i32
    "tpu.region"() ({
      %run_scoped3A_102 = tpu.sem_alloc : memref<!tpu.dma_semaphore, #tpu.memory_space<semaphore_mem>>
      %dma_start3A_103 = arith.constant 0 : i32
      %dma_start3A_104 = tpu.memref_slice %arg10[%add3A_99, %dma_start3A_103] : memref<10000x128xf32, #tpu.memory_space<vmem_shared>> -> memref<80x128xf32, #tpu.memory_space<vmem_shared>>
      %dma_start3A_105 = arith.constant 0 : i32
      %dma_start3A_106 = tpu.memref_slice %arg10[%add3A_99, %dma_start3A_105] : memref<10000x128xf32, #tpu.memory_space<vmem_shared>> -> memref<80x128xf32, #tpu.memory_space<vmem_shared>>
      tpu.enqueue_dma source(%dma_start3A_106 : memref<80x128xf32, #tpu.memory_space<vmem_shared>>) target(%arg8 : memref<80x128xf32, #tpu.memory_space<vmem>>) target_semaphore(%run_scoped3A_102 : memref<!tpu.dma_semaphore, #tpu.memory_space<semaphore_mem>>)
      %dma_wait3A_107 = arith.constant 0 : i32
      %dma_wait3A_108 = tpu.memref_slice %arg10[%add3A_99, %dma_wait3A_107] : memref<10000x128xf32, #tpu.memory_space<vmem_shared>> -> memref<80x128xf32, #tpu.memory_space<vmem_shared>>
      %dma_wait3A_109 = arith.constant 0 : i32
      %dma_wait3A_110 = tpu.memref_slice %arg10[%add3A_99, %dma_wait3A_109] : memref<10000x128xf32, #tpu.memory_space<vmem_shared>> -> memref<80x128xf32, #tpu.memory_space<vmem_shared>>
      tpu.wait_dma2 semaphore(%run_scoped3A_102 : memref<!tpu.dma_semaphore, #tpu.memory_space<semaphore_mem>>) src(%dma_wait3A_110 : memref<80x128xf32, #tpu.memory_space<vmem_shared>>) dst(%arg8 : memref<80x128xf32, #tpu.memory_space<vmem>>)
      tpu.yield
    }) : () -> ()
    %add3A_100 = arith.constant 560 : i32
    %add3A_101 = arith.addi %min3A_3, %add3A_100 : i32
    "tpu.region"() ({
      %run_scoped3A_102 = tpu.sem_alloc : memref<!tpu.dma_semaphore, #tpu.memory_space<semaphore_mem>>
      %dma_start3A_103 = arith.constant 0 : i32
      %dma_start3A_104 = tpu.memref_slice %arg5[%arg0, %add3A_101, %dma_start3A_103] : memref<2x10000x128xf32, #tpu.memory_space<hbm>> -> memref<1x80x128xf32, #tpu.memory_space<hbm>>
      %dma_start3A_105 = tpu.memref_squeeze %dma_start3A_104 : memref<1x80x128xf32, #tpu.memory_space<hbm>> -> memref<80x128xf32, #tpu.memory_space<hbm>>
      %dma_start3A_106 = arith.constant 0 : i32
      %dma_start3A_107 = tpu.memref_slice %arg5[%arg0, %add3A_101, %dma_start3A_106] : memref<2x10000x128xf32, #tpu.memory_space<hbm>> -> memref<1x80x128xf32, #tpu.memory_space<hbm>>
      %dma_start3A_108 = tpu.memref_squeeze %dma_start3A_107 : memref<1x80x128xf32, #tpu.memory_space<hbm>> -> memref<80x128xf32, #tpu.memory_space<hbm>>
      tpu.enqueue_dma source(%arg8 : memref<80x128xf32, #tpu.memory_space<vmem>>) target(%dma_start3A_108 : memref<80x128xf32, #tpu.memory_space<hbm>>) target_semaphore(%run_scoped3A_102 : memref<!tpu.dma_semaphore, #tpu.memory_space<semaphore_mem>>)
      %dma_wait3A_109 = arith.constant 0 : i32
      %dma_wait3A_110 = tpu.memref_slice %arg5[%arg0, %add3A_101, %dma_wait3A_109] : memref<2x10000x128xf32, #tpu.memory_space<hbm>> -> memref<1x80x128xf32, #tpu.memory_space<hbm>>
      %dma_wait3A_111 = tpu.memref_squeeze %dma_wait3A_110 : memref<1x80x128xf32, #tpu.memory_space<hbm>> -> memref<80x128xf32, #tpu.memory_space<hbm>>
      %dma_wait3A_112 = arith.constant 0 : i32
      %dma_wait3A_113 = tpu.memref_slice %arg5[%arg0, %add3A_101, %dma_wait3A_112] : memref<2x10000x128xf32, #tpu.memory_space<hbm>> -> memref<1x80x128xf32, #tpu.memory_space<hbm>>
      %dma_wait3A_114 = tpu.memref_squeeze %dma_wait3A_113 : memref<1x80x128xf32, #tpu.memory_space<hbm>> -> memref<80x128xf32, #tpu.memory_space<hbm>>
      tpu.wait_dma2 semaphore(%run_scoped3A_102 : memref<!tpu.dma_semaphore, #tpu.memory_space<semaphore_mem>>) src(%arg8 : memref<80x128xf32, #tpu.memory_space<vmem>>) dst(%dma_wait3A_114 : memref<80x128xf32, #tpu.memory_space<hbm>>)
      tpu.yield
    }) : () -> ()
    return
  }
}

module attributes {stable_mosaic.version = 14 : i64} {
  func.func @_res_body(%arg0: memref<10128x128xf32, #tpu.memory_space<vmem>>, %arg1: memref<128x128xf32, #tpu.memory_space<vmem>>, %arg2: memref<1x128xf32, #tpu.memory_space<vmem>>, %arg3: memref<10000x128xf32, #tpu.memory_space<vmem>>) attributes {dimension_semantics = [], scalar_prefetch = 0 : i64, scratch_operands = 0 : i64, tpu.core_type = #tpu.core_type<tc>} {
    %get3A = arith.constant 0 : index
    %get3A_0 = arith.constant 0 : index
    %get3A_1 = vector.load %arg0[%get3A, %get3A_0] : memref<10128x128xf32, #tpu.memory_space<vmem>>, vector<10000x128xf32>
    %get3A_2 = arith.constant 0 : index
    %get3A_3 = arith.constant 0 : index
    %get3A_4 = vector.load %arg1[%get3A_2, %get3A_3] : memref<128x128xf32, #tpu.memory_space<vmem>>, vector<128x128xf32>
    %dot_general3A = arith.constant dense<0.000000e+00> : vector<10000x128xf32>
    %dot_general3A_5 = tpu.matmul %get3A_1, %get3A_4, %dot_general3A {dimension_numbers = #tpu.dot_dimension_numbers<[1], [0], [0], [1], [0, 0, 1, 1], [], []>, transpose_lhs_hint = false} : vector<10000x128xf32>, vector<128x128xf32>, vector<10000x128xf32> -> vector<10000x128xf32>
    %get3A_6 = arith.constant 0 : index
    %get3A_7 = arith.constant 0 : index
    %get3A_8 = vector.load %arg2[%get3A_6, %get3A_7] : memref<1x128xf32, #tpu.memory_space<vmem>>, vector<1x128xf32>
    %add3A = vector.broadcast %get3A_8 : vector<1x128xf32> to vector<10000x128xf32>
    %add3A_9 = arith.addf %dot_general3A_5, %add3A : vector<10000x128xf32>
    %max3A = arith.constant 0.000000e+00 : f32
    %max3A_10 = vector.broadcast %max3A : f32 to vector<10000x128xf32>
    %max3A_11 = arith.maximumf %add3A_9, %max3A_10 : vector<10000x128xf32>
    %swap3A = arith.constant 0 : index
    %swap3A_12 = arith.constant 0 : index
    %swap3A_13 = vector.load %arg3[%swap3A, %swap3A_12] : memref<10000x128xf32, #tpu.memory_space<vmem>>, vector<10000x128xf32>
    tpu.vector_store %arg3[%swap3A, %swap3A_12], %max3A_11 {strides = array<i32>} : memref<10000x128xf32, #tpu.memory_space<vmem>>, vector<10000x128xf32>,
    return
  }
}

module attributes {stable_mosaic.version = 14 : i64} {
  func.func @_comb1_body(%arg0: memref<2x10000x128xf32, #tpu.memory_space<vmem>>, %arg1: memref<10000x128xf32, #tpu.memory_space<vmem>>, %arg2: memref<128x128xf32, #tpu.memory_space<vmem>>, %arg3: memref<1x128xf32, #tpu.memory_space<vmem>>, %arg4: memref<1x128xf32, #tpu.memory_space<vmem>>, %arg5: memref<1x128xf32, #tpu.memory_space<vmem>>, %arg6: memref<10128x128xf32, #tpu.memory_space<vmem>>) attributes {dimension_semantics = [], scalar_prefetch = 0 : i64, scratch_operands = 0 : i64, tpu.core_type = #tpu.core_type<tc>} {
    %get3A = arith.constant 0 : index
    %get3A_0 = arith.constant 0 : index
    %get3A_1 = arith.constant 0 : index
    %get3A_2 = vector.load %arg0[%get3A, %get3A_0, %get3A_1] : memref<2x10000x128xf32, #tpu.memory_space<vmem>>, vector<1x10000x128xf32>
    %get3A_3 = vector.shape_cast %get3A_2 : vector<1x10000x128xf32> to vector<10000x128xf32>
    %get3A_4 = arith.constant 1 : index
    %get3A_5 = arith.constant 0 : index
    %get3A_6 = arith.constant 0 : index
    %get3A_7 = vector.load %arg0[%get3A_4, %get3A_5, %get3A_6] : memref<2x10000x128xf32, #tpu.memory_space<vmem>>, vector<1x10000x128xf32>
    %get3A_8 = vector.shape_cast %get3A_7 : vector<1x10000x128xf32> to vector<10000x128xf32>
    %add3A = arith.addf %get3A_3, %get3A_8 : vector<10000x128xf32>
    %get3A_9 = arith.constant 0 : index
    %get3A_10 = arith.constant 0 : index
    %get3A_11 = vector.load %arg2[%get3A_9, %get3A_10] : memref<128x128xf32, #tpu.memory_space<vmem>>, vector<128x128xf32>
    %dot_general3A = arith.constant dense<0.000000e+00> : vector<10000x128xf32>
    %dot_general3A_12 = tpu.matmul %add3A, %get3A_11, %dot_general3A {dimension_numbers = #tpu.dot_dimension_numbers<[1], [0], [0], [1], [0, 0, 1, 1], [], []>, transpose_lhs_hint = false} : vector<10000x128xf32>, vector<128x128xf32>, vector<10000x128xf32> -> vector<10000x128xf32>
    %get3A_13 = arith.constant 0 : index
    %get3A_14 = arith.constant 0 : index
    %get3A_15 = vector.load %arg3[%get3A_13, %get3A_14] : memref<1x128xf32, #tpu.memory_space<vmem>>, vector<1x128xf32>
    %add3A_16 = vector.broadcast %get3A_15 : vector<1x128xf32> to vector<10000x128xf32>
    %add3A_17 = arith.addf %dot_general3A_12, %add3A_16 : vector<10000x128xf32>
    %max3A = arith.constant 0.000000e+00 : f32
    %max3A_18 = vector.broadcast %max3A : f32 to vector<10000x128xf32>
    %max3A_19 = arith.maximumf %add3A_17, %max3A_18 : vector<10000x128xf32>
    %get3A_20 = arith.constant 0 : index
    %get3A_21 = arith.constant 0 : index
    %get3A_22 = vector.load %arg1[%get3A_20, %get3A_21] : memref<10000x128xf32, #tpu.memory_space<vmem>>, vector<10000x128xf32>
    %add3A_23 = arith.addf %max3A_19, %get3A_22 : vector<10000x128xf32>
    %reduce_sum3A = arith.constant dense<0.000000e+00> : vector<128xf32>
    %reduce_sum3A_24 = vector.multi_reduction <add>, %add3A_23, %reduce_sum3A [0] : vector<10000x128xf32> to vector<128xf32>
    %broadcast_in_dim3A = vector.shape_cast %reduce_sum3A_24 : vector<128xf32> to vector<1x128xf32>
    %div3A = arith.constant 1.000000e+04 : f32
    %div3A_25 = vector.broadcast %div3A : f32 to vector<1x128xf32>
    %div3A_26 = arith.divf %broadcast_in_dim3A, %div3A_25 : vector<1x128xf32>
    %sub3A = vector.broadcast %div3A_26 : vector<1x128xf32> to vector<10000x128xf32>
    %sub3A_27 = arith.subf %add3A_23, %sub3A : vector<10000x128xf32>
    %integer_pow3A = arith.mulf %sub3A_27, %sub3A_27 : vector<10000x128xf32>
    %reduce_sum3A_28 = arith.constant dense<0.000000e+00> : vector<128xf32>
    %reduce_sum3A_29 = vector.multi_reduction <add>, %integer_pow3A, %reduce_sum3A_28 [0] : vector<10000x128xf32> to vector<128xf32>
    %broadcast_in_dim3A_30 = vector.shape_cast %reduce_sum3A_29 : vector<128xf32> to vector<1x128xf32>
    %div3A_31 = arith.constant 1.000000e+04 : f32
    %div3A_32 = vector.broadcast %div3A_31 : f32 to vector<1x128xf32>
    %div3A_33 = arith.divf %broadcast_in_dim3A_30, %div3A_32 : vector<1x128xf32>
    %get3A_34 = arith.constant 0 : index
    %get3A_35 = arith.constant 0 : index
    %get3A_36 = vector.load %arg4[%get3A_34, %get3A_35] : memref<1x128xf32, #tpu.memory_space<vmem>>, vector<1x128xf32>
    %sub3A_37 = vector.broadcast %div3A_26 : vector<1x128xf32> to vector<10000x128xf32>
    %sub3A_38 = arith.subf %add3A_23, %sub3A_37 : vector<10000x128xf32>
    %mul3A = vector.broadcast %get3A_36 : vector<1x128xf32> to vector<10000x128xf32>
    %mul3A_39 = arith.mulf %mul3A, %sub3A_38 : vector<10000x128xf32>
    %add3A_40 = arith.constant 9.99999974E-6 : f32
    %add3A_41 = vector.broadcast %add3A_40 : f32 to vector<1x128xf32>
    %add3A_42 = arith.addf %div3A_33, %add3A_41 : vector<1x128xf32>
    %rsqrt3A = math.rsqrt %add3A_42 : vector<1x128xf32>
    %mul3A_43 = vector.broadcast %rsqrt3A : vector<1x128xf32> to vector<10000x128xf32>
    %mul3A_44 = arith.mulf %mul3A_39, %mul3A_43 : vector<10000x128xf32>
    %get3A_45 = arith.constant 0 : index
    %get3A_46 = arith.constant 0 : index
    %get3A_47 = vector.load %arg5[%get3A_45, %get3A_46] : memref<1x128xf32, #tpu.memory_space<vmem>>, vector<1x128xf32>
    %add3A_48 = vector.broadcast %get3A_47 : vector<1x128xf32> to vector<10000x128xf32>
    %add3A_49 = arith.addf %mul3A_44, %add3A_48 : vector<10000x128xf32>
    %swap3A = arith.constant 0 : index
    %swap3A_50 = arith.constant 0 : index
    %swap3A_51 = vector.load %arg6[%swap3A, %swap3A_50] : memref<10128x128xf32, #tpu.memory_space<vmem>>, vector<10000x128xf32>
    tpu.vector_store %arg6[%swap3A, %swap3A_50], %add3A_49 {strides = array<i32>} : memref<10128x128xf32, #tpu.memory_space<vmem>>, vector<10000x128xf32>,
    %broadcast_in_dim3A_52 = arith.constant 0.000000e+00 : f32
    %broadcast_in_dim3A_53 = vector.broadcast %broadcast_in_dim3A_52 : f32 to vector<128x128xf32>
    %swap3A_54 = arith.constant 10000 : index
    %swap3A_55 = arith.constant 0 : index
    %swap3A_56 = vector.load %arg6[%swap3A_54, %swap3A_55] : memref<10128x128xf32, #tpu.memory_space<vmem>>, vector<128x128xf32>
    tpu.vector_store %arg6[%swap3A_54, %swap3A_55], %broadcast_in_dim3A_53 {strides = array<i32>} : memref<10128x128xf32, #tpu.memory_space<vmem>>, vector<128x128xf32>,
    return
  }
}

module attributes {stable_mosaic.version = 14 : i64} {
  func.func @_comb2_body(%arg0: memref<2x10000x128xf32, #tpu.memory_space<vmem>>, %arg1: memref<10000x128xf32, #tpu.memory_space<vmem>>, %arg2: memref<128x128xf32, #tpu.memory_space<vmem>>, %arg3: memref<1x128xf32, #tpu.memory_space<vmem>>, %arg4: memref<1x128xf32, #tpu.memory_space<vmem>>, %arg5: memref<1x128xf32, #tpu.memory_space<vmem>>, %arg6: memref<1x128xf32, #tpu.memory_space<vmem>>, %arg7: memref<1x1xf32, #tpu.memory_space<vmem>>, %arg8: memref<1x256xf32, #tpu.memory_space<vmem>>) attributes {dimension_semantics = [], scalar_prefetch = 0 : i64, scratch_operands = 0 : i64, tpu.core_type = #tpu.core_type<tc>} {
    %get3A = arith.constant 0 : index
    %get3A_0 = arith.constant 0 : index
    %get3A_1 = arith.constant 0 : index
    %get3A_2 = vector.load %arg0[%get3A, %get3A_0, %get3A_1] : memref<2x10000x128xf32, #tpu.memory_space<vmem>>, vector<1x10000x128xf32>
    %get3A_3 = vector.shape_cast %get3A_2 : vector<1x10000x128xf32> to vector<10000x128xf32>
    %get3A_4 = arith.constant 1 : index
    %get3A_5 = arith.constant 0 : index
    %get3A_6 = arith.constant 0 : index
    %get3A_7 = vector.load %arg0[%get3A_4, %get3A_5, %get3A_6] : memref<2x10000x128xf32, #tpu.memory_space<vmem>>, vector<1x10000x128xf32>
    %get3A_8 = vector.shape_cast %get3A_7 : vector<1x10000x128xf32> to vector<10000x128xf32>
    %add3A = arith.addf %get3A_3, %get3A_8 : vector<10000x128xf32>
    %get3A_9 = arith.constant 0 : index
    %get3A_10 = arith.constant 0 : index
    %get3A_11 = vector.load %arg2[%get3A_9, %get3A_10] : memref<128x128xf32, #tpu.memory_space<vmem>>, vector<128x128xf32>
    %dot_general3A = arith.constant dense<0.000000e+00> : vector<10000x128xf32>
    %dot_general3A_12 = tpu.matmul %add3A, %get3A_11, %dot_general3A {dimension_numbers = #tpu.dot_dimension_numbers<[1], [0], [0], [1], [0, 0, 1, 1], [], []>, transpose_lhs_hint = false} : vector<10000x128xf32>, vector<128x128xf32>, vector<10000x128xf32> -> vector<10000x128xf32>
    %get3A_13 = arith.constant 0 : index
    %get3A_14 = arith.constant 0 : index
    %get3A_15 = vector.load %arg3[%get3A_13, %get3A_14] : memref<1x128xf32, #tpu.memory_space<vmem>>, vector<1x128xf32>
    %add3A_16 = vector.broadcast %get3A_15 : vector<1x128xf32> to vector<10000x128xf32>
    %add3A_17 = arith.addf %dot_general3A_12, %add3A_16 : vector<10000x128xf32>
    %max3A = arith.constant 0.000000e+00 : f32
    %max3A_18 = vector.broadcast %max3A : f32 to vector<10000x128xf32>
    %max3A_19 = arith.maximumf %add3A_17, %max3A_18 : vector<10000x128xf32>
    %get3A_20 = arith.constant 0 : index
    %get3A_21 = arith.constant 0 : index
    %get3A_22 = vector.load %arg1[%get3A_20, %get3A_21] : memref<10000x128xf32, #tpu.memory_space<vmem>>, vector<10000x128xf32>
    %add3A_23 = arith.addf %max3A_19, %get3A_22 : vector<10000x128xf32>
    %reduce_sum3A = arith.constant dense<0.000000e+00> : vector<128xf32>
    %reduce_sum3A_24 = vector.multi_reduction <add>, %add3A_23, %reduce_sum3A [0] : vector<10000x128xf32> to vector<128xf32>
    %broadcast_in_dim3A = vector.shape_cast %reduce_sum3A_24 : vector<128xf32> to vector<1x128xf32>
    %div3A = arith.constant 1.000000e+04 : f32
    %div3A_25 = vector.broadcast %div3A : f32 to vector<1x128xf32>
    %div3A_26 = arith.divf %broadcast_in_dim3A, %div3A_25 : vector<1x128xf32>
    %sub3A = vector.broadcast %div3A_26 : vector<1x128xf32> to vector<10000x128xf32>
    %sub3A_27 = arith.subf %add3A_23, %sub3A : vector<10000x128xf32>
    %integer_pow3A = arith.mulf %sub3A_27, %sub3A_27 : vector<10000x128xf32>
    %reduce_sum3A_28 = arith.constant dense<0.000000e+00> : vector<128xf32>
    %reduce_sum3A_29 = vector.multi_reduction <add>, %integer_pow3A, %reduce_sum3A_28 [0] : vector<10000x128xf32> to vector<128xf32>
    %broadcast_in_dim3A_30 = vector.shape_cast %reduce_sum3A_29 : vector<128xf32> to vector<1x128xf32>
    %div3A_31 = arith.constant 1.000000e+04 : f32
    %div3A_32 = vector.broadcast %div3A_31 : f32 to vector<1x128xf32>
    %div3A_33 = arith.divf %broadcast_in_dim3A_30, %div3A_32 : vector<1x128xf32>
    %get3A_34 = arith.constant 0 : index
    %get3A_35 = arith.constant 0 : index
    %get3A_36 = vector.load %arg4[%get3A_34, %get3A_35] : memref<1x128xf32, #tpu.memory_space<vmem>>, vector<1x128xf32>
    %sub3A_37 = vector.broadcast %div3A_26 : vector<1x128xf32> to vector<10000x128xf32>
    %sub3A_38 = arith.subf %add3A_23, %sub3A_37 : vector<10000x128xf32>
    %mul3A = vector.broadcast %get3A_36 : vector<1x128xf32> to vector<10000x128xf32>
    %mul3A_39 = arith.mulf %mul3A, %sub3A_38 : vector<10000x128xf32>
    %add3A_40 = arith.constant 9.99999974E-6 : f32
    %add3A_41 = vector.broadcast %add3A_40 : f32 to vector<1x128xf32>
    %add3A_42 = arith.addf %div3A_33, %add3A_41 : vector<1x128xf32>
    %rsqrt3A = math.rsqrt %add3A_42 : vector<1x128xf32>
    %mul3A_43 = vector.broadcast %rsqrt3A : vector<1x128xf32> to vector<10000x128xf32>
    %mul3A_44 = arith.mulf %mul3A_39, %mul3A_43 : vector<10000x128xf32>
    %get3A_45 = arith.constant 0 : index
    %get3A_46 = arith.constant 0 : index
    %get3A_47 = vector.load %arg5[%get3A_45, %get3A_46] : memref<1x128xf32, #tpu.memory_space<vmem>>, vector<1x128xf32>
    %add3A_48 = vector.broadcast %get3A_47 : vector<1x128xf32> to vector<10000x128xf32>
    %add3A_49 = arith.addf %mul3A_44, %add3A_48 : vector<10000x128xf32>
    %get3A_50 = arith.constant 0 : index
    %get3A_51 = arith.constant 0 : index
    %get3A_52 = vector.load %arg6[%get3A_50, %get3A_51] : memref<1x128xf32, #tpu.memory_space<vmem>>, vector<1x128xf32>
    %mul3A_53 = vector.broadcast %get3A_52 : vector<1x128xf32> to vector<10000x128xf32>
    %mul3A_54 = arith.mulf %add3A_49, %mul3A_53 : vector<10000x128xf32>
    %reduce_sum3A_55 = arith.constant dense<0.000000e+00> : vector<10000xf32>
    %reduce_sum3A_56 = vector.multi_reduction <add>, %mul3A_54, %reduce_sum3A_55 [1] : vector<10000x128xf32> to vector<10000xf32>
    %broadcast_in_dim3A_57 = vector.shape_cast %reduce_sum3A_56 : vector<10000xf32> to vector<10000x1xf32>
    %get3A_58 = arith.constant 0 : index
    %get3A_59 = arith.constant 0 : index
    %get3A_60 = vector.load %arg7[%get3A_58, %get3A_59] : memref<1x1xf32, #tpu.memory_space<vmem>>, vector<1x1xf32>
    %add3A_61 = vector.broadcast %get3A_60 : vector<1x1xf32> to vector<10000x1xf32>
    %add3A_62 = arith.addf %broadcast_in_dim3A_57, %add3A_61 : vector<10000x1xf32>
    %neg3A = arith.constant 0.000000e+00 : f32
    %neg3A_63 = vector.broadcast %neg3A : f32 to vector<10000x1xf32>
    %neg3A_64 = arith.subf %neg3A_63, %add3A_62 : vector<10000x1xf32>
    %exp3A = math.exp %neg3A_64 : vector<10000x1xf32>
    %add3A_65 = arith.constant 1.000000e+00 : f32
    %add3A_66 = vector.broadcast %add3A_65 : f32 to vector<10000x1xf32>
    %add3A_67 = arith.addf %add3A_66, %exp3A : vector<10000x1xf32>
    %div3A_68 = arith.constant 1.000000e+00 : f32
    %div3A_69 = vector.broadcast %div3A_68 : f32 to vector<10000x1xf32>
    %div3A_70 = arith.divf %div3A_69, %add3A_67 : vector<10000x1xf32>
    %mul3A_71 = vector.broadcast %div3A_70 : vector<10000x1xf32> to vector<10000x128xf32>
    %mul3A_72 = arith.mulf %mul3A_71, %add3A_49 : vector<10000x128xf32>
    %reduce_sum3A_73 = arith.constant dense<0.000000e+00> : vector<128xf32>
    %reduce_sum3A_74 = vector.multi_reduction <add>, %mul3A_72, %reduce_sum3A_73 [0] : vector<10000x128xf32> to vector<128xf32>
    %broadcast_in_dim3A_75 = vector.shape_cast %reduce_sum3A_74 : vector<128xf32> to vector<1x128xf32>
    %reduce_max3A = arith.constant dense<0xFF800000> : vector<128xf32>
    %reduce_max3A_76 = vector.multi_reduction <maximumf>, %add3A_49, %reduce_max3A [0] : vector<10000x128xf32> to vector<128xf32>
    %broadcast_in_dim3A_77 = vector.shape_cast %reduce_max3A_76 : vector<128xf32> to vector<1x128xf32>
    %concatenate3A = tpu.concatenate %broadcast_in_dim3A_75, %broadcast_in_dim3A_77 in 1 : vector<1x128xf32>, vector<1x128xf32> -> vector<1x256xf32>
    %swap3A = arith.constant 0 : index
    %swap3A_78 = arith.constant 0 : index
    %swap3A_79 = vector.load %arg8[%swap3A, %swap3A_78] : memref<1x256xf32, #tpu.memory_space<vmem>>, vector<1x256xf32>
    tpu.vector_store %arg8[%swap3A, %swap3A_78], %concatenate3A {strides = array<i32>} : memref<1x256xf32, #tpu.memory_space<vmem>>, vector<1x256xf32>,
    return
  }
}

</mosaic_0001>

<sc_bundles>
// kernel: kernel.11.cloned.1.call-start
scs
__scs_entry_jumppad:
0x0: {  	(pc) =	sbr.rel $0x88, $3  }
0x1: {  	(tag) =	ssettag $0x0;
	lr =	simm.s32 $0x1  }
0x2: {  	[smem:$0x3F91] =	sst lr;
	_ =	strace $0xD0000000  }
0x3: {  	_ = 	snop  }
0x4: {  	_ = 	snop  }
0x5: {  	_ = 	snop  }
0x6: {  	_ = 	snop  }
0x7: {  	_ = 	snop  }
__scs_overlays_trampoline_lowered:
0x8: {  	[smem:$0x3FA0] =	sst s0  }
0x9: {  	[smem:$0x3FA1] =	sst s1  }
0xa: {  	[smem:$0x3FA2] =	sst s2  }
0xb: {  	[smem:$0x3FA3] =	sst s3  }
0xc: {  	[smem:$0x3FA4] =	sst s4  }
0xd: {  	[smem:$0x3FA5] =	sst s5  }
0xe: {  	[smem:$0x3FA6] =	sst s6  }
0xf: {  	[smem:$0x3FA7] =	sst s7  }
0x10: {  	[smem:$0x3FA8] =	sst s8  }
0x11: {  	[smem:$0x3FA9] =	sst s9;
	s0 =	simm.s32 @!p0 $0x0  }
0x12: {  	s1 =	sld [smem:$0x3F8F];
	s0 =	simm.s32 @p0 $0x1  }
0x13: {  	[smem:$0x3FAA] =	sst s0;
	s0 =	simm.s32 @!p1 $0x0  }
0x14: {  	s2 =	sld [smem:$0x3F8E];
	s0 =	simm.s32 @p1 $0x1  }
0x15: {  	[smem:$0x3FAB] =	sst s0;
	s0 =	simm.s32 @!p2 $0x0  }
0x16: {  	s3 =	sld [smem:$0x3FDB];
	s0 =	simm.s32 @p2 $0x1  }
0x17: {  	s4 =	simm.s32 $0x1BF5;
	[smem:$0x3FAD] =	sst s0  }
0x18: {  	s0 =	sld [smem:$0x3F90];
	_ =	swait.ge [sflag:s4], $0x0  }
0x19: {  	s7 =	sld [smem:$0x3F91]  }
0x1a: {  	s8 =	sadd.s32 $0xFFFFE003, lr  }
0x1b: {  	s9 =	sadd.s32 $0xFFFFFEF7, lr;
	s5 =	simm.s32 $0xFFFFFFFF;
	p2 =	slt.u32 s8, $0xFFFFF086  }
0x1c: {  	p1 =	slt.u32 s9, $0xF7A;
	s5 =	simm.s32 @!p2 $0x0  }
0x1d: {  	s5 =	simm.s32 @p1 $0x1;
	p0 =	seq.s32 s7, s2  }
0x1e: {  	s7 =	smul.u32 @!p0 $0xF7A, s2;
	p2 =	seq.s32 @!p0 s5, $0x0  }
0x1f: {  	s9 =	smul.u32 $0xF7A, s1;
	s8 =	simm.s32 @!p0 $0x1BF5;
	p2 =	por !p2, p0  }
0x20: {  	[sflag:s8] =	ssyncset.s32 @!p0 $0xFFFFF086;
	s6 =	sadd.s32 @!p0 s3, s7;
	s7 =	simm.s32 @!p0 $0x108  }
0x21: {  	s3 =	sadd.s32 s3, s9;
	s6 =	sadd.s32 @!p0 $0x88, s6;
	s7 =	simm.s32 @p2 $0x1082  }
0x22: {  	[simem:s7], [sflag:s8] =	dma.local @!p0 [hbm:s6], $0xF7A  }
0x23: {  	s9 =	sor.u32 $0xD0000000, s2;
	s6 =	simm.s32 $0x108;
	_ =	swait.ge @!p0 [sflag:s8], $0x0  }
0x24: {  	s3 =	sadd.s32 $0x88, s3;
	s6 =	simm.s32 @!p1 $0x1082;
	[sflag:s4] =	ssyncset.s32 $0xFFFFF086  }
0x25: {  	[simem:s6], [sflag:s4] =	dma.local [hbm:s3], $0xF7A  }
0x26: {  	[smem:$0x3F91] =	sst s1;
	(tag) =	ssettag s2;
	_ =	strace s9  }
0x27: {  	s1 =	sld [smem:$0x3FA1]  }
0x28: {  	s2 =	sld [smem:$0x3FA2]  }
0x29: {  	s4 =	sld [smem:$0x3FA4]  }
0x2a: {  	p0 =	seq.s32 s5, $0x0;
	s5 =	sld [smem:$0x3FA5]  }
0x2b: {  	s6 =	sld [smem:$0x3FA6]  }
0x2c: {  	s7 =	sld [smem:$0x3FA7]  }
0x2d: {  	s3 =	simm.s32 $0x108;
	s8 =	sld [smem:$0x3FA8]  }
0x2e: {  	s3 =	simm.s32 @!p0 $0x1082;
	s9 =	sld [smem:$0x3FA9]  }
0x2f: {  	lr =	sadd.s32 s0, s3;
	s0 =	sld [smem:$0x3FA0]  }
0x30: {  	s3 =	sld [smem:$0x3FA3]  }
0x31: {  	[smem:$0x3FAC] =	sst s10  }
0x32: {  	s10 =	sld [smem:$0x3FAA];
	_ =	sdelay $0x3  }
0x33: {  	p0 =	seq.s32 s10, $0x1;
	s10 =	sld [smem:$0x3FAC];
	_ =	sdelay $0x3  }
0x34: {  	[smem:$0x3FAC] =	sst s10  }
0x35: {  	s10 =	sld [smem:$0x3FAB];
	_ =	sdelay $0x3  }
0x36: {  	p1 =	seq.s32 s10, $0x1;
	s10 =	sld [smem:$0x3FAC];
	_ =	sdelay $0x3  }
0x37: {  	[smem:$0x3FAC] =	sst s10  }
0x38: {  	s10 =	sld [smem:$0x3FAD]  }
0x39: {  	_ = 	snop;
	(pc) =	sbr.ind lr, $3  }
0x3a: {  	_ = 	snop  }
0x3b: {  	_ = 	snop  }
0x3c: {  	p2 =	seq.s32 s10, $0x1;
	s10 =	sld [smem:$0x3FAC]  }
0x3d: {  	_ =	shalt  }
0x3e: {  	_ =	shalt  }
0x3f: {  	_ =	shalt  }
0x40: {  	_ =	shalt  }
0x41: {  	_ =	shalt  }
0x42: {  	_ =	shalt  }
0x43: {  	_ =	shalt  }
0x44: {  	_ =	shalt  }
0x45: {  	_ =	shalt  }
0x46: {  	_ =	shalt  }
0x47: {  	_ =	shalt  }
0x48: {  	_ =	shalt  }
0x49: {  	_ =	shalt  }
0x4a: {  	_ =	shalt  }
0x4b: {  	_ =	shalt  }
0x4c: {  	_ =	shalt  }
0x4d: {  	_ =	shalt  }
0x4e: {  	_ =	shalt  }
0x4f: {  	_ =	shalt  }
0x50: {  	_ =	shalt  }
0x51: {  	_ =	shalt  }
0x52: {  	_ =	shalt  }
0x53: {  	_ =	shalt  }
0x54: {  	_ =	shalt  }
0x55: {  	_ =	shalt  }
0x56: {  	_ =	shalt  }
0x57: {  	_ =	shalt  }
0x58: {  	_ =	shalt  }
0x59: {  	_ =	shalt  }
0x5a: {  	_ =	shalt  }
0x5b: {  	_ =	shalt  }
0x5c: {  	_ =	shalt  }
0x5d: {  	_ =	shalt  }
0x5e: {  	_ =	shalt  }
0x5f: {  	_ =	shalt  }
0x60: {  	_ =	shalt  }
0x61: {  	_ =	shalt  }
0x62: {  	_ =	shalt  }
0x63: {  	_ =	shalt  }
0x64: {  	_ =	shalt  }
0x65: {  	_ =	shalt  }
0x66: {  	_ =	shalt  }
0x67: {  	_ =	shalt  }
0x68: {  	_ =	shalt  }
0x69: {  	_ =	shalt  }
0x6a: {  	_ =	shalt  }
0x6b: {  	_ =	shalt  }
0x6c: {  	_ =	shalt  }
0x6d: {  	_ =	shalt  }
0x6e: {  	_ =	shalt  }
0x6f: {  	_ =	shalt  }
0x70: {  	_ =	shalt  }
0x71: {  	_ =	shalt  }
0x72: {  	_ =	shalt  }
0x73: {  	_ =	shalt  }
0x74: {  	_ =	shalt  }
0x75: {  	_ =	shalt  }
0x76: {  	_ =	shalt  }
0x77: {  	_ =	shalt  }
0x78: {  	_ =	shalt  }
0x79: {  	_ =	shalt  }
0x7a: {  	_ =	shalt  }
0x7b: {  	_ =	shalt  }
0x7c: {  	_ =	shalt  }
0x7d: {  	_ =	shalt  }
0x7e: {  	_ =	shalt  }
0x7f: {  	_ =	shalt  }
0x80: {  	_ =	shalt  }
0x81: {  	_ =	shalt  }
0x82: {  	_ =	shalt  }
0x83: {  	_ =	shalt  }
0x84: {  	_ =	shalt  }
0x85: {  	_ =	shalt  }
0x86: {  	_ =	shalt  }
0x87: {  	_ =	shalt  }
.Lfunc_end0:
.L_simem_size_0:
called_computation.1_lowered:
.L_overlay_start_0:
0x88: {  	s2 =	sld [smem:$0x3FD9]  }
0x89: {  	s3 =	sld [smem:$0x3FFE];
	_ =	sdelay $0x1  }
0x8a: {  	s1 =	srdreg.scid  }
0x8b: {  	s0 =	sand.u32 $0x1, s1  }
0x8c: {  	s16 =	sshll.u32 s0, $0xA;
	s2 =	sadd.s32 s3, s2  }
0x8d: {  	s2 =	sadd.s32 s2, s16  }
0x8e: {  	[smem:$0x3FB8] =	sst s2  }
0x8f: {  	_ = 	snop  }
0x90: {  	(tm) =	ssettm $0x1  }
0x91: {  	s17 =	sld [smem:$0x3FFB];
	_ =	sdelay $0x3  }
0x92: {  	_ =	strace s17  }
0x93: {  	s2 =	sld [smem:$0x3FFC];
	_ =	sdelay $0x3  }
0x94: {  	_ =	strace s2  }
0x95: {  	s2 =	sld [smem:$0x3FFD];
	_ =	sdelay $0x3  }
0x96: {  	_ =	strace s2  }
0x97: {  	_ =	strace $0x8FFFFFFF  }
0x98: {  	s18 =	sld [smem:$0x3FDB];
	_ =	sdelay $0x1  }
0x99: {  	s19 =	simm.s32 $_scs_section_size  }
0x9a: {  	s4 =	simm.s32 $_size__tile_overlayer_lowered;
	s5 =	simm.s32 $_tile_overlayer_lowered  }
0x9b: {  	s22 =	simm.s32 $0x1BFF;
	s21 =	sshll.u32 s5, $0x1;
	s2 =	sadd.s32 s19, s18  }
0x9c: {  	s6 =	simm.s32 $0x0;
	s20 =	sshll.u32 s4, $0x1;
	s4 =	sadd.s32 s21, s2  }
0x9d: {  	[timem:s6], [sflag:s22] =	dma.local [hbm:s4], s20  }
0x9e: {  	_ =	swait.ge [sflag:s22], s20  }
0x9f: {  	s3 =	ssub.s32 $0x0, s20;
	[sflag:s22] =	ssyncset.done $0x0  }
0xa0: {  	[sflag:s22] =	ssyncadd.s32 s3;
	_ =	sdelay $0x1  }
0xa1: {  	s23 =	simm.s32 $0x1B8B  }
0xa2: {  	_ =	swait.ge [sflag:s23], $0x1  }
0xa3: {  	[sflag:s23] =	ssyncset.done $0x0  }
0xa4: {  	s25 =	simm.s32 $0x1B8E;
	s24 =	sld [smem:$0x3FFE];
	[sflag:s23] =	ssyncadd.s32 $0xFFFFFFFF  }
0xa5: {  	s26 =	simm.s32 $execute0_lowered;
	[smem:$0x3FD2] =	sst s25  }
0xa6: {  	s4 =	sshll.u32 s26, $0x1;
	_ =	strace $0x80000049;
	[dreg:$0x1] =	wrdreg $0xFFFFFFFF  }
0xa7: {  	s28 =	simm.s32 $_size_execute0_lowered;
	s2 =	sadd.s32 s2, s4;
	[dreg:$0x0] =	wrdreg $0x0  }
0xa8: {  	s4 =	sshll.u32 s28, $0x1;
	[dreg:$0x2] =	wrdreg s2  }
0xa9: {  	[dreg:$0x3] =	wrdreg s4  }
0xaa: {  	[dreg:$0x4] =	wrdreg $0xC0  }
0xab: {  	_ =	task [dreg:s6], $0x5FFFF  }
0xac: {  	[dreg:$0x1] =	wrdreg $0xFFFFFFFF  }
0xad: {  	[dreg:$0x0] =	wrdreg $0x60  }
0xae: {  	[dreg:$0x2] =	wrdreg s24  }
0xaf: {  	[dreg:$0x3] =	wrdreg $0x90000  }
0xb0: {  	[dreg:$0x4] =	wrdreg $0x9  }
0xb1: {  	_ =	task.clear_ibuf [dreg:s6], $0x5FFFF;
	_ =	strace $0x90000049  }
0xb2: {  	s29 =	simm.s32 $0x9;
	_ =	strace $0x8000004B  }
0xb3: {  	_ =	swait.ge [sflag:s29], $0x1  }
0xb4: {  	[sflag:s29] =	ssyncadd.s32 $0xFFFFFFFF  }
0xb5: {  	_ =	strace $0x9000004B  }
0xb6: {  	_ =	sfence  }
0xb7: {  	s30 =	sld [smem:$0x0];
	_ =	sdelay $0x2  }
0xb8: {  	s31 =	sshll.u32 s1, $0xD;
	s1 =	sshrl.u32 s1, $0x2  }
0xb9: {  	s3 =	sand.u32 $0x4000, s31;
	s1 =	sadd.s32 s1, s30  }
0xba: {  	s0 =	sor.u32 s3, s0;
	s1 =	sshll.u32 s1, $0x11  }
0xbb: {  	s0 =	sor.u32 s1, s0  }
0xbc: {  	s0 =	sadd.s32 $0x8F2B, s0  }
0xbd: {  	[sflag:s0] =	ssyncadd.remote.s32 $0x1  }
0xbe: {  	_ =	sfence.sel $0xFFFF  }
0xbf: {  	[dreg:$0x0] =	wrdreg $0xFFFFFFFF;
	(pc) =	sbr.abs _section_cstart, $3  }
0xc0: {  	[dreg:$0x1] =	wrdreg $0xFFFFFFFF  }
0xc1: {  	_ =	task.clear_ibuf [dreg:s6], $0x2FFFF;
	_ =	strace $0x9FFFFFFF  }
0xc2: {  	(tm) =	ssettm $0x7FFFFFFF  }
0xc3: {  	_ =	shalt  }
tec
execute0_lowered:
.L_overlay_start_1:
0x0: {  	(tag) =	ssettag $0x1  }
0x1: {  	s0 =	rddreg [dreg:$0x0]  }
0x2: {  	s1 =	rddreg [dreg:$0x1]  }
0x3: {  	s2 =	srdreg.scid;
	s3 =	simm.s32 $0x0;
	s14 =	stileid.u32  }
0x4: {  	s28 =	simm.s32 $0x3;
	s29 =	simm.s32 $0x2000;
	s30 =	simm.s32 $0x50  }
0x5: {  	s31 =	simm.s32 $0x1;
	s2 =	sand.u32 $0x1, s2;
	s5 =	sadd.s32 $0x3200, s0  }
0x6: {  	s7 =	smul.u32 $0x13800, s14;
	s8 =	sadd.s32 $0x13200, s0;
	s15 =	sadd.s32 $0x4AC00, s0  }
0x7: {  	s9 =	sshll.u32 s14, $0xC;
	s25 =	smul.u32 $0x4E000, s14;
	[smem:$0x7FF] =	sst s3  }
0x8: {  	s4 =	ssub.s32 $0x2, s2;
	s10 =	sshll.u32 s2, $0xB;
	s2 =	smul.u32 $0x138800, s2  }
0x9: {  	s6 =	sshrl.u32 s4, $0x1;
	s19 =	sadd.s32 $0x5000, s7;
	s20 =	sadd.s32 $0x7800, s7  }
0xa: {  	s21 =	sadd.s32 $0xA000, s7;
	s22 =	sadd.s32 $0xC800, s7;
	s23 =	sadd.s32 $0xF000, s7  }
0xb: {  	s9 =	sor.u32 s10, s9;
	s24 =	sadd.s32 $0x11800, s7;
	s4 =	ssub.s32 s4, s6  }
0xc: {  	s6 =	sadd.s32 $0x2800, s7;
	s10 =	sor.u32 $0x400, s9;
	s11 =	sadd.s32 s5, s9  }
0xd: {  	s9 =	sadd.s32 s8, s9;
	s7 =	sadd.s32 s2, s7;
	s13 =	sadd.s32 s2, s20  }
0xe: {  	s16 =	sadd.s32 s2, s21;
	s18 =	sadd.s32 s2, s23;
	s20 =	sadd.s32 s20, s1  }
0xf: {  	s21 =	sadd.s32 s21, s1;
	s23 =	sadd.s32 s23, s1;
	[dreg:$0x3] =	wrdreg s11  }
0x10: {  	[dreg:$0x4] =	wrdreg s9;
	s5 =	sadd.s32 s5, s10;
	s26 =	sadd.s32 s8, s10  }
0x11: {  	s8 =	sadd.s32 s2, s6;
	s9 =	sadd.s32 s2, s19;
	[dreg:$0x5] =	wrdreg s5  }
0x12: {  	s19 =	sadd.s32 s19, s1;
	[dreg:$0x6] =	wrdreg s26;
	s5 =	sshrl.u32 s7, $0x3  }
0x13: {  	s7 =	sshrl.u32 s8, $0x3;
	s12 =	sshrl.u32 s9, $0x3;
	s26 =	sshrl.u32 s25, $0x2  }
0x14: {  	s25 =	smax.u32 s4, $0x1;
	s4 =	simm.s32 $0x3F00;
	s5 =	sadd.s32 s15, s5  }
0x15: {  	s11 =	sadd.s32 s15, s7;
	s7 =	sshrl.u32 s16, $0x3;
	[dreg:$0x7] =	wrdreg s5  }
0x16: {  	s16 =	sadd.s32 $0x23200, s0;
	[dreg:$0x8] =	wrdreg s11;
	s5 =	sadd.s32 s15, s12  }
0x17: {  	s0 =	simm.s32 $0x6800;
	s12 =	sadd.s32 s15, s7;
	[dreg:$0x9] =	wrdreg s5  }
0x18: {  	s5 =	sshrl.u32 s13, $0x3;
	s13 =	sadd.s32 s2, s22;
	s2 =	sadd.s32 s2, s24  }
0x19: {  	s22 =	sadd.s32 s22, s1;
	s24 =	sadd.s32 s24, s1;
	s11 =	sadd.s32 s15, s5  }
0x1a: {  	s17 =	sshrl.u32 s13, $0x3;
	s5 =	sshrl.u32 s18, $0x3;
	s2 =	sshrl.u32 s2, $0x3  }
0x1b: {  	_ =	strace $0x8000004A;
	s18 =	sadd.s32 s6, s1;
	s13 =	sadd.s32 s15, s17  }
0x1c: {  	s14 =	sadd.s32 s15, s5;
	s15 =	sadd.s32 s15, s2;
	s17 =	sadd.s32 s26, s1  }
0x1d: {  	v0 =	vimm.f32 $0.0e+00;
	s26 =	simm.s32 $0x4000;
	s2 =	simm.s32 $0x2;
	s5 =	simm.s32 $0x0  }
.LBB2_1:
0x1e: {  	s6 =	simm.s32 $0x0;
	s7 =	simm.s32 $0x200  }
.LBB2_2:
0x1f: {  	p0 =	sne.s32 s7, $0x9E00;
	[tilespmem:s6+$0x4070] =	vst v0  }
0x20: {  	[tilespmem:s6+$0x4000] =	vst v0  }
0x21: {  	[tilespmem:s6+$0x4010] =	vst v0  }
.Ltmp0:
0x22: {  	[tilespmem:s6+$0x4020] =	vst v0;
	(pc) =	sbr.rel @p0 .LBB2_2-.Ltmp0, $4  }
0x23: {  	[tilespmem:s6+$0x4030] =	vst v0  }
0x24: {  	[tilespmem:s6+$0x4040] =	vst v0  }
0x25: {  	[tilespmem:s6+$0x4050] =	vst v0  }
0x26: {  	[tilespmem:s6+$0x4060] =	vst v0;
	s6 =	sshra.s32 s7, $0x2;
	s7 =	sadd.s32 $0x200, s7  }
0x27: {  	[tilespmem:s6+$0x4070] =	vst v0  }
0x28: {  	[tilespmem:s6+$0x4000] =	vst v0  }
0x29: {  	[tilespmem:s6+$0x4010] =	vst v0  }
0x2a: {  	[tilespmem:s6+$0x4020] =	vst v0  }
0x2b: {  	[tilespmem:s6+$0x4030] =	vst v0  }
0x2c: {  	[tilespmem:s6+$0x4040] =	vst v0  }
0x2d: {  	[tilespmem:s6+$0x4050] =	vst v0  }
0x2e: {  	[tilespmem:s6+$0x4060] =	vst v0  }
0x2f: {  	[spmem:s17] =	stream.linear.scatter [tilespmem:s26], [sflag:$0x3], $0x2800, $0x38;
	[tilespmem:$0x1C880] =	vst v63  }
0x30: {  	_ =	swait.ge [sflag:s28], $0x2800  }
0x31: {  	[sflag:s28] =	ssyncset.done $0x0  }
0x32: {  	[sflag:s28] =	ssyncadd.s32 $0xFFFFD800  }
0x33: {  	[spmem:s18] =	stream.linear.scatter [tilespmem:s26], [sflag:$0x3], $0x2800, $0x38;
	[tilespmem:$0x1C880] =	vst v63  }
0x34: {  	_ =	swait.ge [sflag:s28], $0x2800  }
0x35: {  	[sflag:s28] =	ssyncset.done $0x0  }
0x36: {  	[sflag:s28] =	ssyncadd.s32 $0xFFFFD800  }
0x37: {  	[spmem:s19] =	stream.linear.scatter [tilespmem:s26], [sflag:$0x3], $0x2800, $0x38;
	[tilespmem:$0x1C880] =	vst v63  }
0x38: {  	_ =	swait.ge [sflag:s28], $0x2800  }
0x39: {  	[sflag:s28] =	ssyncset.done $0x0  }
0x3a: {  	[sflag:s28] =	ssyncadd.s32 $0xFFFFD800  }
0x3b: {  	[spmem:s20] =	stream.linear.scatter [tilespmem:s26], [sflag:$0x3], $0x2800, $0x38;
	[tilespmem:$0x1C880] =	vst v63  }
0x3c: {  	_ =	swait.ge [sflag:s28], $0x2800  }
0x3d: {  	[sflag:s28] =	ssyncset.done $0x0  }
0x3e: {  	[sflag:s28] =	ssyncadd.s32 $0xFFFFD800  }
0x3f: {  	[spmem:s21] =	stream.linear.scatter [tilespmem:s26], [sflag:$0x3], $0x2800, $0x38;
	[tilespmem:$0x1C880] =	vst v63  }
0x40: {  	_ =	swait.ge [sflag:s28], $0x2800  }
0x41: {  	[sflag:s28] =	ssyncset.done $0x0  }
0x42: {  	[sflag:s28] =	ssyncadd.s32 $0xFFFFD800  }
0x43: {  	[spmem:s22] =	stream.linear.scatter [tilespmem:s26], [sflag:$0x3], $0x2800, $0x38;
	[tilespmem:$0x1C880] =	vst v63  }
0x44: {  	_ =	swait.ge [sflag:s28], $0x2800  }
0x45: {  	[sflag:s28] =	ssyncset.done $0x0  }
0x46: {  	[sflag:s28] =	ssyncadd.s32 $0xFFFFD800  }
0x47: {  	[spmem:s23] =	stream.linear.scatter [tilespmem:s26], [sflag:$0x3], $0x2800, $0x38;
	[tilespmem:$0x1C880] =	vst v63  }
0x48: {  	_ =	swait.ge [sflag:s28], $0x2800  }
0x49: {  	[sflag:s28] =	ssyncset.done $0x0  }
0x4a: {  	[sflag:s28] =	ssyncadd.s32 $0xFFFFD800  }
0x4b: {  	[spmem:s24] =	stream.linear.scatter [tilespmem:s26], [sflag:$0x3], $0x2800, $0x38;
	[tilespmem:$0x1C880] =	vst v63  }
0x4c: {  	_ =	swait.ge [sflag:s28], $0x2800  }
0x4d: {  	[sflag:s28] =	ssyncset.done $0x0  }
0x4e: {  	[sflag:s28] =	ssyncadd.s32 $0xFFFFD800  }
0x4f: {  	[bflag:$0x0] =	sbarrier.arrive $0xFFFF  }
0x50: {  	s9 =	simm.s32 $0x0;
	s7 =	rddreg [dreg:$0x3]  }
0x51: {  	[tilespmem:s9], [sflag:$0x3] =	stream.linear.gather [hbm4b:s7+s9], $0x1F80, $0x38;
	[tilespmem:$0x1C880] =	vst v63  }
0x52: {  	_ =	swait.ge [sflag:s28], $0x1F80  }
0x53: {  	[sflag:s28] =	ssyncset.done $0x0  }
0x54: {  	s10 =	rddreg [dreg:$0x4];
	[sflag:s28] =	ssyncadd.s32 $0xFFFFE080  }
0x55: {  	[tilespmem:s29], [sflag:$0x3] =	stream.linear.gather [hbm4b:s10+s9], $0x1F80, $0x38;
	[tilespmem:$0x1C880] =	vst v63  }
0x56: {  	_ =	swait.ge [sflag:s28], $0x1F80  }
0x57: {  	[sflag:s28] =	ssyncset.done $0x0  }
0x58: {  	[sflag:s28] =	ssyncadd.s32 $0xFFFFE080  }
0x59: {  	[tilespmem:s26], [sflag:$0x1] =	stream.indirect.gather [hbm4b:s16+s30], $0x80, s9, s30, $0xb8;
	[tilespmem:$0x1C880] =	vst v63  }
0x5a: {  	_ =	swait.ge [sflag:s31], $0x2800  }
0x5b: {  	[sflag:s31] =	ssyncset.done $0x0  }
0x5c: {  	s7 =	simm.s32 $0x80;
	[sflag:s31] =	ssyncadd.s32 $0xFFFFD800  }
0x5d: {  	[tilespmem:s0], [sflag:$0x2] =	stream.indirect.gather [hbm4b:s16+s30], $0x80, s7, s30, $0xb8;
	[tilespmem:$0x1C880] =	vst v63  }
0x5e: {  	s8 =	simm.s32 $0x2000  }
0x5f: {  	[spmem:s1] =	stream.indirect.scatter.add.f32 [tilespmem:s26], [sflag:$0x3], $0x80, s8, s30, $0xb8;
	[tilespmem:$0x1C880] =	vst v63  }
0x60: {  	_ =	swait.ge [sflag:s28], $0x2800  }
0x61: {  	[sflag:s28] =	ssyncset.done $0x0  }
0x62: {  	s9 =	simm.s32 $0x100;
	[sflag:s28] =	ssyncadd.s32 $0xFFFFD800  }
0x63: {  	[tilespmem:s26], [sflag:$0x1] =	stream.indirect.gather [hbm4b:s16+s30], $0x80, s9, s30, $0xb8;
	[tilespmem:$0x1C880] =	vst v63  }
0x64: {  	_ =	swait.ge [sflag:s2], $0x2800  }
0x65: {  	[sflag:s2] =	ssyncset.done $0x0  }
0x66: {  	s10 =	simm.s32 $0x2080;
	[sflag:s2] =	ssyncadd.s32 $0xFFFFD800  }
0x67: {  	[spmem:s1] =	stream.indirect.scatter.add.f32 [tilespmem:s0], [sflag:$0x3], $0x80, s10, s30, $0xb8;
	[tilespmem:$0x1C880] =	vst v63  }
0x68: {  	_ =	swait.ge [sflag:s28], $0x2800  }
0x69: {  	[sflag:s28] =	ssyncset.done $0x0  }
0x6a: {  	[sflag:s28] =	ssyncadd.s32 $0xFFFFD800  }
0x6b: {  	_ =	swait.ge [sflag:s31], $0x2800  }
0x6c: {  	s6 =	simm.s32 $0x100;
	s7 =	simm.s32 $0x800;
	[sflag:s31] =	ssyncset.done $0x0  }
.LBB2_4:
0x6d: {  	s8 =	sadd.s32 $0x80, s6  }
0x6e: {  	[sflag:s31] =	ssyncadd.s32 $0xFFFFD800;
	s9 =	smov.u32 s7;
	s10 =	sadd.s32 $0x400, s7  }
0x6f: {  	[tilespmem:s0], [sflag:$0x2] =	stream.indirect.gather [hbm4b:s16+s30], $0x80, s8, s30, $0xb8;
	[tilespmem:$0x1C880] =	vst v63  }
0x70: {  	p0 =	sne.s32 s7, $0x7800;
	s7 =	sadd.s32 $0x2000, s6  }
0x71: {  	[spmem:s1] =	stream.indirect.scatter.add.f32 [tilespmem:s26], [sflag:$0x3], $0x80, s7, s30, $0xb8;
	[tilespmem:$0x1C880] =	vst v63  }
0x72: {  	_ =	swait.ge [sflag:s28], $0x2800  }
0x73: {  	[sflag:s28] =	ssyncset.done $0x0  }
0x74: {  	s7 =	sadd.s32 $0x100, s6;
	[sflag:s28] =	ssyncadd.s32 $0xFFFFD800  }
0x75: {  	[tilespmem:s26], [sflag:$0x1] =	stream.indirect.gather [hbm4b:s16+s30], $0x80, s7, s30, $0xb8;
	[tilespmem:$0x1C880] =	vst v63  }
0x76: {  	_ =	swait.ge [sflag:s2], $0x2800  }
0x77: {  	[sflag:s2] =	ssyncset.done $0x0  }
0x78: {  	s6 =	sadd.s32 $0x2080, s6;
	[sflag:s2] =	ssyncadd.s32 $0xFFFFD800  }
0x79: {  	[spmem:s1] =	stream.indirect.scatter.add.f32 [tilespmem:s0], [sflag:$0x3], $0x80, s6, s30, $0xb8;
	[tilespmem:$0x1C880] =	vst v63  }
.Ltmp1:
0x7a: {  	_ =	swait.ge [sflag:s28], $0x2800;
	(pc) =	sbr.rel @p0 .LBB2_4-.Ltmp1, $4  }
0x7b: {  	[sflag:s28] =	ssyncset.done $0x0  }
0x7c: {  	[sflag:s28] =	ssyncadd.s32 $0xFFFFD800  }
0x7d: {  	_ =	swait.ge [sflag:s31], $0x2800  }
0x7e: {  	s7 =	smov.u32 s10;
	s6 =	sshra.s32 s9, $0x2;
	[sflag:s31] =	ssyncset.done $0x0  }
0x7f: {  	s7 =	sadd.s32 $0x80, s6;
	[sflag:s31] =	ssyncadd.s32 $0xFFFFD800  }
0x80: {  	[tilespmem:s0], [sflag:$0x2] =	stream.indirect.gather [hbm4b:s16+s30], $0x80, s7, s30, $0xb8;
	[tilespmem:$0x1C880] =	vst v63  }
0x81: {  	s9 =	sadd.s32 $0x2000, s6  }
0x82: {  	[spmem:s1] =	stream.indirect.scatter.add.f32 [tilespmem:s26], [sflag:$0x3], $0x80, s9, s30, $0xb8;
	[tilespmem:$0x1C880] =	vst v63  }
0x83: {  	_ =	swait.ge [sflag:s28], $0x2800  }
0x84: {  	[sflag:s28] =	ssyncset.done $0x0  }
0x85: {  	s10 =	sadd.s32 $0x100, s6;
	[sflag:s28] =	ssyncadd.s32 $0xFFFFD800  }
0x86: {  	[tilespmem:s26], [sflag:$0x1] =	stream.indirect.gather [hbm4b:s16+s30], $0x80, s10, s30, $0xb8;
	[tilespmem:$0x1C880] =	vst v63  }
0x87: {  	_ =	swait.ge [sflag:s2], $0x2800  }
0x88: {  	[sflag:s2] =	ssyncset.done $0x0  }
0x89: {  	s7 =	sadd.s32 $0x2080, s6;
	[sflag:s2] =	ssyncadd.s32 $0xFFFFD800  }
0x8a: {  	[spmem:s1] =	stream.indirect.scatter.add.f32 [tilespmem:s0], [sflag:$0x3], $0x80, s7, s30, $0xb8;
	[tilespmem:$0x1C880] =	vst v63  }
0x8b: {  	_ =	swait.ge [sflag:s28], $0x2800  }
0x8c: {  	[sflag:s28] =	ssyncset.done $0x0  }
0x8d: {  	[sflag:s28] =	ssyncadd.s32 $0xFFFFD800  }
0x8e: {  	_ =	swait.ge [sflag:s31], $0x2800  }
0x8f: {  	[sflag:s31] =	ssyncset.done $0x0  }
0x90: {  	[sflag:s31] =	ssyncadd.s32 $0xFFFFD800  }
0x91: {  	[spmem:s1] =	stream.indirect.scatter.add.f32 [tilespmem:s26], [sflag:$0x3], $0x80, s4, s30, $0xb8;
	[tilespmem:$0x1C880] =	vst v63  }
0x92: {  	_ =	swait.ge [sflag:s28], $0x2800  }
0x93: {  	[sflag:s28] =	ssyncset.done $0x0  }
0x94: {  	s8 =	simm.s32 $0x0;
	s9 =	rddreg [dreg:$0x5];
	[sflag:s28] =	ssyncadd.s32 $0xFFFFD800  }
0x95: {  	[tilespmem:s8], [sflag:$0x3] =	stream.linear.gather [hbm4b:s9+s8], $0x1F80, $0x38;
	[tilespmem:$0x1C880] =	vst v63  }
0x96: {  	_ =	swait.ge [sflag:s28], $0x1F80  }
0x97: {  	[sflag:s28] =	ssyncset.done $0x0  }
0x98: {  	s10 =	rddreg [dreg:$0x6];
	[sflag:s28] =	ssyncadd.s32 $0xFFFFE080  }
0x99: {  	[tilespmem:s29], [sflag:$0x3] =	stream.linear.gather [hbm4b:s10+s8], $0x1F80, $0x38;
	[tilespmem:$0x1C880] =	vst v63  }
0x9a: {  	_ =	swait.ge [sflag:s28], $0x1F80  }
0x9b: {  	[sflag:s28] =	ssyncset.done $0x0  }
0x9c: {  	[sflag:s28] =	ssyncadd.s32 $0xFFFFE080  }
0x9d: {  	[tilespmem:s26], [sflag:$0x1] =	stream.indirect.gather [hbm4b:s16+s30], $0x80, s8, s30, $0xb8;
	[tilespmem:$0x1C880] =	vst v63  }
0x9e: {  	_ =	swait.ge [sflag:s31], $0x2800  }
0x9f: {  	[sflag:s31] =	ssyncset.done $0x0  }
0xa0: {  	s7 =	simm.s32 $0x80;
	[sflag:s31] =	ssyncadd.s32 $0xFFFFD800  }
0xa1: {  	[tilespmem:s0], [sflag:$0x2] =	stream.indirect.gather [hbm4b:s16+s30], $0x80, s7, s30, $0xb8;
	[tilespmem:$0x1C880] =	vst v63  }
0xa2: {  	s8 =	simm.s32 $0x2000  }
0xa3: {  	[spmem:s1] =	stream.indirect.scatter.add.f32 [tilespmem:s26], [sflag:$0x3], $0x80, s8, s30, $0xb8;
	[tilespmem:$0x1C880] =	vst v63  }
0xa4: {  	_ =	swait.ge [sflag:s28], $0x2800  }
0xa5: {  	[sflag:s28] =	ssyncset.done $0x0  }
0xa6: {  	s9 =	simm.s32 $0x100;
	[sflag:s28] =	ssyncadd.s32 $0xFFFFD800  }
0xa7: {  	[tilespmem:s26], [sflag:$0x1] =	stream.indirect.gather [hbm4b:s16+s30], $0x80, s9, s30, $0xb8;
	[tilespmem:$0x1C880] =	vst v63  }
0xa8: {  	_ =	swait.ge [sflag:s2], $0x2800  }
0xa9: {  	[sflag:s2] =	ssyncset.done $0x0  }
0xaa: {  	s10 =	simm.s32 $0x2080;
	[sflag:s2] =	ssyncadd.s32 $0xFFFFD800  }
0xab: {  	[spmem:s1] =	stream.indirect.scatter.add.f32 [tilespmem:s0], [sflag:$0x3], $0x80, s10, s30, $0xb8;
	[tilespmem:$0x1C880] =	vst v63  }
0xac: {  	_ =	swait.ge [sflag:s28], $0x2800  }
0xad: {  	[sflag:s28] =	ssyncset.done $0x0  }
0xae: {  	[sflag:s28] =	ssyncadd.s32 $0xFFFFD800  }
0xaf: {  	_ =	swait.ge [sflag:s31], $0x2800  }
0xb0: {  	s6 =	simm.s32 $0x100;
	s7 =	simm.s32 $0x800;
	[sflag:s31] =	ssyncset.done $0x0  }
.LBB2_6:
0xb1: {  	s8 =	sadd.s32 $0x80, s6  }
0xb2: {  	[sflag:s31] =	ssyncadd.s32 $0xFFFFD800;
	s9 =	smov.u32 s7;
	s10 =	sadd.s32 $0x400, s7  }
0xb3: {  	[tilespmem:s0], [sflag:$0x2] =	stream.indirect.gather [hbm4b:s16+s30], $0x80, s8, s30, $0xb8;
	[tilespmem:$0x1C880] =	vst v63  }
0xb4: {  	p0 =	sne.s32 s7, $0x7800;
	s7 =	sadd.s32 $0x2000, s6  }
0xb5: {  	[spmem:s1] =	stream.indirect.scatter.add.f32 [tilespmem:s26], [sflag:$0x3], $0x80, s7, s30, $0xb8;
	[tilespmem:$0x1C880] =	vst v63  }
0xb6: {  	_ =	swait.ge [sflag:s28], $0x2800  }
0xb7: {  	[sflag:s28] =	ssyncset.done $0x0  }
0xb8: {  	s7 =	sadd.s32 $0x100, s6;
	[sflag:s28] =	ssyncadd.s32 $0xFFFFD800  }
0xb9: {  	[tilespmem:s26], [sflag:$0x1] =	stream.indirect.gather [hbm4b:s16+s30], $0x80, s7, s30, $0xb8;
	[tilespmem:$0x1C880] =	vst v63  }
0xba: {  	_ =	swait.ge [sflag:s2], $0x2800  }
0xbb: {  	[sflag:s2] =	ssyncset.done $0x0  }
0xbc: {  	s6 =	sadd.s32 $0x2080, s6;
	[sflag:s2] =	ssyncadd.s32 $0xFFFFD800  }
0xbd: {  	[spmem:s1] =	stream.indirect.scatter.add.f32 [tilespmem:s0], [sflag:$0x3], $0x80, s6, s30, $0xb8;
	[tilespmem:$0x1C880] =	vst v63  }
.Ltmp2:
0xbe: {  	_ =	swait.ge [sflag:s28], $0x2800;
	(pc) =	sbr.rel @p0 .LBB2_6-.Ltmp2, $4  }
0xbf: {  	[sflag:s28] =	ssyncset.done $0x0  }
0xc0: {  	[sflag:s28] =	ssyncadd.s32 $0xFFFFD800  }
0xc1: {  	_ =	swait.ge [sflag:s31], $0x2800  }
0xc2: {  	s7 =	smov.u32 s10;
	s6 =	sshra.s32 s9, $0x2;
	[sflag:s31] =	ssyncset.done $0x0  }
0xc3: {  	s7 =	sadd.s32 $0x80, s6;
	[sflag:s31] =	ssyncadd.s32 $0xFFFFD800  }
0xc4: {  	[tilespmem:s0], [sflag:$0x2] =	stream.indirect.gather [hbm4b:s16+s30], $0x80, s7, s30, $0xb8;
	[tilespmem:$0x1C880] =	vst v63  }
0xc5: {  	s9 =	sadd.s32 $0x2000, s6  }
0xc6: {  	[spmem:s1] =	stream.indirect.scatter.add.f32 [tilespmem:s26], [sflag:$0x3], $0x80, s9, s30, $0xb8;
	[tilespmem:$0x1C880] =	vst v63  }
0xc7: {  	_ =	swait.ge [sflag:s28], $0x2800  }
0xc8: {  	[sflag:s28] =	ssyncset.done $0x0  }
0xc9: {  	s10 =	sadd.s32 $0x100, s6;
	[sflag:s28] =	ssyncadd.s32 $0xFFFFD800  }
0xca: {  	[tilespmem:s26], [sflag:$0x1] =	stream.indirect.gather [hbm4b:s16+s30], $0x80, s10, s30, $0xb8;
	[tilespmem:$0x1C880] =	vst v63  }
0xcb: {  	_ =	swait.ge [sflag:s2], $0x2800  }
0xcc: {  	[sflag:s2] =	ssyncset.done $0x0  }
0xcd: {  	s7 =	sadd.s32 $0x2080, s6;
	[sflag:s2] =	ssyncadd.s32 $0xFFFFD800  }
0xce: {  	[spmem:s1] =	stream.indirect.scatter.add.f32 [tilespmem:s0], [sflag:$0x3], $0x80, s7, s30, $0xb8;
	[tilespmem:$0x1C880] =	vst v63  }
0xcf: {  	_ =	swait.ge [sflag:s28], $0x2800  }
0xd0: {  	[sflag:s28] =	ssyncset.done $0x0  }
0xd1: {  	[sflag:s28] =	ssyncadd.s32 $0xFFFFD800  }
0xd2: {  	_ =	swait.ge [sflag:s31], $0x2800  }
0xd3: {  	[sflag:s31] =	ssyncset.done $0x0  }
0xd4: {  	[sflag:s31] =	ssyncadd.s32 $0xFFFFD800  }
0xd5: {  	[spmem:s1] =	stream.indirect.scatter.add.f32 [tilespmem:s26], [sflag:$0x3], $0x80, s4, s30, $0xb8;
	[tilespmem:$0x1C880] =	vst v63  }
0xd6: {  	_ =	swait.ge [sflag:s28], $0x2800  }
0xd7: {  	[sflag:s28] =	ssyncset.done $0x0  }
0xd8: {  	[sflag:s28] =	ssyncadd.s32 $0xFFFFD800  }
0xd9: {  	[bflag:$0x0] =	sbarrier.arrive $0xFFFF  }
0xda: {  	[tilespmem:s26], [sflag:$0x3] =	stream.linear.gather [spmem:s17], $0x2800, $0x38;
	[tilespmem:$0x1C880] =	vst v63  }
0xdb: {  	_ =	swait.ge [sflag:s28], $0x2800  }
0xdc: {  	[sflag:s28] =	ssyncset.done $0x0  }
0xdd: {  	s8 =	rddreg [dreg:$0x7];
	[sflag:s28] =	ssyncadd.s32 $0xFFFFD800  }
0xde: {  	[hbm4b:s8+s3] =	stream.linear.scatter [tilespmem:s26], [sflag:$0x3], $0x2800, $0x38;
	[tilespmem:$0x1C880] =	vst v63  }
0xdf: {  	_ =	swait.ge [sflag:s28], $0x2800  }
0xe0: {  	[sflag:s28] =	ssyncset.done $0x0  }
0xe1: {  	[sflag:s28] =	ssyncadd.s32 $0xFFFFD800  }
0xe2: {  	[tilespmem:s26], [sflag:$0x3] =	stream.linear.gather [spmem:s18], $0x2800, $0x38;
	[tilespmem:$0x1C880] =	vst v63  }
0xe3: {  	_ =	swait.ge [sflag:s28], $0x2800  }
0xe4: {  	[sflag:s28] =	ssyncset.done $0x0  }
0xe5: {  	s9 =	rddreg [dreg:$0x8];
	[sflag:s28] =	ssyncadd.s32 $0xFFFFD800  }
0xe6: {  	[hbm4b:s9+s3] =	stream.linear.scatter [tilespmem:s26], [sflag:$0x3], $0x2800, $0x38;
	[tilespmem:$0x1C880] =	vst v63  }
0xe7: {  	_ =	swait.ge [sflag:s28], $0x2800  }
0xe8: {  	[sflag:s28] =	ssyncset.done $0x0  }
0xe9: {  	[sflag:s28] =	ssyncadd.s32 $0xFFFFD800  }
0xea: {  	[tilespmem:s26], [sflag:$0x3] =	stream.linear.gather [spmem:s19], $0x2800, $0x38;
	[tilespmem:$0x1C880] =	vst v63  }
0xeb: {  	_ =	swait.ge [sflag:s28], $0x2800  }
0xec: {  	[sflag:s28] =	ssyncset.done $0x0  }
0xed: {  	s10 =	rddreg [dreg:$0x9];
	[sflag:s28] =	ssyncadd.s32 $0xFFFFD800  }
0xee: {  	[hbm4b:s10+s3] =	stream.linear.scatter [tilespmem:s26], [sflag:$0x3], $0x2800, $0x38;
	[tilespmem:$0x1C880] =	vst v63  }
0xef: {  	_ =	swait.ge [sflag:s28], $0x2800  }
0xf0: {  	[sflag:s28] =	ssyncset.done $0x0  }
0xf1: {  	[sflag:s28] =	ssyncadd.s32 $0xFFFFD800  }
0xf2: {  	[tilespmem:s26], [sflag:$0x3] =	stream.linear.gather [spmem:s20], $0x2800, $0x38;
	[tilespmem:$0x1C880] =	vst v63  }
0xf3: {  	_ =	swait.ge [sflag:s28], $0x2800  }
0xf4: {  	[sflag:s28] =	ssyncset.done $0x0  }
0xf5: {  	[sflag:s28] =	ssyncadd.s32 $0xFFFFD800  }
0xf6: {  	[hbm4b:s11+s3] =	stream.linear.scatter [tilespmem:s26], [sflag:$0x3], $0x2800, $0x38;
	[tilespmem:$0x1C880] =	vst v63  }
0xf7: {  	_ =	swait.ge [sflag:s28], $0x2800  }
0xf8: {  	[sflag:s28] =	ssyncset.done $0x0  }
0xf9: {  	[sflag:s28] =	ssyncadd.s32 $0xFFFFD800  }
0xfa: {  	[tilespmem:s26], [sflag:$0x3] =	stream.linear.gather [spmem:s21], $0x2800, $0x38;
	[tilespmem:$0x1C880] =	vst v63  }
0xfb: {  	_ =	swait.ge [sflag:s28], $0x2800  }
0xfc: {  	[sflag:s28] =	ssyncset.done $0x0  }
0xfd: {  	[sflag:s28] =	ssyncadd.s32 $0xFFFFD800  }
0xfe: {  	[hbm4b:s12+s3] =	stream.linear.scatter [tilespmem:s26], [sflag:$0x3], $0x2800, $0x38;
	[tilespmem:$0x1C880] =	vst v63  }
0xff: {  	_ =	swait.ge [sflag:s28], $0x2800  }
0x100: {  	[sflag:s28] =	ssyncset.done $0x0  }
0x101: {  	[sflag:s28] =	ssyncadd.s32 $0xFFFFD800  }
0x102: {  	[tilespmem:s26], [sflag:$0x3] =	stream.linear.gather [spmem:s22], $0x2800, $0x38;
	[tilespmem:$0x1C880] =	vst v63  }
0x103: {  	_ =	swait.ge [sflag:s28], $0x2800  }
0x104: {  	[sflag:s28] =	ssyncset.done $0x0  }
0x105: {  	[sflag:s28] =	ssyncadd.s32 $0xFFFFD800  }
0x106: {  	[hbm4b:s13+s3] =	stream.linear.scatter [tilespmem:s26], [sflag:$0x3], $0x2800, $0x38;
	[tilespmem:$0x1C880] =	vst v63  }
0x107: {  	_ =	swait.ge [sflag:s28], $0x2800  }
0x108: {  	[sflag:s28] =	ssyncset.done $0x0  }
0x109: {  	[sflag:s28] =	ssyncadd.s32 $0xFFFFD800  }
0x10a: {  	[tilespmem:s26], [sflag:$0x3] =	stream.linear.gather [spmem:s23], $0x2800, $0x38;
	[tilespmem:$0x1C880] =	vst v63  }
0x10b: {  	_ =	swait.ge [sflag:s28], $0x2800  }
0x10c: {  	[sflag:s28] =	ssyncset.done $0x0  }
0x10d: {  	[sflag:s28] =	ssyncadd.s32 $0xFFFFD800  }
0x10e: {  	[hbm4b:s14+s3] =	stream.linear.scatter [tilespmem:s26], [sflag:$0x3], $0x2800, $0x38;
	[tilespmem:$0x1C880] =	vst v63  }
0x10f: {  	_ =	swait.ge [sflag:s28], $0x2800  }
0x110: {  	[sflag:s28] =	ssyncset.done $0x0  }
0x111: {  	[sflag:s28] =	ssyncadd.s32 $0xFFFFD800  }
0x112: {  	[tilespmem:s26], [sflag:$0x3] =	stream.linear.gather [spmem:s24], $0x2800, $0x38;
	[tilespmem:$0x1C880] =	vst v63  }
0x113: {  	s5 =	sadd.s32 $0x1, s5;
	_ =	swait.ge [sflag:s28], $0x2800  }
0x114: {  	p0 =	sne.s32 s5, s25;
	[sflag:s28] =	ssyncset.done $0x0  }
.Ltmp3:
0x115: {  	[sflag:s28] =	ssyncadd.s32 $0xFFFFD800;
	(pc) =	sbr.rel @p0 .LBB2_1-.Ltmp3, $4  }
0x116: {  	[hbm4b:s15+s3] =	stream.linear.scatter [tilespmem:s26], [sflag:$0x3], $0x2800, $0x38;
	[tilespmem:$0x1C880] =	vst v63  }
0x117: {  	_ =	swait.ge [sflag:s28], $0x2800  }
0x118: {  	[sflag:s28] =	ssyncset.done $0x0  }
0x119: {  	[sflag:s28] =	ssyncadd.s32 $0xFFFFD800  }
0x11a: {  	_ =	sfence.sel $0x180000  }
0x11b: {  	[bflag:$0x0] =	sbarrier.arrive $0xFFFF  }
0x11c: {  	_ =	strace $0x9000004A  }
0x11d: {  	s0 =	stileid.u32;
	[bflag:$0x2] =	sbarrier.arrive $0xFFFF  }
0x11e: {  	p0 =	sne.s32 s0, $0x0;
	s0 =	rddreg [dreg:$0x2]  }
0x11f: {  	s0 =	sadd.s32 @!p0 $0x100000, s0  }
0x120: {  	[sflag:s0] =	ssyncadd.tile.s32 @!p0 $0x1;
	_ =	shalt  }
.Lfunc_end2:
_tile_overlayer_lowered:
.L_overlay_start_2:
0x121: {  	(tag) =	ssettag $0x2  }
0x122: {  	s0 =	rddreg [dreg:$0x0];
	s2 =	stileid.u32  }
0x123: {  	s1 =	rddreg [dreg:$0x1];
	p0 =	sne.s32 s2, $0x0  }
0x124: {  	s3 =	rddreg [dreg:$0x2];
	[bflag:$0x3] =	sbarrier.arrive $0xFFFF;
	s2 =	simm.s32 @!p0 $0x1C03  }
0x125: {  	[timem:s3], [sflag:s2] =	dma.local @!p0 [hbm:s0], s1  }
0x126: {  	s0 =	simm.s32 @!p0 $0x3  }
0x127: {  	_ =	swait.ge @!p0 [sflag:s0], s1  }
0x128: {  	s1 =	ssub.s32 @!p0 $0x0, s1;
	[sflag:s0] =	ssyncset.done @!p0 $0x0  }
0x129: {  	[sflag:s0] =	ssyncadd.s32 @!p0 s1  }
0x12a: {  	[bflag:$0x3] =	sbarrier.arrive $0xFFFF  }
0x12b: {  	_ =	shalt  }

// kernel: kernel.8.cloned.1.call-start
scs
__scs_entry_jumppad:
0x0: {  	(pc) =	sbr.rel $0x88, $3  }
0x1: {  	(tag) =	ssettag $0x0;
	lr =	simm.s32 $0x1  }
0x2: {  	[smem:$0x3F91] =	sst lr;
	_ =	strace $0xD0000000  }
0x3: {  	_ = 	snop  }
0x4: {  	_ = 	snop  }
0x5: {  	_ = 	snop  }
0x6: {  	_ = 	snop  }
0x7: {  	_ = 	snop  }
__scs_overlays_trampoline_lowered:
0x8: {  	[smem:$0x3FA0] =	sst s0  }
0x9: {  	[smem:$0x3FA1] =	sst s1  }
0xa: {  	[smem:$0x3FA2] =	sst s2  }
0xb: {  	[smem:$0x3FA3] =	sst s3  }
0xc: {  	[smem:$0x3FA4] =	sst s4  }
0xd: {  	[smem:$0x3FA5] =	sst s5  }
0xe: {  	[smem:$0x3FA6] =	sst s6  }
0xf: {  	[smem:$0x3FA7] =	sst s7  }
0x10: {  	[smem:$0x3FA8] =	sst s8  }
0x11: {  	[smem:$0x3FA9] =	sst s9;
	s0 =	simm.s32 @!p0 $0x0  }
0x12: {  	s1 =	sld [smem:$0x3F8F];
	s0 =	simm.s32 @p0 $0x1  }
0x13: {  	[smem:$0x3FAA] =	sst s0;
	s0 =	simm.s32 @!p1 $0x0  }
0x14: {  	s2 =	sld [smem:$0x3F8E];
	s0 =	simm.s32 @p1 $0x1  }
0x15: {  	[smem:$0x3FAB] =	sst s0;
	s0 =	simm.s32 @!p2 $0x0  }
0x16: {  	s3 =	sld [smem:$0x3FDB];
	s0 =	simm.s32 @p2 $0x1  }
0x17: {  	s4 =	simm.s32 $0x1BF5;
	[smem:$0x3FAD] =	sst s0  }
0x18: {  	s0 =	sld [smem:$0x3F90];
	_ =	swait.ge [sflag:s4], $0x0  }
0x19: {  	s7 =	sld [smem:$0x3F91]  }
0x1a: {  	s8 =	sadd.s32 $0xFFFFE003, lr  }
0x1b: {  	s9 =	sadd.s32 $0xFFFFFEF7, lr;
	s5 =	simm.s32 $0xFFFFFFFF;
	p2 =	slt.u32 s8, $0xFFFFF086  }
0x1c: {  	p1 =	slt.u32 s9, $0xF7A;
	s5 =	simm.s32 @!p2 $0x0  }
0x1d: {  	s5 =	simm.s32 @p1 $0x1;
	p0 =	seq.s32 s7, s2  }
0x1e: {  	s7 =	smul.u32 @!p0 $0xF7A, s2;
	p2 =	seq.s32 @!p0 s5, $0x0  }
0x1f: {  	s9 =	smul.u32 $0xF7A, s1;
	s8 =	simm.s32 @!p0 $0x1BF5;
	p2 =	por !p2, p0  }
0x20: {  	[sflag:s8] =	ssyncset.s32 @!p0 $0xFFFFF086;
	s6 =	sadd.s32 @!p0 s3, s7;
	s7 =	simm.s32 @!p0 $0x108  }
0x21: {  	s3 =	sadd.s32 s3, s9;
	s6 =	sadd.s32 @!p0 $0x88, s6;
	s7 =	simm.s32 @p2 $0x1082  }
0x22: {  	[simem:s7], [sflag:s8] =	dma.local @!p0 [hbm:s6], $0xF7A  }
0x23: {  	s9 =	sor.u32 $0xD0000000, s2;
	s6 =	simm.s32 $0x108;
	_ =	swait.ge @!p0 [sflag:s8], $0x0  }
0x24: {  	s3 =	sadd.s32 $0x88, s3;
	s6 =	simm.s32 @!p1 $0x1082;
	[sflag:s4] =	ssyncset.s32 $0xFFFFF086  }
0x25: {  	[simem:s6], [sflag:s4] =	dma.local [hbm:s3], $0xF7A  }
0x26: {  	[smem:$0x3F91] =	sst s1;
	(tag) =	ssettag s2;
	_ =	strace s9  }
0x27: {  	s1 =	sld [smem:$0x3FA1]  }
0x28: {  	s2 =	sld [smem:$0x3FA2]  }
0x29: {  	s4 =	sld [smem:$0x3FA4]  }
0x2a: {  	p0 =	seq.s32 s5, $0x0;
	s5 =	sld [smem:$0x3FA5]  }
0x2b: {  	s6 =	sld [smem:$0x3FA6]  }
0x2c: {  	s7 =	sld [smem:$0x3FA7]  }
0x2d: {  	s3 =	simm.s32 $0x108;
	s8 =	sld [smem:$0x3FA8]  }
0x2e: {  	s3 =	simm.s32 @!p0 $0x1082;
	s9 =	sld [smem:$0x3FA9]  }
0x2f: {  	lr =	sadd.s32 s0, s3;
	s0 =	sld [smem:$0x3FA0]  }
0x30: {  	s3 =	sld [smem:$0x3FA3]  }
0x31: {  	[smem:$0x3FAC] =	sst s10  }
0x32: {  	s10 =	sld [smem:$0x3FAA];
	_ =	sdelay $0x3  }
0x33: {  	p0 =	seq.s32 s10, $0x1;
	s10 =	sld [smem:$0x3FAC];
	_ =	sdelay $0x3  }
0x34: {  	[smem:$0x3FAC] =	sst s10  }
0x35: {  	s10 =	sld [smem:$0x3FAB];
	_ =	sdelay $0x3  }
0x36: {  	p1 =	seq.s32 s10, $0x1;
	s10 =	sld [smem:$0x3FAC];
	_ =	sdelay $0x3  }
0x37: {  	[smem:$0x3FAC] =	sst s10  }
0x38: {  	s10 =	sld [smem:$0x3FAD]  }
0x39: {  	_ = 	snop;
	(pc) =	sbr.ind lr, $3  }
0x3a: {  	_ = 	snop  }
0x3b: {  	_ = 	snop  }
0x3c: {  	p2 =	seq.s32 s10, $0x1;
	s10 =	sld [smem:$0x3FAC]  }
0x3d: {  	_ =	shalt  }
0x3e: {  	_ =	shalt  }
0x3f: {  	_ =	shalt  }
0x40: {  	_ =	shalt  }
0x41: {  	_ =	shalt  }
0x42: {  	_ =	shalt  }
0x43: {  	_ =	shalt  }
0x44: {  	_ =	shalt  }
0x45: {  	_ =	shalt  }
0x46: {  	_ =	shalt  }
0x47: {  	_ =	shalt  }
0x48: {  	_ =	shalt  }
0x49: {  	_ =	shalt  }
0x4a: {  	_ =	shalt  }
0x4b: {  	_ =	shalt  }
0x4c: {  	_ =	shalt  }
0x4d: {  	_ =	shalt  }
0x4e: {  	_ =	shalt  }
0x4f: {  	_ =	shalt  }
0x50: {  	_ =	shalt  }
0x51: {  	_ =	shalt  }
0x52: {  	_ =	shalt  }
0x53: {  	_ =	shalt  }
0x54: {  	_ =	shalt  }
0x55: {  	_ =	shalt  }
0x56: {  	_ =	shalt  }
0x57: {  	_ =	shalt  }
0x58: {  	_ =	shalt  }
0x59: {  	_ =	shalt  }
0x5a: {  	_ =	shalt  }
0x5b: {  	_ =	shalt  }
0x5c: {  	_ =	shalt  }
0x5d: {  	_ =	shalt  }
0x5e: {  	_ =	shalt  }
0x5f: {  	_ =	shalt  }
0x60: {  	_ =	shalt  }
0x61: {  	_ =	shalt  }
0x62: {  	_ =	shalt  }
0x63: {  	_ =	shalt  }
0x64: {  	_ =	shalt  }
0x65: {  	_ =	shalt  }
0x66: {  	_ =	shalt  }
0x67: {  	_ =	shalt  }
0x68: {  	_ =	shalt  }
0x69: {  	_ =	shalt  }
0x6a: {  	_ =	shalt  }
0x6b: {  	_ =	shalt  }
0x6c: {  	_ =	shalt  }
0x6d: {  	_ =	shalt  }
0x6e: {  	_ =	shalt  }
0x6f: {  	_ =	shalt  }
0x70: {  	_ =	shalt  }
0x71: {  	_ =	shalt  }
0x72: {  	_ =	shalt  }
0x73: {  	_ =	shalt  }
0x74: {  	_ =	shalt  }
0x75: {  	_ =	shalt  }
0x76: {  	_ =	shalt  }
0x77: {  	_ =	shalt  }
0x78: {  	_ =	shalt  }
0x79: {  	_ =	shalt  }
0x7a: {  	_ =	shalt  }
0x7b: {  	_ =	shalt  }
0x7c: {  	_ =	shalt  }
0x7d: {  	_ =	shalt  }
0x7e: {  	_ =	shalt  }
0x7f: {  	_ =	shalt  }
0x80: {  	_ =	shalt  }
0x81: {  	_ =	shalt  }
0x82: {  	_ =	shalt  }
0x83: {  	_ =	shalt  }
0x84: {  	_ =	shalt  }
0x85: {  	_ =	shalt  }
0x86: {  	_ =	shalt  }
0x87: {  	_ =	shalt  }
.Lfunc_end0:
.L_simem_size_0:
called_computation_lowered:
.L_overlay_start_0:
0x88: {  	s2 =	sld [smem:$0x3FD9]  }
0x89: {  	s3 =	sld [smem:$0x3FFE];
	_ =	sdelay $0x1  }
0x8a: {  	s1 =	srdreg.scid  }
0x8b: {  	s0 =	sand.u32 $0x1, s1  }
0x8c: {  	s16 =	sshll.u32 s0, $0xA;
	s2 =	sadd.s32 s3, s2  }
0x8d: {  	s2 =	sadd.s32 s2, s16  }
0x8e: {  	[smem:$0x3FB8] =	sst s2  }
0x8f: {  	_ = 	snop  }
0x90: {  	(tm) =	ssettm $0x1  }
0x91: {  	s17 =	sld [smem:$0x3FFB];
	_ =	sdelay $0x3  }
0x92: {  	_ =	strace s17  }
0x93: {  	s2 =	sld [smem:$0x3FFC];
	_ =	sdelay $0x3  }
0x94: {  	_ =	strace s2  }
0x95: {  	s2 =	sld [smem:$0x3FFD];
	_ =	sdelay $0x3  }
0x96: {  	_ =	strace s2  }
0x97: {  	_ =	strace $0x8FFFFFFF  }
0x98: {  	s18 =	sld [smem:$0x3FDB];
	_ =	sdelay $0x1  }
0x99: {  	s19 =	simm.s32 $_scs_section_size  }
0x9a: {  	s4 =	simm.s32 $_size__tile_overlayer_lowered;
	s5 =	simm.s32 $_tile_overlayer_lowered  }
0x9b: {  	s22 =	simm.s32 $0x1BFF;
	s21 =	sshll.u32 s5, $0x1;
	s2 =	sadd.s32 s19, s18  }
0x9c: {  	s6 =	simm.s32 $0x0;
	s20 =	sshll.u32 s4, $0x1;
	s4 =	sadd.s32 s21, s2  }
0x9d: {  	[timem:s6], [sflag:s22] =	dma.local [hbm:s4], s20  }
0x9e: {  	_ =	swait.ge [sflag:s22], s20  }
0x9f: {  	s3 =	ssub.s32 $0x0, s20;
	[sflag:s22] =	ssyncset.done $0x0  }
0xa0: {  	[sflag:s22] =	ssyncadd.s32 s3;
	_ =	sdelay $0x1  }
0xa1: {  	s23 =	simm.s32 $0x1B8B  }
0xa2: {  	_ =	swait.ge [sflag:s23], $0x1  }
0xa3: {  	[sflag:s23] =	ssyncset.done $0x0  }
0xa4: {  	s25 =	simm.s32 $0x1B8E;
	s24 =	sld [smem:$0x3FFE];
	[sflag:s23] =	ssyncadd.s32 $0xFFFFFFFF  }
0xa5: {  	s26 =	simm.s32 $execute0_lowered;
	[smem:$0x3FD2] =	sst s25  }
0xa6: {  	s4 =	sshll.u32 s26, $0x1;
	_ =	strace $0x80000046;
	[dreg:$0x1] =	wrdreg $0xFFFFFFFF  }
0xa7: {  	s28 =	simm.s32 $_size_execute0_lowered;
	s2 =	sadd.s32 s2, s4;
	[dreg:$0x0] =	wrdreg $0x0  }
0xa8: {  	s4 =	sshll.u32 s28, $0x1;
	[dreg:$0x2] =	wrdreg s2  }
0xa9: {  	[dreg:$0x3] =	wrdreg s4  }
0xaa: {  	[dreg:$0x4] =	wrdreg $0xC0  }
0xab: {  	_ =	task [dreg:s6], $0x5FFFF  }
0xac: {  	[dreg:$0x1] =	wrdreg $0xFFFFFFFF  }
0xad: {  	[dreg:$0x0] =	wrdreg $0x60  }
0xae: {  	[dreg:$0x2] =	wrdreg s24  }
0xaf: {  	[dreg:$0x3] =	wrdreg $0x90000  }
0xb0: {  	[dreg:$0x4] =	wrdreg $0x9  }
0xb1: {  	_ =	task.clear_ibuf [dreg:s6], $0x5FFFF;
	_ =	strace $0x90000046  }
0xb2: {  	s29 =	simm.s32 $0x9;
	_ =	strace $0x80000048  }
0xb3: {  	_ =	swait.ge [sflag:s29], $0x1  }
0xb4: {  	[sflag:s29] =	ssyncadd.s32 $0xFFFFFFFF  }
0xb5: {  	_ =	strace $0x90000048  }
0xb6: {  	_ =	sfence  }
0xb7: {  	s30 =	sld [smem:$0x0];
	_ =	sdelay $0x2  }
0xb8: {  	s31 =	sshll.u32 s1, $0xD;
	s1 =	sshrl.u32 s1, $0x2  }
0xb9: {  	s3 =	sand.u32 $0x4000, s31;
	s1 =	sadd.s32 s1, s30  }
0xba: {  	s0 =	sor.u32 s3, s0;
	s1 =	sshll.u32 s1, $0x11  }
0xbb: {  	s0 =	sor.u32 s1, s0  }
0xbc: {  	s0 =	sadd.s32 $0x8F2B, s0  }
0xbd: {  	[sflag:s0] =	ssyncadd.remote.s32 $0x1  }
0xbe: {  	_ =	sfence.sel $0xFFFF  }
0xbf: {  	[dreg:$0x0] =	wrdreg $0xFFFFFFFF;
	(pc) =	sbr.abs _section_cstart, $3  }
0xc0: {  	[dreg:$0x1] =	wrdreg $0xFFFFFFFF  }
0xc1: {  	_ =	task.clear_ibuf [dreg:s6], $0x2FFFF;
	_ =	strace $0x9FFFFFFF  }
0xc2: {  	(tm) =	ssettm $0x7FFFFFFF  }
0xc3: {  	_ =	shalt  }
tec
execute0_lowered:
.L_overlay_start_1:
0x0: {  	(tag) =	ssettag $0x1  }
0x1: {  	s0 =	rddreg [dreg:$0x0]  }
0x2: {  	s1 =	rddreg [dreg:$0x1]  }
0x3: {  	s2 =	srdreg.scid;
	s3 =	simm.s32 $0x0;
	s14 =	stileid.u32  }
0x4: {  	s28 =	simm.s32 $0x3;
	s29 =	simm.s32 $0x2000;
	s30 =	simm.s32 $0x50  }
0x5: {  	s31 =	simm.s32 $0x1;
	s2 =	sand.u32 $0x1, s2;
	s5 =	sadd.s32 $0x3200, s0  }
0x6: {  	s7 =	smul.u32 $0x13800, s14;
	s8 =	sadd.s32 $0x13200, s0;
	s15 =	sadd.s32 $0x4AC00, s0  }
0x7: {  	s9 =	sshll.u32 s14, $0xC;
	s25 =	smul.u32 $0x4E000, s14;
	[smem:$0x7FF] =	sst s3  }
0x8: {  	s4 =	ssub.s32 $0x2, s2;
	s10 =	sshll.u32 s2, $0xB;
	s2 =	smul.u32 $0x138800, s2  }
0x9: {  	s6 =	sshrl.u32 s4, $0x1;
	s19 =	sadd.s32 $0x5000, s7;
	s20 =	sadd.s32 $0x7800, s7  }
0xa: {  	s21 =	sadd.s32 $0xA000, s7;
	s22 =	sadd.s32 $0xC800, s7;
	s23 =	sadd.s32 $0xF000, s7  }
0xb: {  	s9 =	sor.u32 s10, s9;
	s24 =	sadd.s32 $0x11800, s7;
	s4 =	ssub.s32 s4, s6  }
0xc: {  	s6 =	sadd.s32 $0x2800, s7;
	s10 =	sor.u32 $0x400, s9;
	s11 =	sadd.s32 s5, s9  }
0xd: {  	s9 =	sadd.s32 s8, s9;
	s7 =	sadd.s32 s2, s7;
	s13 =	sadd.s32 s2, s20  }
0xe: {  	s16 =	sadd.s32 s2, s21;
	s18 =	sadd.s32 s2, s23;
	s20 =	sadd.s32 s20, s1  }
0xf: {  	s21 =	sadd.s32 s21, s1;
	s23 =	sadd.s32 s23, s1;
	[dreg:$0x3] =	wrdreg s11  }
0x10: {  	[dreg:$0x4] =	wrdreg s9;
	s5 =	sadd.s32 s5, s10;
	s26 =	sadd.s32 s8, s10  }
0x11: {  	s8 =	sadd.s32 s2, s6;
	s9 =	sadd.s32 s2, s19;
	[dreg:$0x5] =	wrdreg s5  }
0x12: {  	s19 =	sadd.s32 s19, s1;
	[dreg:$0x6] =	wrdreg s26;
	s5 =	sshrl.u32 s7, $0x3  }
0x13: {  	s7 =	sshrl.u32 s8, $0x3;
	s12 =	sshrl.u32 s9, $0x3;
	s26 =	sshrl.u32 s25, $0x2  }
0x14: {  	s25 =	smax.u32 s4, $0x1;
	s4 =	simm.s32 $0x3F00;
	s5 =	sadd.s32 s15, s5  }
0x15: {  	s11 =	sadd.s32 s15, s7;
	s7 =	sshrl.u32 s16, $0x3;
	[dreg:$0x7] =	wrdreg s5  }
0x16: {  	s16 =	sadd.s32 $0x23200, s0;
	[dreg:$0x8] =	wrdreg s11;
	s5 =	sadd.s32 s15, s12  }
0x17: {  	s0 =	simm.s32 $0x6800;
	s12 =	sadd.s32 s15, s7;
	[dreg:$0x9] =	wrdreg s5  }
0x18: {  	s5 =	sshrl.u32 s13, $0x3;
	s13 =	sadd.s32 s2, s22;
	s2 =	sadd.s32 s2, s24  }
0x19: {  	s22 =	sadd.s32 s22, s1;
	s24 =	sadd.s32 s24, s1;
	s11 =	sadd.s32 s15, s5  }
0x1a: {  	s17 =	sshrl.u32 s13, $0x3;
	s5 =	sshrl.u32 s18, $0x3;
	s2 =	sshrl.u32 s2, $0x3  }
0x1b: {  	_ =	strace $0x80000047;
	s18 =	sadd.s32 s6, s1;
	s13 =	sadd.s32 s15, s17  }
0x1c: {  	s14 =	sadd.s32 s15, s5;
	s15 =	sadd.s32 s15, s2;
	s17 =	sadd.s32 s26, s1  }
0x1d: {  	v0 =	vimm.f32 $0.0e+00;
	s26 =	simm.s32 $0x4000;
	s2 =	simm.s32 $0x2;
	s5 =	simm.s32 $0x0  }
.LBB2_1:
0x1e: {  	s6 =	simm.s32 $0x0;
	s7 =	simm.s32 $0x200  }
.LBB2_2:
0x1f: {  	p0 =	sne.s32 s7, $0x9E00;
	[tilespmem:s6+$0x4070] =	vst v0  }
0x20: {  	[tilespmem:s6+$0x4000] =	vst v0  }
0x21: {  	[tilespmem:s6+$0x4010] =	vst v0  }
.Ltmp0:
0x22: {  	[tilespmem:s6+$0x4020] =	vst v0;
	(pc) =	sbr.rel @p0 .LBB2_2-.Ltmp0, $4  }
0x23: {  	[tilespmem:s6+$0x4030] =	vst v0  }
0x24: {  	[tilespmem:s6+$0x4040] =	vst v0  }
0x25: {  	[tilespmem:s6+$0x4050] =	vst v0  }
0x26: {  	[tilespmem:s6+$0x4060] =	vst v0;
	s6 =	sshra.s32 s7, $0x2;
	s7 =	sadd.s32 $0x200, s7  }
0x27: {  	[tilespmem:s6+$0x4070] =	vst v0  }
0x28: {  	[tilespmem:s6+$0x4000] =	vst v0  }
0x29: {  	[tilespmem:s6+$0x4010] =	vst v0  }
0x2a: {  	[tilespmem:s6+$0x4020] =	vst v0  }
0x2b: {  	[tilespmem:s6+$0x4030] =	vst v0  }
0x2c: {  	[tilespmem:s6+$0x4040] =	vst v0  }
0x2d: {  	[tilespmem:s6+$0x4050] =	vst v0  }
0x2e: {  	[tilespmem:s6+$0x4060] =	vst v0  }
0x2f: {  	[spmem:s17] =	stream.linear.scatter [tilespmem:s26], [sflag:$0x3], $0x2800, $0x38;
	[tilespmem:$0x1C880] =	vst v63  }
0x30: {  	_ =	swait.ge [sflag:s28], $0x2800  }
0x31: {  	[sflag:s28] =	ssyncset.done $0x0  }
0x32: {  	[sflag:s28] =	ssyncadd.s32 $0xFFFFD800  }
0x33: {  	[spmem:s18] =	stream.linear.scatter [tilespmem:s26], [sflag:$0x3], $0x2800, $0x38;
	[tilespmem:$0x1C880] =	vst v63  }
0x34: {  	_ =	swait.ge [sflag:s28], $0x2800  }
0x35: {  	[sflag:s28] =	ssyncset.done $0x0  }
0x36: {  	[sflag:s28] =	ssyncadd.s32 $0xFFFFD800  }
0x37: {  	[spmem:s19] =	stream.linear.scatter [tilespmem:s26], [sflag:$0x3], $0x2800, $0x38;
	[tilespmem:$0x1C880] =	vst v63  }
0x38: {  	_ =	swait.ge [sflag:s28], $0x2800  }
0x39: {  	[sflag:s28] =	ssyncset.done $0x0  }
0x3a: {  	[sflag:s28] =	ssyncadd.s32 $0xFFFFD800  }
0x3b: {  	[spmem:s20] =	stream.linear.scatter [tilespmem:s26], [sflag:$0x3], $0x2800, $0x38;
	[tilespmem:$0x1C880] =	vst v63  }
0x3c: {  	_ =	swait.ge [sflag:s28], $0x2800  }
0x3d: {  	[sflag:s28] =	ssyncset.done $0x0  }
0x3e: {  	[sflag:s28] =	ssyncadd.s32 $0xFFFFD800  }
0x3f: {  	[spmem:s21] =	stream.linear.scatter [tilespmem:s26], [sflag:$0x3], $0x2800, $0x38;
	[tilespmem:$0x1C880] =	vst v63  }
0x40: {  	_ =	swait.ge [sflag:s28], $0x2800  }
0x41: {  	[sflag:s28] =	ssyncset.done $0x0  }
0x42: {  	[sflag:s28] =	ssyncadd.s32 $0xFFFFD800  }
0x43: {  	[spmem:s22] =	stream.linear.scatter [tilespmem:s26], [sflag:$0x3], $0x2800, $0x38;
	[tilespmem:$0x1C880] =	vst v63  }
0x44: {  	_ =	swait.ge [sflag:s28], $0x2800  }
0x45: {  	[sflag:s28] =	ssyncset.done $0x0  }
0x46: {  	[sflag:s28] =	ssyncadd.s32 $0xFFFFD800  }
0x47: {  	[spmem:s23] =	stream.linear.scatter [tilespmem:s26], [sflag:$0x3], $0x2800, $0x38;
	[tilespmem:$0x1C880] =	vst v63  }
0x48: {  	_ =	swait.ge [sflag:s28], $0x2800  }
0x49: {  	[sflag:s28] =	ssyncset.done $0x0  }
0x4a: {  	[sflag:s28] =	ssyncadd.s32 $0xFFFFD800  }
0x4b: {  	[spmem:s24] =	stream.linear.scatter [tilespmem:s26], [sflag:$0x3], $0x2800, $0x38;
	[tilespmem:$0x1C880] =	vst v63  }
0x4c: {  	_ =	swait.ge [sflag:s28], $0x2800  }
0x4d: {  	[sflag:s28] =	ssyncset.done $0x0  }
0x4e: {  	[sflag:s28] =	ssyncadd.s32 $0xFFFFD800  }
0x4f: {  	[bflag:$0x0] =	sbarrier.arrive $0xFFFF  }
0x50: {  	s9 =	simm.s32 $0x0;
	s7 =	rddreg [dreg:$0x3]  }
0x51: {  	[tilespmem:s9], [sflag:$0x3] =	stream.linear.gather [hbm4b:s7+s9], $0x1F80, $0x38;
	[tilespmem:$0x1C880] =	vst v63  }
0x52: {  	_ =	swait.ge [sflag:s28], $0x1F80  }
0x53: {  	[sflag:s28] =	ssyncset.done $0x0  }
0x54: {  	s10 =	rddreg [dreg:$0x4];
	[sflag:s28] =	ssyncadd.s32 $0xFFFFE080  }
0x55: {  	[tilespmem:s29], [sflag:$0x3] =	stream.linear.gather [hbm4b:s10+s9], $0x1F80, $0x38;
	[tilespmem:$0x1C880] =	vst v63  }
0x56: {  	_ =	swait.ge [sflag:s28], $0x1F80  }
0x57: {  	[sflag:s28] =	ssyncset.done $0x0  }
0x58: {  	[sflag:s28] =	ssyncadd.s32 $0xFFFFE080  }
0x59: {  	[tilespmem:s26], [sflag:$0x1] =	stream.indirect.gather [hbm4b:s16+s30], $0x80, s9, s30, $0xb8;
	[tilespmem:$0x1C880] =	vst v63  }
0x5a: {  	_ =	swait.ge [sflag:s31], $0x2800  }
0x5b: {  	[sflag:s31] =	ssyncset.done $0x0  }
0x5c: {  	s7 =	simm.s32 $0x80;
	[sflag:s31] =	ssyncadd.s32 $0xFFFFD800  }
0x5d: {  	[tilespmem:s0], [sflag:$0x2] =	stream.indirect.gather [hbm4b:s16+s30], $0x80, s7, s30, $0xb8;
	[tilespmem:$0x1C880] =	vst v63  }
0x5e: {  	s8 =	simm.s32 $0x2000  }
0x5f: {  	[spmem:s1] =	stream.indirect.scatter.add.f32 [tilespmem:s26], [sflag:$0x3], $0x80, s8, s30, $0xb8;
	[tilespmem:$0x1C880] =	vst v63  }
0x60: {  	_ =	swait.ge [sflag:s28], $0x2800  }
0x61: {  	[sflag:s28] =	ssyncset.done $0x0  }
0x62: {  	s9 =	simm.s32 $0x100;
	[sflag:s28] =	ssyncadd.s32 $0xFFFFD800  }
0x63: {  	[tilespmem:s26], [sflag:$0x1] =	stream.indirect.gather [hbm4b:s16+s30], $0x80, s9, s30, $0xb8;
	[tilespmem:$0x1C880] =	vst v63  }
0x64: {  	_ =	swait.ge [sflag:s2], $0x2800  }
0x65: {  	[sflag:s2] =	ssyncset.done $0x0  }
0x66: {  	s10 =	simm.s32 $0x2080;
	[sflag:s2] =	ssyncadd.s32 $0xFFFFD800  }
0x67: {  	[spmem:s1] =	stream.indirect.scatter.add.f32 [tilespmem:s0], [sflag:$0x3], $0x80, s10, s30, $0xb8;
	[tilespmem:$0x1C880] =	vst v63  }
0x68: {  	_ =	swait.ge [sflag:s28], $0x2800  }
0x69: {  	[sflag:s28] =	ssyncset.done $0x0  }
0x6a: {  	[sflag:s28] =	ssyncadd.s32 $0xFFFFD800  }
0x6b: {  	_ =	swait.ge [sflag:s31], $0x2800  }
0x6c: {  	s6 =	simm.s32 $0x100;
	s7 =	simm.s32 $0x800;
	[sflag:s31] =	ssyncset.done $0x0  }
.LBB2_4:
0x6d: {  	s8 =	sadd.s32 $0x80, s6  }
0x6e: {  	[sflag:s31] =	ssyncadd.s32 $0xFFFFD800;
	s9 =	smov.u32 s7;
	s10 =	sadd.s32 $0x400, s7  }
0x6f: {  	[tilespmem:s0], [sflag:$0x2] =	stream.indirect.gather [hbm4b:s16+s30], $0x80, s8, s30, $0xb8;
	[tilespmem:$0x1C880] =	vst v63  }
0x70: {  	p0 =	sne.s32 s7, $0x7800;
	s7 =	sadd.s32 $0x2000, s6  }
0x71: {  	[spmem:s1] =	stream.indirect.scatter.add.f32 [tilespmem:s26], [sflag:$0x3], $0x80, s7, s30, $0xb8;
	[tilespmem:$0x1C880] =	vst v63  }
0x72: {  	_ =	swait.ge [sflag:s28], $0x2800  }
0x73: {  	[sflag:s28] =	ssyncset.done $0x0  }
0x74: {  	s7 =	sadd.s32 $0x100, s6;
	[sflag:s28] =	ssyncadd.s32 $0xFFFFD800  }
0x75: {  	[tilespmem:s26], [sflag:$0x1] =	stream.indirect.gather [hbm4b:s16+s30], $0x80, s7, s30, $0xb8;
	[tilespmem:$0x1C880] =	vst v63  }
0x76: {  	_ =	swait.ge [sflag:s2], $0x2800  }
0x77: {  	[sflag:s2] =	ssyncset.done $0x0  }
0x78: {  	s6 =	sadd.s32 $0x2080, s6;
	[sflag:s2] =	ssyncadd.s32 $0xFFFFD800  }
0x79: {  	[spmem:s1] =	stream.indirect.scatter.add.f32 [tilespmem:s0], [sflag:$0x3], $0x80, s6, s30, $0xb8;
	[tilespmem:$0x1C880] =	vst v63  }
.Ltmp1:
0x7a: {  	_ =	swait.ge [sflag:s28], $0x2800;
	(pc) =	sbr.rel @p0 .LBB2_4-.Ltmp1, $4  }
0x7b: {  	[sflag:s28] =	ssyncset.done $0x0  }
0x7c: {  	[sflag:s28] =	ssyncadd.s32 $0xFFFFD800  }
0x7d: {  	_ =	swait.ge [sflag:s31], $0x2800  }
0x7e: {  	s7 =	smov.u32 s10;
	s6 =	sshra.s32 s9, $0x2;
	[sflag:s31] =	ssyncset.done $0x0  }
0x7f: {  	s7 =	sadd.s32 $0x80, s6;
	[sflag:s31] =	ssyncadd.s32 $0xFFFFD800  }
0x80: {  	[tilespmem:s0], [sflag:$0x2] =	stream.indirect.gather [hbm4b:s16+s30], $0x80, s7, s30, $0xb8;
	[tilespmem:$0x1C880] =	vst v63  }
0x81: {  	s9 =	sadd.s32 $0x2000, s6  }
0x82: {  	[spmem:s1] =	stream.indirect.scatter.add.f32 [tilespmem:s26], [sflag:$0x3], $0x80, s9, s30, $0xb8;
	[tilespmem:$0x1C880] =	vst v63  }
0x83: {  	_ =	swait.ge [sflag:s28], $0x2800  }
0x84: {  	[sflag:s28] =	ssyncset.done $0x0  }
0x85: {  	s10 =	sadd.s32 $0x100, s6;
	[sflag:s28] =	ssyncadd.s32 $0xFFFFD800  }
0x86: {  	[tilespmem:s26], [sflag:$0x1] =	stream.indirect.gather [hbm4b:s16+s30], $0x80, s10, s30, $0xb8;
	[tilespmem:$0x1C880] =	vst v63  }
0x87: {  	_ =	swait.ge [sflag:s2], $0x2800  }
0x88: {  	[sflag:s2] =	ssyncset.done $0x0  }
0x89: {  	s7 =	sadd.s32 $0x2080, s6;
	[sflag:s2] =	ssyncadd.s32 $0xFFFFD800  }
0x8a: {  	[spmem:s1] =	stream.indirect.scatter.add.f32 [tilespmem:s0], [sflag:$0x3], $0x80, s7, s30, $0xb8;
	[tilespmem:$0x1C880] =	vst v63  }
0x8b: {  	_ =	swait.ge [sflag:s28], $0x2800  }
0x8c: {  	[sflag:s28] =	ssyncset.done $0x0  }
0x8d: {  	[sflag:s28] =	ssyncadd.s32 $0xFFFFD800  }
0x8e: {  	_ =	swait.ge [sflag:s31], $0x2800  }
0x8f: {  	[sflag:s31] =	ssyncset.done $0x0  }
0x90: {  	[sflag:s31] =	ssyncadd.s32 $0xFFFFD800  }
0x91: {  	[spmem:s1] =	stream.indirect.scatter.add.f32 [tilespmem:s26], [sflag:$0x3], $0x80, s4, s30, $0xb8;
	[tilespmem:$0x1C880] =	vst v63  }
0x92: {  	_ =	swait.ge [sflag:s28], $0x2800  }
0x93: {  	[sflag:s28] =	ssyncset.done $0x0  }
0x94: {  	s8 =	simm.s32 $0x0;
	s9 =	rddreg [dreg:$0x5];
	[sflag:s28] =	ssyncadd.s32 $0xFFFFD800  }
0x95: {  	[tilespmem:s8], [sflag:$0x3] =	stream.linear.gather [hbm4b:s9+s8], $0x1F80, $0x38;
	[tilespmem:$0x1C880] =	vst v63  }
0x96: {  	_ =	swait.ge [sflag:s28], $0x1F80  }
0x97: {  	[sflag:s28] =	ssyncset.done $0x0  }
0x98: {  	s10 =	rddreg [dreg:$0x6];
	[sflag:s28] =	ssyncadd.s32 $0xFFFFE080  }
0x99: {  	[tilespmem:s29], [sflag:$0x3] =	stream.linear.gather [hbm4b:s10+s8], $0x1F80, $0x38;
	[tilespmem:$0x1C880] =	vst v63  }
0x9a: {  	_ =	swait.ge [sflag:s28], $0x1F80  }
0x9b: {  	[sflag:s28] =	ssyncset.done $0x0  }
0x9c: {  	[sflag:s28] =	ssyncadd.s32 $0xFFFFE080  }
0x9d: {  	[tilespmem:s26], [sflag:$0x1] =	stream.indirect.gather [hbm4b:s16+s30], $0x80, s8, s30, $0xb8;
	[tilespmem:$0x1C880] =	vst v63  }
0x9e: {  	_ =	swait.ge [sflag:s31], $0x2800  }
0x9f: {  	[sflag:s31] =	ssyncset.done $0x0  }
0xa0: {  	s7 =	simm.s32 $0x80;
	[sflag:s31] =	ssyncadd.s32 $0xFFFFD800  }
0xa1: {  	[tilespmem:s0], [sflag:$0x2] =	stream.indirect.gather [hbm4b:s16+s30], $0x80, s7, s30, $0xb8;
	[tilespmem:$0x1C880] =	vst v63  }
0xa2: {  	s8 =	simm.s32 $0x2000  }
0xa3: {  	[spmem:s1] =	stream.indirect.scatter.add.f32 [tilespmem:s26], [sflag:$0x3], $0x80, s8, s30, $0xb8;
	[tilespmem:$0x1C880] =	vst v63  }
0xa4: {  	_ =	swait.ge [sflag:s28], $0x2800  }
0xa5: {  	[sflag:s28] =	ssyncset.done $0x0  }
0xa6: {  	s9 =	simm.s32 $0x100;
	[sflag:s28] =	ssyncadd.s32 $0xFFFFD800  }
0xa7: {  	[tilespmem:s26], [sflag:$0x1] =	stream.indirect.gather [hbm4b:s16+s30], $0x80, s9, s30, $0xb8;
	[tilespmem:$0x1C880] =	vst v63  }
0xa8: {  	_ =	swait.ge [sflag:s2], $0x2800  }
0xa9: {  	[sflag:s2] =	ssyncset.done $0x0  }
0xaa: {  	s10 =	simm.s32 $0x2080;
	[sflag:s2] =	ssyncadd.s32 $0xFFFFD800  }
0xab: {  	[spmem:s1] =	stream.indirect.scatter.add.f32 [tilespmem:s0], [sflag:$0x3], $0x80, s10, s30, $0xb8;
	[tilespmem:$0x1C880] =	vst v63  }
0xac: {  	_ =	swait.ge [sflag:s28], $0x2800  }
0xad: {  	[sflag:s28] =	ssyncset.done $0x0  }
0xae: {  	[sflag:s28] =	ssyncadd.s32 $0xFFFFD800  }
0xaf: {  	_ =	swait.ge [sflag:s31], $0x2800  }
0xb0: {  	s6 =	simm.s32 $0x100;
	s7 =	simm.s32 $0x800;
	[sflag:s31] =	ssyncset.done $0x0  }
.LBB2_6:
0xb1: {  	s8 =	sadd.s32 $0x80, s6  }
0xb2: {  	[sflag:s31] =	ssyncadd.s32 $0xFFFFD800;
	s9 =	smov.u32 s7;
	s10 =	sadd.s32 $0x400, s7  }
0xb3: {  	[tilespmem:s0], [sflag:$0x2] =	stream.indirect.gather [hbm4b:s16+s30], $0x80, s8, s30, $0xb8;
	[tilespmem:$0x1C880] =	vst v63  }
0xb4: {  	p0 =	sne.s32 s7, $0x7800;
	s7 =	sadd.s32 $0x2000, s6  }
0xb5: {  	[spmem:s1] =	stream.indirect.scatter.add.f32 [tilespmem:s26], [sflag:$0x3], $0x80, s7, s30, $0xb8;
	[tilespmem:$0x1C880] =	vst v63  }
0xb6: {  	_ =	swait.ge [sflag:s28], $0x2800  }
0xb7: {  	[sflag:s28] =	ssyncset.done $0x0  }
0xb8: {  	s7 =	sadd.s32 $0x100, s6;
	[sflag:s28] =	ssyncadd.s32 $0xFFFFD800  }
0xb9: {  	[tilespmem:s26], [sflag:$0x1] =	stream.indirect.gather [hbm4b:s16+s30], $0x80, s7, s30, $0xb8;
	[tilespmem:$0x1C880] =	vst v63  }
0xba: {  	_ =	swait.ge [sflag:s2], $0x2800  }
0xbb: {  	[sflag:s2] =	ssyncset.done $0x0  }
0xbc: {  	s6 =	sadd.s32 $0x2080, s6;
	[sflag:s2] =	ssyncadd.s32 $0xFFFFD800  }
0xbd: {  	[spmem:s1] =	stream.indirect.scatter.add.f32 [tilespmem:s0], [sflag:$0x3], $0x80, s6, s30, $0xb8;
	[tilespmem:$0x1C880] =	vst v63  }
.Ltmp2:
0xbe: {  	_ =	swait.ge [sflag:s28], $0x2800;
	(pc) =	sbr.rel @p0 .LBB2_6-.Ltmp2, $4  }
0xbf: {  	[sflag:s28] =	ssyncset.done $0x0  }
0xc0: {  	[sflag:s28] =	ssyncadd.s32 $0xFFFFD800  }
0xc1: {  	_ =	swait.ge [sflag:s31], $0x2800  }
0xc2: {  	s7 =	smov.u32 s10;
	s6 =	sshra.s32 s9, $0x2;
	[sflag:s31] =	ssyncset.done $0x0  }
0xc3: {  	s7 =	sadd.s32 $0x80, s6;
	[sflag:s31] =	ssyncadd.s32 $0xFFFFD800  }
0xc4: {  	[tilespmem:s0], [sflag:$0x2] =	stream.indirect.gather [hbm4b:s16+s30], $0x80, s7, s30, $0xb8;
	[tilespmem:$0x1C880] =	vst v63  }
0xc5: {  	s9 =	sadd.s32 $0x2000, s6  }
0xc6: {  	[spmem:s1] =	stream.indirect.scatter.add.f32 [tilespmem:s26], [sflag:$0x3], $0x80, s9, s30, $0xb8;
	[tilespmem:$0x1C880] =	vst v63  }
0xc7: {  	_ =	swait.ge [sflag:s28], $0x2800  }
0xc8: {  	[sflag:s28] =	ssyncset.done $0x0  }
0xc9: {  	s10 =	sadd.s32 $0x100, s6;
	[sflag:s28] =	ssyncadd.s32 $0xFFFFD800  }
0xca: {  	[tilespmem:s26], [sflag:$0x1] =	stream.indirect.gather [hbm4b:s16+s30], $0x80, s10, s30, $0xb8;
	[tilespmem:$0x1C880] =	vst v63  }
0xcb: {  	_ =	swait.ge [sflag:s2], $0x2800  }
0xcc: {  	[sflag:s2] =	ssyncset.done $0x0  }
0xcd: {  	s7 =	sadd.s32 $0x2080, s6;
	[sflag:s2] =	ssyncadd.s32 $0xFFFFD800  }
0xce: {  	[spmem:s1] =	stream.indirect.scatter.add.f32 [tilespmem:s0], [sflag:$0x3], $0x80, s7, s30, $0xb8;
	[tilespmem:$0x1C880] =	vst v63  }
0xcf: {  	_ =	swait.ge [sflag:s28], $0x2800  }
0xd0: {  	[sflag:s28] =	ssyncset.done $0x0  }
0xd1: {  	[sflag:s28] =	ssyncadd.s32 $0xFFFFD800  }
0xd2: {  	_ =	swait.ge [sflag:s31], $0x2800  }
0xd3: {  	[sflag:s31] =	ssyncset.done $0x0  }
0xd4: {  	[sflag:s31] =	ssyncadd.s32 $0xFFFFD800  }
0xd5: {  	[spmem:s1] =	stream.indirect.scatter.add.f32 [tilespmem:s26], [sflag:$0x3], $0x80, s4, s30, $0xb8;
	[tilespmem:$0x1C880] =	vst v63  }
0xd6: {  	_ =	swait.ge [sflag:s28], $0x2800  }
0xd7: {  	[sflag:s28] =	ssyncset.done $0x0  }
0xd8: {  	[sflag:s28] =	ssyncadd.s32 $0xFFFFD800  }
0xd9: {  	[bflag:$0x0] =	sbarrier.arrive $0xFFFF  }
0xda: {  	[tilespmem:s26], [sflag:$0x3] =	stream.linear.gather [spmem:s17], $0x2800, $0x38;
	[tilespmem:$0x1C880] =	vst v63  }
0xdb: {  	_ =	swait.ge [sflag:s28], $0x2800  }
0xdc: {  	[sflag:s28] =	ssyncset.done $0x0  }
0xdd: {  	s8 =	rddreg [dreg:$0x7];
	[sflag:s28] =	ssyncadd.s32 $0xFFFFD800  }
0xde: {  	[hbm4b:s8+s3] =	stream.linear.scatter [tilespmem:s26], [sflag:$0x3], $0x2800, $0x38;
	[tilespmem:$0x1C880] =	vst v63  }
0xdf: {  	_ =	swait.ge [sflag:s28], $0x2800  }
0xe0: {  	[sflag:s28] =	ssyncset.done $0x0  }
0xe1: {  	[sflag:s28] =	ssyncadd.s32 $0xFFFFD800  }
0xe2: {  	[tilespmem:s26], [sflag:$0x3] =	stream.linear.gather [spmem:s18], $0x2800, $0x38;
	[tilespmem:$0x1C880] =	vst v63  }
0xe3: {  	_ =	swait.ge [sflag:s28], $0x2800  }
0xe4: {  	[sflag:s28] =	ssyncset.done $0x0  }
0xe5: {  	s9 =	rddreg [dreg:$0x8];
	[sflag:s28] =	ssyncadd.s32 $0xFFFFD800  }
0xe6: {  	[hbm4b:s9+s3] =	stream.linear.scatter [tilespmem:s26], [sflag:$0x3], $0x2800, $0x38;
	[tilespmem:$0x1C880] =	vst v63  }
0xe7: {  	_ =	swait.ge [sflag:s28], $0x2800  }
0xe8: {  	[sflag:s28] =	ssyncset.done $0x0  }
0xe9: {  	[sflag:s28] =	ssyncadd.s32 $0xFFFFD800  }
0xea: {  	[tilespmem:s26], [sflag:$0x3] =	stream.linear.gather [spmem:s19], $0x2800, $0x38;
	[tilespmem:$0x1C880] =	vst v63  }
0xeb: {  	_ =	swait.ge [sflag:s28], $0x2800  }
0xec: {  	[sflag:s28] =	ssyncset.done $0x0  }
0xed: {  	s10 =	rddreg [dreg:$0x9];
	[sflag:s28] =	ssyncadd.s32 $0xFFFFD800  }
0xee: {  	[hbm4b:s10+s3] =	stream.linear.scatter [tilespmem:s26], [sflag:$0x3], $0x2800, $0x38;
	[tilespmem:$0x1C880] =	vst v63  }
0xef: {  	_ =	swait.ge [sflag:s28], $0x2800  }
0xf0: {  	[sflag:s28] =	ssyncset.done $0x0  }
0xf1: {  	[sflag:s28] =	ssyncadd.s32 $0xFFFFD800  }
0xf2: {  	[tilespmem:s26], [sflag:$0x3] =	stream.linear.gather [spmem:s20], $0x2800, $0x38;
	[tilespmem:$0x1C880] =	vst v63  }
0xf3: {  	_ =	swait.ge [sflag:s28], $0x2800  }
0xf4: {  	[sflag:s28] =	ssyncset.done $0x0  }
0xf5: {  	[sflag:s28] =	ssyncadd.s32 $0xFFFFD800  }
0xf6: {  	[hbm4b:s11+s3] =	stream.linear.scatter [tilespmem:s26], [sflag:$0x3], $0x2800, $0x38;
	[tilespmem:$0x1C880] =	vst v63  }
0xf7: {  	_ =	swait.ge [sflag:s28], $0x2800  }
0xf8: {  	[sflag:s28] =	ssyncset.done $0x0  }
0xf9: {  	[sflag:s28] =	ssyncadd.s32 $0xFFFFD800  }
0xfa: {  	[tilespmem:s26], [sflag:$0x3] =	stream.linear.gather [spmem:s21], $0x2800, $0x38;
	[tilespmem:$0x1C880] =	vst v63  }
0xfb: {  	_ =	swait.ge [sflag:s28], $0x2800  }
0xfc: {  	[sflag:s28] =	ssyncset.done $0x0  }
0xfd: {  	[sflag:s28] =	ssyncadd.s32 $0xFFFFD800  }
0xfe: {  	[hbm4b:s12+s3] =	stream.linear.scatter [tilespmem:s26], [sflag:$0x3], $0x2800, $0x38;
	[tilespmem:$0x1C880] =	vst v63  }
0xff: {  	_ =	swait.ge [sflag:s28], $0x2800  }
0x100: {  	[sflag:s28] =	ssyncset.done $0x0  }
0x101: {  	[sflag:s28] =	ssyncadd.s32 $0xFFFFD800  }
0x102: {  	[tilespmem:s26], [sflag:$0x3] =	stream.linear.gather [spmem:s22], $0x2800, $0x38;
	[tilespmem:$0x1C880] =	vst v63  }
0x103: {  	_ =	swait.ge [sflag:s28], $0x2800  }
0x104: {  	[sflag:s28] =	ssyncset.done $0x0  }
0x105: {  	[sflag:s28] =	ssyncadd.s32 $0xFFFFD800  }
0x106: {  	[hbm4b:s13+s3] =	stream.linear.scatter [tilespmem:s26], [sflag:$0x3], $0x2800, $0x38;
	[tilespmem:$0x1C880] =	vst v63  }
0x107: {  	_ =	swait.ge [sflag:s28], $0x2800  }
0x108: {  	[sflag:s28] =	ssyncset.done $0x0  }
0x109: {  	[sflag:s28] =	ssyncadd.s32 $0xFFFFD800  }
0x10a: {  	[tilespmem:s26], [sflag:$0x3] =	stream.linear.gather [spmem:s23], $0x2800, $0x38;
	[tilespmem:$0x1C880] =	vst v63  }
0x10b: {  	_ =	swait.ge [sflag:s28], $0x2800  }
0x10c: {  	[sflag:s28] =	ssyncset.done $0x0  }
0x10d: {  	[sflag:s28] =	ssyncadd.s32 $0xFFFFD800  }
0x10e: {  	[hbm4b:s14+s3] =	stream.linear.scatter [tilespmem:s26], [sflag:$0x3], $0x2800, $0x38;
	[tilespmem:$0x1C880] =	vst v63  }
0x10f: {  	_ =	swait.ge [sflag:s28], $0x2800  }
0x110: {  	[sflag:s28] =	ssyncset.done $0x0  }
0x111: {  	[sflag:s28] =	ssyncadd.s32 $0xFFFFD800  }
0x112: {  	[tilespmem:s26], [sflag:$0x3] =	stream.linear.gather [spmem:s24], $0x2800, $0x38;
	[tilespmem:$0x1C880] =	vst v63  }
0x113: {  	s5 =	sadd.s32 $0x1, s5;
	_ =	swait.ge [sflag:s28], $0x2800  }
0x114: {  	p0 =	sne.s32 s5, s25;
	[sflag:s28] =	ssyncset.done $0x0  }
.Ltmp3:
0x115: {  	[sflag:s28] =	ssyncadd.s32 $0xFFFFD800;
	(pc) =	sbr.rel @p0 .LBB2_1-.Ltmp3, $4  }
0x116: {  	[hbm4b:s15+s3] =	stream.linear.scatter [tilespmem:s26], [sflag:$0x3], $0x2800, $0x38;
	[tilespmem:$0x1C880] =	vst v63  }
0x117: {  	_ =	swait.ge [sflag:s28], $0x2800  }
0x118: {  	[sflag:s28] =	ssyncset.done $0x0  }
0x119: {  	[sflag:s28] =	ssyncadd.s32 $0xFFFFD800  }
0x11a: {  	_ =	sfence.sel $0x180000  }
0x11b: {  	[bflag:$0x0] =	sbarrier.arrive $0xFFFF  }
0x11c: {  	_ =	strace $0x90000047  }
0x11d: {  	s0 =	stileid.u32;
	[bflag:$0x2] =	sbarrier.arrive $0xFFFF  }
0x11e: {  	p0 =	sne.s32 s0, $0x0;
	s0 =	rddreg [dreg:$0x2]  }
0x11f: {  	s0 =	sadd.s32 @!p0 $0x100000, s0  }
0x120: {  	[sflag:s0] =	ssyncadd.tile.s32 @!p0 $0x1;
	_ =	shalt  }
.Lfunc_end2:
_tile_overlayer_lowered:
.L_overlay_start_2:
0x121: {  	(tag) =	ssettag $0x2  }
0x122: {  	s0 =	rddreg [dreg:$0x0];
	s2 =	stileid.u32  }
0x123: {  	s1 =	rddreg [dreg:$0x1];
	p0 =	sne.s32 s2, $0x0  }
0x124: {  	s3 =	rddreg [dreg:$0x2];
	[bflag:$0x3] =	sbarrier.arrive $0xFFFF;
	s2 =	simm.s32 @!p0 $0x1C03  }
0x125: {  	[timem:s3], [sflag:s2] =	dma.local @!p0 [hbm:s0], s1  }
0x126: {  	s0 =	simm.s32 @!p0 $0x3  }
0x127: {  	_ =	swait.ge @!p0 [sflag:s0], s1  }
0x128: {  	s1 =	ssub.s32 @!p0 $0x0, s1;
	[sflag:s0] =	ssyncset.done @!p0 $0x0  }
0x129: {  	[sflag:s0] =	ssyncadd.s32 @!p0 s1  }
0x12a: {  	[bflag:$0x3] =	sbarrier.arrive $0xFFFF  }
0x12b: {  	_ =	shalt  }

</sc_bundles>
